<compile_context>
chip_gen: v7x
topology: tpu7x:2x2x1
jax: 0.10.2.dev20260603
libtpu: 0.0.44.dev20260713+nightly
codegen_flags: <defaults>
</compile_context>

<pallas_src>
import functools

import jax
import jax.numpy as jnp
from jax import lax
from jax.experimental import pallas as pl
from jax.experimental.pallas import tpu as pltpu
from jax.experimental.pallas import tpu_sc as plsc

_BQ = 128
_S = 16
_K = 10
_BIG_I = 2**30
_BIG_F = 1e30


def _knn_kernel(q_ref, s_ref, dist_ref, idx_ref, c_ref, *, ns):
    q = q_ref[...]
    s = s_ref[...]
    sx = s[0:3, :]
    sn = s[3:6, :]
    r_s = jnp.sum(sx * sx, axis=0, keepdims=True)
    c_ref[...] = jnp.sum(sn * sx, axis=0, keepdims=True)

    lane_mask = (lax.broadcasted_iota(jnp.int32, (1, 8), 1) < 3)
    q_xyz8 = jnp.where(lane_mask, q, 0.0)
    r_q = jnp.sum(q_xyz8 * q_xyz8, axis=1, keepdims=True)

    mm = lax.dot_general(
        q_xyz8 * -2.0, s, (((1,), (0,)), ((), ())),
        preferred_element_type=jnp.float32,
        precision=lax.Precision.DEFAULT)
    d2 = (r_q + mm) + r_s

    w = ns // _S
    d3 = d2.reshape(_BQ, _S, w)
    jio = lax.broadcasted_iota(jnp.int32, (_BQ, _S, w), 1)
    lio = lax.broadcasted_iota(jnp.int32, (_BQ, w), 1)

    tiers = []
    cur = d3
    for _ in range(4):
        gm = jnp.min(cur, axis=1)
        gj = jnp.min(jnp.where(cur == gm[:, None, :], jio, _S),
                     axis=1)
        tiers.append((gm, gj * w + lio))
        cur = jnp.where(jio == gj[:, None, :], _BIG_F, cur)
    (gm1, gf1), (gm2, gf2), (gm3, gf3), (gm4, gf4) = tiers

    idx_cols = []
    d0 = None
    for t in range(_K):
        m = jnp.min(gm1, axis=1, keepdims=True)
        ct = jnp.min(jnp.where(gm1 == m, gf1, _BIG_I),
                     axis=1, keepdims=True)
        idx_cols.append(ct)
        if t == 0:
            d0 = m
        if t < _K - 1:
            sel = lio == (ct & (w - 1))
            gm1 = jnp.where(sel, gm2, gm1)
            gf1 = jnp.where(sel, gf2, gf1)
            gm2 = jnp.where(sel, gm3, gm2)
            gf2 = jnp.where(sel, gf3, gf2)
            gm3 = jnp.where(sel, gm4, gm3)
            gf3 = jnp.where(sel, gf4, gf3)
            gm4 = jnp.where(sel, _BIG_F, gm4)
            gf4 = jnp.where(sel, _BIG_I, gf4)

    dist_ref[...] = jnp.sqrt(jnp.maximum(d0, 1e-12))
    idx_ref[...] = jnp.concatenate(idx_cols, axis=1)


def _sc_sign_kernel(nx_hbm, ny_hbm, nz_hbm, c_hbm, idxf_hbm, qx_hbm,
                    qy_hbm, qz_hbm, dist_hbm, out_hbm,
                    nx_v, ny_v, nz_v, c_v, idx_v, qx_v, qy_v, qz_v,
                    dist_v, out_v, *, nc, nw, nq):
    qpw = nq // nw
    wid = lax.axis_index("s") * nc + lax.axis_index("c")
    base = wid * qpw

    pltpu.sync_copy(nx_hbm, nx_v)
    pltpu.sync_copy(ny_hbm, ny_v)
    pltpu.sync_copy(nz_hbm, nz_v)
    pltpu.sync_copy(c_hbm, c_v)
    for j in range(_K):
        pltpu.sync_copy(idxf_hbm.at[pl.ds(j * nq + base, qpw)],
                        idx_v.at[pl.ds(j * qpw, qpw)])
    pltpu.sync_copy(qx_hbm.at[pl.ds(base, qpw)], qx_v)
    pltpu.sync_copy(qy_hbm.at[pl.ds(base, qpw)], qy_v)
    pltpu.sync_copy(qz_hbm.at[pl.ds(base, qpw)], qz_v)
    pltpu.sync_copy(dist_hbm.at[pl.ds(base, qpw)], dist_v)

    for i in range(qpw // 16):
        sl = pl.ds(i * 16, 16)
        qx = qx_v[sl]
        qy = qy_v[sl]
        qz = qz_v[sl]
        count = jnp.zeros((16,), jnp.int32)
        for j in range(_K):
            iv = idx_v[pl.ds(j * qpw + i * 16, 16)]
            gnx = plsc.load_gather(nx_v, [iv])
            gny = plsc.load_gather(ny_v, [iv])
            gnz = plsc.load_gather(nz_v, [iv])
            gc = plsc.load_gather(c_v, [iv])
            val = gc - (gnx * qx + gny * qy + gnz * qz)
            count = count + jnp.where(val > 0.0, 1, 0)
        dist = dist_v[sl]
        signed = jnp.where(count > 8, -dist, dist)
        out_v[sl] = jnp.minimum(qz, signed)
    pltpu.sync_copy(out_v, out_hbm.at[pl.ds(base, qpw)])


@jax.jit
def _run(points_a, points_b):
    ns = points_a.shape[0]
    nq = points_b.shape[0]
    s = jnp.zeros((8, ns), jnp.float32).at[0:6, :].set(points_a.T)
    q = jnp.zeros((nq, 8), jnp.float32).at[:, 0:6].set(points_b)
    grid = nq // _BQ
    dist, idx, c_row = pl.pallas_call(
        functools.partial(_knn_kernel, ns=ns),
        grid=(grid,),
        in_specs=[
            pl.BlockSpec((_BQ, 8), lambda i: (i, 0)),
            pl.BlockSpec((8, ns), lambda i: (0, 0)),
        ],
        out_specs=[
            pl.BlockSpec((_BQ, 1), lambda i: (i, 0)),
            pl.BlockSpec((_BQ, _K), lambda i: (i, 0)),
            pl.BlockSpec((1, ns), lambda i: (0, 0)),
        ],
        out_shape=[
            jax.ShapeDtypeStruct((nq, 1), jnp.float32),
            jax.ShapeDtypeStruct((nq, _K), jnp.int32),
            jax.ShapeDtypeStruct((1, ns), jnp.float32),
        ],
        compiler_params=pltpu.CompilerParams(
            dimension_semantics=("parallel",)),
    )(q, s)

    info = plsc.get_sparse_core_info()
    nw = info.num_cores * info.num_subcores
    qpw = nq // nw
    idx_f = idx.T.reshape(-1)
    mesh = plsc.VectorSubcoreMesh(core_axis_name="c", subcore_axis_name="s")
    sc = pl.kernel(
        functools.partial(_sc_sign_kernel, nc=info.num_cores, nw=nw, nq=nq),
        mesh=mesh,
        out_type=jax.ShapeDtypeStruct((nq,), jnp.float32),
        scratch_types=[
            pltpu.VMEM((ns,), jnp.float32),
            pltpu.VMEM((ns,), jnp.float32),
            pltpu.VMEM((ns,), jnp.float32),
            pltpu.VMEM((ns,), jnp.float32),
            pltpu.VMEM((_K * qpw,), jnp.int32),
            pltpu.VMEM((qpw,), jnp.float32),
            pltpu.VMEM((qpw,), jnp.float32),
            pltpu.VMEM((qpw,), jnp.float32),
            pltpu.VMEM((qpw,), jnp.float32),
            pltpu.VMEM((qpw,), jnp.float32),
        ],
        compiler_params=pltpu.CompilerParams(needs_layout_passes=False),
    )
    signed = sc(points_a[:, 3], points_a[:, 4], points_a[:, 5],
                c_row.reshape(ns), idx_f,
                points_b[:, 0], points_b[:, 1], points_b[:, 2],
                dist[:, 0])
    return signed, idx


def kernel(points_a, points_b, k):
    del k
    return _run(points_a, points_b)

# --- scband reference (transcript-rebuilt; emitter-appended) ---
"""Pipeline reference for scband-optimization-model-89446988906978 (READ-ONLY COPY).

The authoritative reference and input builder live on the scoring server;
editing this copy changes nothing except your own understanding.
"""

import jax, jax.numpy as jnp
import numpy as np


def square_distance(pcd1, pcd2):
    r_xyz1 = jnp.sum(pcd1 * pcd1, axis=2, keepdims=True)
    r_xyz2 = jnp.sum(pcd2 * pcd2, axis=2, keepdims=True)
    mul = jnp.matmul(pcd1, jnp.transpose(pcd2, (0, 2, 1)))
    return r_xyz1 - 2 * mul + jnp.transpose(r_xyz2, (0, 2, 1))


def setup_inputs(seed: int = 0) -> dict:
    key = jax.random.key(seed)
    k1, k2 = jax.random.split(key)
    points_a = jax.random.normal(k1, (16384, 6), dtype=jnp.float32)
    points_b = jax.random.normal(k2, (4096, 6), dtype=jnp.float32)
    return {"points_a": points_a, "points_b": points_b, "k": 10}


def reference(points_a, points_b, k):
    # points_a: source object point cloud [Ns, 6] (xyz + normal)
    # points_b: query object point cloud  [Nq, 6] (xyz + normal)
    K = 10
    src_xyz = points_a[:, :3]
    src_nrm = points_a[:, 3:6]
    src_nrm = src_nrm / (jnp.linalg.norm(src_nrm, axis=-1, keepdims=True) + 1e-9)
    query_xyz = points_b[:, :3]

    # tra.nearest_neighbor(source[None], query[None], k): brute-force kNN
    d2 = square_distance(query_xyz[None, ...], src_xyz[None, ...])[0]  # [Nq, Ns]
    neg_d2, idx = jax.lax.top_k(-d2, K)                                 # [Nq, k]
    dist = jnp.sqrt(jnp.clip(-neg_d2, 1e-12, None))                    # [Nq, k]

    # near = targets_in_plane[o][idx]  -> gather xyz+normals of nearest pts
    targets = jnp.concatenate([src_xyz, src_nrm], axis=-1)             # [Ns, 6]
    near = jnp.take(targets, idx, axis=0)                              # [Nq, k, 6]

    surface_normals = near[..., 3:6]
    gradients = near[..., :3] - query_xyz[:, None, :]
    gradients = gradients / (jnp.linalg.norm(gradients, axis=-1, keepdims=True) + 1e-9)

    insides = jnp.einsum('qki,qki->qk', surface_normals, gradients) > 0
    inside = jnp.sum(insides, axis=1) > k * 0.8

    distance = dist[:, 0]
    distance = jnp.where(inside, -distance, distance)

    # combine with plane signed distance (z coord in plane frame) via min, as in signed_dis
    plane_sd = query_xyz[:, 2]
    signed_distance = jnp.minimum(plane_sd, distance)
    return (signed_distance, idx)

if __name__ == "__main__":
    import jax
    _d = setup_inputs()
    print(jax.jit(kernel)(*tuple(_d.values())))

</pallas_src>

<mosaic_0001>
#map = affine_map<(d0, d1) -> (0)>
module attributes {stable_mosaic.version = 14 : i64} {
  func.func @_sc_sign_kernel(%arg0: i32, %arg1: i32, %arg2: memref<16384xf32, #tpu.memory_space<hbm>>, %arg3: memref<16384xf32, #tpu.memory_space<hbm>>, %arg4: memref<16384xf32, #tpu.memory_space<hbm>>, %arg5: memref<16384xf32, #tpu.memory_space<hbm>>, %arg6: memref<40960xi32, #tpu.memory_space<hbm>>, %arg7: memref<4096xf32, #tpu.memory_space<hbm>>, %arg8: memref<4096xf32, #tpu.memory_space<hbm>>, %arg9: memref<4096xf32, #tpu.memory_space<hbm>>, %arg10: memref<4096xf32, #tpu.memory_space<hbm>>, %arg11: memref<4096xf32, #tpu.memory_space<hbm>>, %arg12: memref<16384xf32, #tpu.memory_space<vmem>>, %arg13: memref<16384xf32, #tpu.memory_space<vmem>>, %arg14: memref<16384xf32, #tpu.memory_space<vmem>>, %arg15: memref<16384xf32, #tpu.memory_space<vmem>>, %arg16: memref<1280xi32, #tpu.memory_space<vmem>>, %arg17: memref<128xf32, #tpu.memory_space<vmem>>, %arg18: memref<128xf32, #tpu.memory_space<vmem>>, %arg19: memref<128xf32, #tpu.memory_space<vmem>>, %arg20: memref<128xf32, #tpu.memory_space<vmem>>, %arg21: memref<128xf32, #tpu.memory_space<vmem>>) attributes {dimension_semantics = [#tpu.dimension_semantics<core_parallel>, #tpu.dimension_semantics<subcore_parallel>], iteration_bounds = array<i64: 2, 16>, scalar_prefetch = 0 : i64, scratch_operands = 10 : i64, tpu.core_type = #tpu.core_type<sc_vector_subcore>, window_params = [{transform_indices = #map}, {transform_indices = #map}, {transform_indices = #map}, {transform_indices = #map}, {transform_indices = #map}, {transform_indices = #map}, {transform_indices = #map}, {transform_indices = #map}, {transform_indices = #map}, {transform_indices = #map}]} {
    %mul3A = arith.constant 2 : i32
    %mul3A_0 = arith.muli %arg1, %mul3A : i32
    %add3A = arith.addi %mul3A_0, %arg0 : i32
    %mul3A_1 = arith.constant 128 : i32
    %mul3A_2 = arith.muli %add3A, %mul3A_1 : i32
    "tpu.region"() ({
      %run_scoped3A = tpu.sem_alloc : memref<!tpu.dma_semaphore, #tpu.memory_space<semaphore_mem>>
      tpu.enqueue_dma source(%arg2 : memref<16384xf32, #tpu.memory_space<hbm>>) target(%arg12 : memref<16384xf32, #tpu.memory_space<vmem>>) target_semaphore(%run_scoped3A : memref<!tpu.dma_semaphore, #tpu.memory_space<semaphore_mem>>)
      tpu.wait_dma2 semaphore(%run_scoped3A : memref<!tpu.dma_semaphore, #tpu.memory_space<semaphore_mem>>) src(%arg2 : memref<16384xf32, #tpu.memory_space<hbm>>) dst(%arg12 : memref<16384xf32, #tpu.memory_space<vmem>>)
      tpu.yield
    }) : () -> ()
    "tpu.region"() ({
      %run_scoped3A = tpu.sem_alloc : memref<!tpu.dma_semaphore, #tpu.memory_space<semaphore_mem>>
      tpu.enqueue_dma source(%arg3 : memref<16384xf32, #tpu.memory_space<hbm>>) target(%arg13 : memref<16384xf32, #tpu.memory_space<vmem>>) target_semaphore(%run_scoped3A : memref<!tpu.dma_semaphore, #tpu.memory_space<semaphore_mem>>)
      tpu.wait_dma2 semaphore(%run_scoped3A : memref<!tpu.dma_semaphore, #tpu.memory_space<semaphore_mem>>) src(%arg3 : memref<16384xf32, #tpu.memory_space<hbm>>) dst(%arg13 : memref<16384xf32, #tpu.memory_space<vmem>>)
      tpu.yield
    }) : () -> ()
    "tpu.region"() ({
      %run_scoped3A = tpu.sem_alloc : memref<!tpu.dma_semaphore, #tpu.memory_space<semaphore_mem>>
      tpu.enqueue_dma source(%arg4 : memref<16384xf32, #tpu.memory_space<hbm>>) target(%arg14 : memref<16384xf32, #tpu.memory_space<vmem>>) target_semaphore(%run_scoped3A : memref<!tpu.dma_semaphore, #tpu.memory_space<semaphore_mem>>)
      tpu.wait_dma2 semaphore(%run_scoped3A : memref<!tpu.dma_semaphore, #tpu.memory_space<semaphore_mem>>) src(%arg4 : memref<16384xf32, #tpu.memory_space<hbm>>) dst(%arg14 : memref<16384xf32, #tpu.memory_space<vmem>>)
      tpu.yield
    }) : () -> ()
    "tpu.region"() ({
      %run_scoped3A = tpu.sem_alloc : memref<!tpu.dma_semaphore, #tpu.memory_space<semaphore_mem>>
      tpu.enqueue_dma source(%arg5 : memref<16384xf32, #tpu.memory_space<hbm>>) target(%arg15 : memref<16384xf32, #tpu.memory_space<vmem>>) target_semaphore(%run_scoped3A : memref<!tpu.dma_semaphore, #tpu.memory_space<semaphore_mem>>)
      tpu.wait_dma2 semaphore(%run_scoped3A : memref<!tpu.dma_semaphore, #tpu.memory_space<semaphore_mem>>) src(%arg5 : memref<16384xf32, #tpu.memory_space<hbm>>) dst(%arg15 : memref<16384xf32, #tpu.memory_space<vmem>>)
      tpu.yield
    }) : () -> ()
    %add3A_3 = arith.constant 0 : i32
    %add3A_4 = arith.addi %add3A_3, %mul3A_2 : i32
    "tpu.region"() ({
      %run_scoped3A = tpu.sem_alloc : memref<!tpu.dma_semaphore, #tpu.memory_space<semaphore_mem>>
      %dma_start3A = arith.constant 0 : i32
      %dma_start3A_1853 = tpu.memref_slice %arg16[%dma_start3A] : memref<1280xi32, #tpu.memory_space<vmem>> -> memref<128xi32, #tpu.memory_space<vmem>>
      %dma_start3A_1854 = tpu.memref_slice %arg6[%add3A_4] : memref<40960xi32, #tpu.memory_space<hbm>> -> memref<128xi32, #tpu.memory_space<hbm>>
      %dma_start3A_1855 = arith.constant 0 : i32
      %dma_start3A_1856 = tpu.memref_slice %arg16[%dma_start3A_1855] : memref<1280xi32, #tpu.memory_space<vmem>> -> memref<128xi32, #tpu.memory_space<vmem>>
      %dma_start3A_1857 = tpu.memref_slice %arg6[%add3A_4] : memref<40960xi32, #tpu.memory_space<hbm>> -> memref<128xi32, #tpu.memory_space<hbm>>
      tpu.enqueue_dma source(%dma_start3A_1857 : memref<128xi32, #tpu.memory_space<hbm>>) target(%dma_start3A_1856 : memref<128xi32, #tpu.memory_space<vmem>>) target_semaphore(%run_scoped3A : memref<!tpu.dma_semaphore, #tpu.memory_space<semaphore_mem>>)
      %dma_wait3A = arith.constant 0 : i32
      %dma_wait3A_1858 = tpu.memref_slice %arg16[%dma_wait3A] : memref<1280xi32, #tpu.memory_space<vmem>> -> memref<128xi32, #tpu.memory_space<vmem>>
      %dma_wait3A_1859 = tpu.memref_slice %arg6[%add3A_4] : memref<40960xi32, #tpu.memory_space<hbm>> -> memref<128xi32, #tpu.memory_space<hbm>>
      %dma_wait3A_1860 = arith.constant 0 : i32
      %dma_wait3A_1861 = tpu.memref_slice %arg16[%dma_wait3A_1860] : memref<1280xi32, #tpu.memory_space<vmem>> -> memref<128xi32, #tpu.memory_space<vmem>>
      %dma_wait3A_1862 = tpu.memref_slice %arg6[%add3A_4] : memref<40960xi32, #tpu.memory_space<hbm>> -> memref<128xi32, #tpu.memory_space<hbm>>
      tpu.wait_dma2 semaphore(%run_scoped3A : memref<!tpu.dma_semaphore, #tpu.memory_space<semaphore_mem>>) src(%dma_wait3A_1862 : memref<128xi32, #tpu.memory_space<hbm>>) dst(%dma_wait3A_1861 : memref<128xi32, #tpu.memory_space<vmem>>)
      tpu.yield
    }) : () -> ()
    %add3A_5 = arith.constant 4096 : i32
    %add3A_6 = arith.addi %add3A_5, %mul3A_2 : i32
    "tpu.region"() ({
      %run_scoped3A = tpu.sem_alloc : memref<!tpu.dma_semaphore, #tpu.memory_space<semaphore_mem>>
      %dma_start3A = arith.constant 128 : i32
      %dma_start3A_1853 = tpu.memref_slice %arg16[%dma_start3A] : memref<1280xi32, #tpu.memory_space<vmem>> -> memref<128xi32, #tpu.memory_space<vmem>>
      %dma_start3A_1854 = tpu.memref_slice %arg6[%add3A_6] : memref<40960xi32, #tpu.memory_space<hbm>> -> memref<128xi32, #tpu.memory_space<hbm>>
      %dma_start3A_1855 = arith.constant 128 : i32
      %dma_start3A_1856 = tpu.memref_slice %arg16[%dma_start3A_1855] : memref<1280xi32, #tpu.memory_space<vmem>> -> memref<128xi32, #tpu.memory_space<vmem>>
      %dma_start3A_1857 = tpu.memref_slice %arg6[%add3A_6] : memref<40960xi32, #tpu.memory_space<hbm>> -> memref<128xi32, #tpu.memory_space<hbm>>
      tpu.enqueue_dma source(%dma_start3A_1857 : memref<128xi32, #tpu.memory_space<hbm>>) target(%dma_start3A_1856 : memref<128xi32, #tpu.memory_space<vmem>>) target_semaphore(%run_scoped3A : memref<!tpu.dma_semaphore, #tpu.memory_space<semaphore_mem>>)
      %dma_wait3A = arith.constant 128 : i32
      %dma_wait3A_1858 = tpu.memref_slice %arg16[%dma_wait3A] : memref<1280xi32, #tpu.memory_space<vmem>> -> memref<128xi32, #tpu.memory_space<vmem>>
      %dma_wait3A_1859 = tpu.memref_slice %arg6[%add3A_6] : memref<40960xi32, #tpu.memory_space<hbm>> -> memref<128xi32, #tpu.memory_space<hbm>>
      %dma_wait3A_1860 = arith.constant 128 : i32
      %dma_wait3A_1861 = tpu.memref_slice %arg16[%dma_wait3A_1860] : memref<1280xi32, #tpu.memory_space<vmem>> -> memref<128xi32, #tpu.memory_space<vmem>>
      %dma_wait3A_1862 = tpu.memref_slice %arg6[%add3A_6] : memref<40960xi32, #tpu.memory_space<hbm>> -> memref<128xi32, #tpu.memory_space<hbm>>
      tpu.wait_dma2 semaphore(%run_scoped3A : memref<!tpu.dma_semaphore, #tpu.memory_space<semaphore_mem>>) src(%dma_wait3A_1862 : memref<128xi32, #tpu.memory_space<hbm>>) dst(%dma_wait3A_1861 : memref<128xi32, #tpu.memory_space<vmem>>)
      tpu.yield
    }) : () -> ()
    %add3A_7 = arith.constant 8192 : i32
    %add3A_8 = arith.addi %add3A_7, %mul3A_2 : i32
    "tpu.region"() ({
      %run_scoped3A = tpu.sem_alloc : memref<!tpu.dma_semaphore, #tpu.memory_space<semaphore_mem>>
      %dma_start3A = arith.constant 256 : i32
      %dma_start3A_1853 = tpu.memref_slice %arg16[%dma_start3A] : memref<1280xi32, #tpu.memory_space<vmem>> -> memref<128xi32, #tpu.memory_space<vmem>>
      %dma_start3A_1854 = tpu.memref_slice %arg6[%add3A_8] : memref<40960xi32, #tpu.memory_space<hbm>> -> memref<128xi32, #tpu.memory_space<hbm>>
      %dma_start3A_1855 = arith.constant 256 : i32
      %dma_start3A_1856 = tpu.memref_slice %arg16[%dma_start3A_1855] : memref<1280xi32, #tpu.memory_space<vmem>> -> memref<128xi32, #tpu.memory_space<vmem>>
      %dma_start3A_1857 = tpu.memref_slice %arg6[%add3A_8] : memref<40960xi32, #tpu.memory_space<hbm>> -> memref<128xi32, #tpu.memory_space<hbm>>
      tpu.enqueue_dma source(%dma_start3A_1857 : memref<128xi32, #tpu.memory_space<hbm>>) target(%dma_start3A_1856 : memref<128xi32, #tpu.memory_space<vmem>>) target_semaphore(%run_scoped3A : memref<!tpu.dma_semaphore, #tpu.memory_space<semaphore_mem>>)
      %dma_wait3A = arith.constant 256 : i32
      %dma_wait3A_1858 = tpu.memref_slice %arg16[%dma_wait3A] : memref<1280xi32, #tpu.memory_space<vmem>> -> memref<128xi32, #tpu.memory_space<vmem>>
      %dma_wait3A_1859 = tpu.memref_slice %arg6[%add3A_8] : memref<40960xi32, #tpu.memory_space<hbm>> -> memref<128xi32, #tpu.memory_space<hbm>>
      %dma_wait3A_1860 = arith.constant 256 : i32
      %dma_wait3A_1861 = tpu.memref_slice %arg16[%dma_wait3A_1860] : memref<1280xi32, #tpu.memory_space<vmem>> -> memref<128xi32, #tpu.memory_space<vmem>>
      %dma_wait3A_1862 = tpu.memref_slice %arg6[%add3A_8] : memref<40960xi32, #tpu.memory_space<hbm>> -> memref<128xi32, #tpu.memory_space<hbm>>
      tpu.wait_dma2 semaphore(%run_scoped3A : memref<!tpu.dma_semaphore, #tpu.memory_space<semaphore_mem>>) src(%dma_wait3A_1862 : memref<128xi32, #tpu.memory_space<hbm>>) dst(%dma_wait3A_1861 : memref<128xi32, #tpu.memory_space<vmem>>)
      tpu.yield
    }) : () -> ()
    %add3A_9 = arith.constant 12288 : i32
    %add3A_10 = arith.addi %add3A_9, %mul3A_2 : i32
    "tpu.region"() ({
      %run_scoped3A = tpu.sem_alloc : memref<!tpu.dma_semaphore, #tpu.memory_space<semaphore_mem>>
      %dma_start3A = arith.constant 384 : i32
      %dma_start3A_1853 = tpu.memref_slice %arg16[%dma_start3A] : memref<1280xi32, #tpu.memory_space<vmem>> -> memref<128xi32, #tpu.memory_space<vmem>>
      %dma_start3A_1854 = tpu.memref_slice %arg6[%add3A_10] : memref<40960xi32, #tpu.memory_space<hbm>> -> memref<128xi32, #tpu.memory_space<hbm>>
      %dma_start3A_1855 = arith.constant 384 : i32
      %dma_start3A_1856 = tpu.memref_slice %arg16[%dma_start3A_1855] : memref<1280xi32, #tpu.memory_space<vmem>> -> memref<128xi32, #tpu.memory_space<vmem>>
      %dma_start3A_1857 = tpu.memref_slice %arg6[%add3A_10] : memref<40960xi32, #tpu.memory_space<hbm>> -> memref<128xi32, #tpu.memory_space<hbm>>
      tpu.enqueue_dma source(%dma_start3A_1857 : memref<128xi32, #tpu.memory_space<hbm>>) target(%dma_start3A_1856 : memref<128xi32, #tpu.memory_space<vmem>>) target_semaphore(%run_scoped3A : memref<!tpu.dma_semaphore, #tpu.memory_space<semaphore_mem>>)
      %dma_wait3A = arith.constant 384 : i32
      %dma_wait3A_1858 = tpu.memref_slice %arg16[%dma_wait3A] : memref<1280xi32, #tpu.memory_space<vmem>> -> memref<128xi32, #tpu.memory_space<vmem>>
      %dma_wait3A_1859 = tpu.memref_slice %arg6[%add3A_10] : memref<40960xi32, #tpu.memory_space<hbm>> -> memref<128xi32, #tpu.memory_space<hbm>>
      %dma_wait3A_1860 = arith.constant 384 : i32
      %dma_wait3A_1861 = tpu.memref_slice %arg16[%dma_wait3A_1860] : memref<1280xi32, #tpu.memory_space<vmem>> -> memref<128xi32, #tpu.memory_space<vmem>>
      %dma_wait3A_1862 = tpu.memref_slice %arg6[%add3A_10] : memref<40960xi32, #tpu.memory_space<hbm>> -> memref<128xi32, #tpu.memory_space<hbm>>
      tpu.wait_dma2 semaphore(%run_scoped3A : memref<!tpu.dma_semaphore, #tpu.memory_space<semaphore_mem>>) src(%dma_wait3A_1862 : memref<128xi32, #tpu.memory_space<hbm>>) dst(%dma_wait3A_1861 : memref<128xi32, #tpu.memory_space<vmem>>)
      tpu.yield
    }) : () -> ()
    %add3A_11 = arith.constant 16384 : i32
    %add3A_12 = arith.addi %add3A_11, %mul3A_2 : i32
    "tpu.region"() ({
      %run_scoped3A = tpu.sem_alloc : memref<!tpu.dma_semaphore, #tpu.memory_space<semaphore_mem>>
      %dma_start3A = arith.constant 512 : i32
      %dma_start3A_1853 = tpu.memref_slice %arg16[%dma_start3A] : memref<1280xi32, #tpu.memory_space<vmem>> -> memref<128xi32, #tpu.memory_space<vmem>>
      %dma_start3A_1854 = tpu.memref_slice %arg6[%add3A_12] : memref<40960xi32, #tpu.memory_space<hbm>> -> memref<128xi32, #tpu.memory_space<hbm>>
      %dma_start3A_1855 = arith.constant 512 : i32
      %dma_start3A_1856 = tpu.memref_slice %arg16[%dma_start3A_1855] : memref<1280xi32, #tpu.memory_space<vmem>> -> memref<128xi32, #tpu.memory_space<vmem>>
      %dma_start3A_1857 = tpu.memref_slice %arg6[%add3A_12] : memref<40960xi32, #tpu.memory_space<hbm>> -> memref<128xi32, #tpu.memory_space<hbm>>
      tpu.enqueue_dma source(%dma_start3A_1857 : memref<128xi32, #tpu.memory_space<hbm>>) target(%dma_start3A_1856 : memref<128xi32, #tpu.memory_space<vmem>>) target_semaphore(%run_scoped3A : memref<!tpu.dma_semaphore, #tpu.memory_space<semaphore_mem>>)
      %dma_wait3A = arith.constant 512 : i32
      %dma_wait3A_1858 = tpu.memref_slice %arg16[%dma_wait3A] : memref<1280xi32, #tpu.memory_space<vmem>> -> memref<128xi32, #tpu.memory_space<vmem>>
      %dma_wait3A_1859 = tpu.memref_slice %arg6[%add3A_12] : memref<40960xi32, #tpu.memory_space<hbm>> -> memref<128xi32, #tpu.memory_space<hbm>>
      %dma_wait3A_1860 = arith.constant 512 : i32
      %dma_wait3A_1861 = tpu.memref_slice %arg16[%dma_wait3A_1860] : memref<1280xi32, #tpu.memory_space<vmem>> -> memref<128xi32, #tpu.memory_space<vmem>>
      %dma_wait3A_1862 = tpu.memref_slice %arg6[%add3A_12] : memref<40960xi32, #tpu.memory_space<hbm>> -> memref<128xi32, #tpu.memory_space<hbm>>
      tpu.wait_dma2 semaphore(%run_scoped3A : memref<!tpu.dma_semaphore, #tpu.memory_space<semaphore_mem>>) src(%dma_wait3A_1862 : memref<128xi32, #tpu.memory_space<hbm>>) dst(%dma_wait3A_1861 : memref<128xi32, #tpu.memory_space<vmem>>)
      tpu.yield
    }) : () -> ()
    %add3A_13 = arith.constant 20480 : i32
    %add3A_14 = arith.addi %add3A_13, %mul3A_2 : i32
    "tpu.region"() ({
      %run_scoped3A = tpu.sem_alloc : memref<!tpu.dma_semaphore, #tpu.memory_space<semaphore_mem>>
      %dma_start3A = arith.constant 640 : i32
      %dma_start3A_1853 = tpu.memref_slice %arg16[%dma_start3A] : memref<1280xi32, #tpu.memory_space<vmem>> -> memref<128xi32, #tpu.memory_space<vmem>>
      %dma_start3A_1854 = tpu.memref_slice %arg6[%add3A_14] : memref<40960xi32, #tpu.memory_space<hbm>> -> memref<128xi32, #tpu.memory_space<hbm>>
      %dma_start3A_1855 = arith.constant 640 : i32
      %dma_start3A_1856 = tpu.memref_slice %arg16[%dma_start3A_1855] : memref<1280xi32, #tpu.memory_space<vmem>> -> memref<128xi32, #tpu.memory_space<vmem>>
      %dma_start3A_1857 = tpu.memref_slice %arg6[%add3A_14] : memref<40960xi32, #tpu.memory_space<hbm>> -> memref<128xi32, #tpu.memory_space<hbm>>
      tpu.enqueue_dma source(%dma_start3A_1857 : memref<128xi32, #tpu.memory_space<hbm>>) target(%dma_start3A_1856 : memref<128xi32, #tpu.memory_space<vmem>>) target_semaphore(%run_scoped3A : memref<!tpu.dma_semaphore, #tpu.memory_space<semaphore_mem>>)
      %dma_wait3A = arith.constant 640 : i32
      %dma_wait3A_1858 = tpu.memref_slice %arg16[%dma_wait3A] : memref<1280xi32, #tpu.memory_space<vmem>> -> memref<128xi32, #tpu.memory_space<vmem>>
      %dma_wait3A_1859 = tpu.memref_slice %arg6[%add3A_14] : memref<40960xi32, #tpu.memory_space<hbm>> -> memref<128xi32, #tpu.memory_space<hbm>>
      %dma_wait3A_1860 = arith.constant 640 : i32
      %dma_wait3A_1861 = tpu.memref_slice %arg16[%dma_wait3A_1860] : memref<1280xi32, #tpu.memory_space<vmem>> -> memref<128xi32, #tpu.memory_space<vmem>>
      %dma_wait3A_1862 = tpu.memref_slice %arg6[%add3A_14] : memref<40960xi32, #tpu.memory_space<hbm>> -> memref<128xi32, #tpu.memory_space<hbm>>
      tpu.wait_dma2 semaphore(%run_scoped3A : memref<!tpu.dma_semaphore, #tpu.memory_space<semaphore_mem>>) src(%dma_wait3A_1862 : memref<128xi32, #tpu.memory_space<hbm>>) dst(%dma_wait3A_1861 : memref<128xi32, #tpu.memory_space<vmem>>)
      tpu.yield
    }) : () -> ()
    %add3A_15 = arith.constant 24576 : i32
    %add3A_16 = arith.addi %add3A_15, %mul3A_2 : i32
    "tpu.region"() ({
      %run_scoped3A = tpu.sem_alloc : memref<!tpu.dma_semaphore, #tpu.memory_space<semaphore_mem>>
      %dma_start3A = arith.constant 768 : i32
      %dma_start3A_1853 = tpu.memref_slice %arg16[%dma_start3A] : memref<1280xi32, #tpu.memory_space<vmem>> -> memref<128xi32, #tpu.memory_space<vmem>>
      %dma_start3A_1854 = tpu.memref_slice %arg6[%add3A_16] : memref<40960xi32, #tpu.memory_space<hbm>> -> memref<128xi32, #tpu.memory_space<hbm>>
      %dma_start3A_1855 = arith.constant 768 : i32
      %dma_start3A_1856 = tpu.memref_slice %arg16[%dma_start3A_1855] : memref<1280xi32, #tpu.memory_space<vmem>> -> memref<128xi32, #tpu.memory_space<vmem>>
      %dma_start3A_1857 = tpu.memref_slice %arg6[%add3A_16] : memref<40960xi32, #tpu.memory_space<hbm>> -> memref<128xi32, #tpu.memory_space<hbm>>
      tpu.enqueue_dma source(%dma_start3A_1857 : memref<128xi32, #tpu.memory_space<hbm>>) target(%dma_start3A_1856 : memref<128xi32, #tpu.memory_space<vmem>>) target_semaphore(%run_scoped3A : memref<!tpu.dma_semaphore, #tpu.memory_space<semaphore_mem>>)
      %dma_wait3A = arith.constant 768 : i32
      %dma_wait3A_1858 = tpu.memref_slice %arg16[%dma_wait3A] : memref<1280xi32, #tpu.memory_space<vmem>> -> memref<128xi32, #tpu.memory_space<vmem>>
      %dma_wait3A_1859 = tpu.memref_slice %arg6[%add3A_16] : memref<40960xi32, #tpu.memory_space<hbm>> -> memref<128xi32, #tpu.memory_space<hbm>>
      %dma_wait3A_1860 = arith.constant 768 : i32
      %dma_wait3A_1861 = tpu.memref_slice %arg16[%dma_wait3A_1860] : memref<1280xi32, #tpu.memory_space<vmem>> -> memref<128xi32, #tpu.memory_space<vmem>>
      %dma_wait3A_1862 = tpu.memref_slice %arg6[%add3A_16] : memref<40960xi32, #tpu.memory_space<hbm>> -> memref<128xi32, #tpu.memory_space<hbm>>
      tpu.wait_dma2 semaphore(%run_scoped3A : memref<!tpu.dma_semaphore, #tpu.memory_space<semaphore_mem>>) src(%dma_wait3A_1862 : memref<128xi32, #tpu.memory_space<hbm>>) dst(%dma_wait3A_1861 : memref<128xi32, #tpu.memory_space<vmem>>)
      tpu.yield
    }) : () -> ()
    %add3A_17 = arith.constant 28672 : i32
    %add3A_18 = arith.addi %add3A_17, %mul3A_2 : i32
    "tpu.region"() ({
      %run_scoped3A = tpu.sem_alloc : memref<!tpu.dma_semaphore, #tpu.memory_space<semaphore_mem>>
      %dma_start3A = arith.constant 896 : i32
      %dma_start3A_1853 = tpu.memref_slice %arg16[%dma_start3A] : memref<1280xi32, #tpu.memory_space<vmem>> -> memref<128xi32, #tpu.memory_space<vmem>>
      %dma_start3A_1854 = tpu.memref_slice %arg6[%add3A_18] : memref<40960xi32, #tpu.memory_space<hbm>> -> memref<128xi32, #tpu.memory_space<hbm>>
      %dma_start3A_1855 = arith.constant 896 : i32
      %dma_start3A_1856 = tpu.memref_slice %arg16[%dma_start3A_1855] : memref<1280xi32, #tpu.memory_space<vmem>> -> memref<128xi32, #tpu.memory_space<vmem>>
      %dma_start3A_1857 = tpu.memref_slice %arg6[%add3A_18] : memref<40960xi32, #tpu.memory_space<hbm>> -> memref<128xi32, #tpu.memory_space<hbm>>
      tpu.enqueue_dma source(%dma_start3A_1857 : memref<128xi32, #tpu.memory_space<hbm>>) target(%dma_start3A_1856 : memref<128xi32, #tpu.memory_space<vmem>>) target_semaphore(%run_scoped3A : memref<!tpu.dma_semaphore, #tpu.memory_space<semaphore_mem>>)
      %dma_wait3A = arith.constant 896 : i32
      %dma_wait3A_1858 = tpu.memref_slice %arg16[%dma_wait3A] : memref<1280xi32, #tpu.memory_space<vmem>> -> memref<128xi32, #tpu.memory_space<vmem>>
      %dma_wait3A_1859 = tpu.memref_slice %arg6[%add3A_18] : memref<40960xi32, #tpu.memory_space<hbm>> -> memref<128xi32, #tpu.memory_space<hbm>>
      %dma_wait3A_1860 = arith.constant 896 : i32
      %dma_wait3A_1861 = tpu.memref_slice %arg16[%dma_wait3A_1860] : memref<1280xi32, #tpu.memory_space<vmem>> -> memref<128xi32, #tpu.memory_space<vmem>>
      %dma_wait3A_1862 = tpu.memref_slice %arg6[%add3A_18] : memref<40960xi32, #tpu.memory_space<hbm>> -> memref<128xi32, #tpu.memory_space<hbm>>
      tpu.wait_dma2 semaphore(%run_scoped3A : memref<!tpu.dma_semaphore, #tpu.memory_space<semaphore_mem>>) src(%dma_wait3A_1862 : memref<128xi32, #tpu.memory_space<hbm>>) dst(%dma_wait3A_1861 : memref<128xi32, #tpu.memory_space<vmem>>)
      tpu.yield
    }) : () -> ()
    %add3A_19 = arith.constant 32768 : i32
    %add3A_20 = arith.addi %add3A_19, %mul3A_2 : i32
    "tpu.region"() ({
      %run_scoped3A = tpu.sem_alloc : memref<!tpu.dma_semaphore, #tpu.memory_space<semaphore_mem>>
      %dma_start3A = arith.constant 1024 : i32
      %dma_start3A_1853 = tpu.memref_slice %arg16[%dma_start3A] : memref<1280xi32, #tpu.memory_space<vmem>> -> memref<128xi32, #tpu.memory_space<vmem>>
      %dma_start3A_1854 = tpu.memref_slice %arg6[%add3A_20] : memref<40960xi32, #tpu.memory_space<hbm>> -> memref<128xi32, #tpu.memory_space<hbm>>
      %dma_start3A_1855 = arith.constant 1024 : i32
      %dma_start3A_1856 = tpu.memref_slice %arg16[%dma_start3A_1855] : memref<1280xi32, #tpu.memory_space<vmem>> -> memref<128xi32, #tpu.memory_space<vmem>>
      %dma_start3A_1857 = tpu.memref_slice %arg6[%add3A_20] : memref<40960xi32, #tpu.memory_space<hbm>> -> memref<128xi32, #tpu.memory_space<hbm>>
      tpu.enqueue_dma source(%dma_start3A_1857 : memref<128xi32, #tpu.memory_space<hbm>>) target(%dma_start3A_1856 : memref<128xi32, #tpu.memory_space<vmem>>) target_semaphore(%run_scoped3A : memref<!tpu.dma_semaphore, #tpu.memory_space<semaphore_mem>>)
      %dma_wait3A = arith.constant 1024 : i32
      %dma_wait3A_1858 = tpu.memref_slice %arg16[%dma_wait3A] : memref<1280xi32, #tpu.memory_space<vmem>> -> memref<128xi32, #tpu.memory_space<vmem>>
      %dma_wait3A_1859 = tpu.memref_slice %arg6[%add3A_20] : memref<40960xi32, #tpu.memory_space<hbm>> -> memref<128xi32, #tpu.memory_space<hbm>>
      %dma_wait3A_1860 = arith.constant 1024 : i32
      %dma_wait3A_1861 = tpu.memref_slice %arg16[%dma_wait3A_1860] : memref<1280xi32, #tpu.memory_space<vmem>> -> memref<128xi32, #tpu.memory_space<vmem>>
      %dma_wait3A_1862 = tpu.memref_slice %arg6[%add3A_20] : memref<40960xi32, #tpu.memory_space<hbm>> -> memref<128xi32, #tpu.memory_space<hbm>>
      tpu.wait_dma2 semaphore(%run_scoped3A : memref<!tpu.dma_semaphore, #tpu.memory_space<semaphore_mem>>) src(%dma_wait3A_1862 : memref<128xi32, #tpu.memory_space<hbm>>) dst(%dma_wait3A_1861 : memref<128xi32, #tpu.memory_space<vmem>>)
      tpu.yield
    }) : () -> ()
    %add3A_21 = arith.constant 36864 : i32
    %add3A_22 = arith.addi %add3A_21, %mul3A_2 : i32
    "tpu.region"() ({
      %run_scoped3A = tpu.sem_alloc : memref<!tpu.dma_semaphore, #tpu.memory_space<semaphore_mem>>
      %dma_start3A = arith.constant 1152 : i32
      %dma_start3A_1853 = tpu.memref_slice %arg16[%dma_start3A] : memref<1280xi32, #tpu.memory_space<vmem>> -> memref<128xi32, #tpu.memory_space<vmem>>
      %dma_start3A_1854 = tpu.memref_slice %arg6[%add3A_22] : memref<40960xi32, #tpu.memory_space<hbm>> -> memref<128xi32, #tpu.memory_space<hbm>>
      %dma_start3A_1855 = arith.constant 1152 : i32
      %dma_start3A_1856 = tpu.memref_slice %arg16[%dma_start3A_1855] : memref<1280xi32, #tpu.memory_space<vmem>> -> memref<128xi32, #tpu.memory_space<vmem>>
      %dma_start3A_1857 = tpu.memref_slice %arg6[%add3A_22] : memref<40960xi32, #tpu.memory_space<hbm>> -> memref<128xi32, #tpu.memory_space<hbm>>
      tpu.enqueue_dma source(%dma_start3A_1857 : memref<128xi32, #tpu.memory_space<hbm>>) target(%dma_start3A_1856 : memref<128xi32, #tpu.memory_space<vmem>>) target_semaphore(%run_scoped3A : memref<!tpu.dma_semaphore, #tpu.memory_space<semaphore_mem>>)
      %dma_wait3A = arith.constant 1152 : i32
      %dma_wait3A_1858 = tpu.memref_slice %arg16[%dma_wait3A] : memref<1280xi32, #tpu.memory_space<vmem>> -> memref<128xi32, #tpu.memory_space<vmem>>
      %dma_wait3A_1859 = tpu.memref_slice %arg6[%add3A_22] : memref<40960xi32, #tpu.memory_space<hbm>> -> memref<128xi32, #tpu.memory_space<hbm>>
      %dma_wait3A_1860 = arith.constant 1152 : i32
      %dma_wait3A_1861 = tpu.memref_slice %arg16[%dma_wait3A_1860] : memref<1280xi32, #tpu.memory_space<vmem>> -> memref<128xi32, #tpu.memory_space<vmem>>
      %dma_wait3A_1862 = tpu.memref_slice %arg6[%add3A_22] : memref<40960xi32, #tpu.memory_space<hbm>> -> memref<128xi32, #tpu.memory_space<hbm>>
      tpu.wait_dma2 semaphore(%run_scoped3A : memref<!tpu.dma_semaphore, #tpu.memory_space<semaphore_mem>>) src(%dma_wait3A_1862 : memref<128xi32, #tpu.memory_space<hbm>>) dst(%dma_wait3A_1861 : memref<128xi32, #tpu.memory_space<vmem>>)
      tpu.yield
    }) : () -> ()
    "tpu.region"() ({
      %run_scoped3A = tpu.sem_alloc : memref<!tpu.dma_semaphore, #tpu.memory_space<semaphore_mem>>
      %dma_start3A = tpu.memref_slice %arg7[%mul3A_2] : memref<4096xf32, #tpu.memory_space<hbm>> -> memref<128xf32, #tpu.memory_space<hbm>>
      %dma_start3A_1853 = tpu.memref_slice %arg7[%mul3A_2] : memref<4096xf32, #tpu.memory_space<hbm>> -> memref<128xf32, #tpu.memory_space<hbm>>
      tpu.enqueue_dma source(%dma_start3A_1853 : memref<128xf32, #tpu.memory_space<hbm>>) target(%arg17 : memref<128xf32, #tpu.memory_space<vmem>>) target_semaphore(%run_scoped3A : memref<!tpu.dma_semaphore, #tpu.memory_space<semaphore_mem>>)
      %dma_wait3A = tpu.memref_slice %arg7[%mul3A_2] : memref<4096xf32, #tpu.memory_space<hbm>> -> memref<128xf32, #tpu.memory_space<hbm>>
      %dma_wait3A_1854 = tpu.memref_slice %arg7[%mul3A_2] : memref<4096xf32, #tpu.memory_space<hbm>> -> memref<128xf32, #tpu.memory_space<hbm>>
      tpu.wait_dma2 semaphore(%run_scoped3A : memref<!tpu.dma_semaphore, #tpu.memory_space<semaphore_mem>>) src(%dma_wait3A_1854 : memref<128xf32, #tpu.memory_space<hbm>>) dst(%arg17 : memref<128xf32, #tpu.memory_space<vmem>>)
      tpu.yield
    }) : () -> ()
    "tpu.region"() ({
      %run_scoped3A = tpu.sem_alloc : memref<!tpu.dma_semaphore, #tpu.memory_space<semaphore_mem>>
      %dma_start3A = tpu.memref_slice %arg8[%mul3A_2] : memref<4096xf32, #tpu.memory_space<hbm>> -> memref<128xf32, #tpu.memory_space<hbm>>
      %dma_start3A_1853 = tpu.memref_slice %arg8[%mul3A_2] : memref<4096xf32, #tpu.memory_space<hbm>> -> memref<128xf32, #tpu.memory_space<hbm>>
      tpu.enqueue_dma source(%dma_start3A_1853 : memref<128xf32, #tpu.memory_space<hbm>>) target(%arg18 : memref<128xf32, #tpu.memory_space<vmem>>) target_semaphore(%run_scoped3A : memref<!tpu.dma_semaphore, #tpu.memory_space<semaphore_mem>>)
      %dma_wait3A = tpu.memref_slice %arg8[%mul3A_2] : memref<4096xf32, #tpu.memory_space<hbm>> -> memref<128xf32, #tpu.memory_space<hbm>>
      %dma_wait3A_1854 = tpu.memref_slice %arg8[%mul3A_2] : memref<4096xf32, #tpu.memory_space<hbm>> -> memref<128xf32, #tpu.memory_space<hbm>>
      tpu.wait_dma2 semaphore(%run_scoped3A : memref<!tpu.dma_semaphore, #tpu.memory_space<semaphore_mem>>) src(%dma_wait3A_1854 : memref<128xf32, #tpu.memory_space<hbm>>) dst(%arg18 : memref<128xf32, #tpu.memory_space<vmem>>)
      tpu.yield
    }) : () -> ()
    "tpu.region"() ({
      %run_scoped3A = tpu.sem_alloc : memref<!tpu.dma_semaphore, #tpu.memory_space<semaphore_mem>>
      %dma_start3A = tpu.memref_slice %arg9[%mul3A_2] : memref<4096xf32, #tpu.memory_space<hbm>> -> memref<128xf32, #tpu.memory_space<hbm>>
      %dma_start3A_1853 = tpu.memref_slice %arg9[%mul3A_2] : memref<4096xf32, #tpu.memory_space<hbm>> -> memref<128xf32, #tpu.memory_space<hbm>>
      tpu.enqueue_dma source(%dma_start3A_1853 : memref<128xf32, #tpu.memory_space<hbm>>) target(%arg19 : memref<128xf32, #tpu.memory_space<vmem>>) target_semaphore(%run_scoped3A : memref<!tpu.dma_semaphore, #tpu.memory_space<semaphore_mem>>)
      %dma_wait3A = tpu.memref_slice %arg9[%mul3A_2] : memref<4096xf32, #tpu.memory_space<hbm>> -> memref<128xf32, #tpu.memory_space<hbm>>
      %dma_wait3A_1854 = tpu.memref_slice %arg9[%mul3A_2] : memref<4096xf32, #tpu.memory_space<hbm>> -> memref<128xf32, #tpu.memory_space<hbm>>
      tpu.wait_dma2 semaphore(%run_scoped3A : memref<!tpu.dma_semaphore, #tpu.memory_space<semaphore_mem>>) src(%dma_wait3A_1854 : memref<128xf32, #tpu.memory_space<hbm>>) dst(%arg19 : memref<128xf32, #tpu.memory_space<vmem>>)
      tpu.yield
    }) : () -> ()
    "tpu.region"() ({
      %run_scoped3A = tpu.sem_alloc : memref<!tpu.dma_semaphore, #tpu.memory_space<semaphore_mem>>
      %dma_start3A = tpu.memref_slice %arg10[%mul3A_2] : memref<4096xf32, #tpu.memory_space<hbm>> -> memref<128xf32, #tpu.memory_space<hbm>>
      %dma_start3A_1853 = tpu.memref_slice %arg10[%mul3A_2] : memref<4096xf32, #tpu.memory_space<hbm>> -> memref<128xf32, #tpu.memory_space<hbm>>
      tpu.enqueue_dma source(%dma_start3A_1853 : memref<128xf32, #tpu.memory_space<hbm>>) target(%arg20 : memref<128xf32, #tpu.memory_space<vmem>>) target_semaphore(%run_scoped3A : memref<!tpu.dma_semaphore, #tpu.memory_space<semaphore_mem>>)
      %dma_wait3A = tpu.memref_slice %arg10[%mul3A_2] : memref<4096xf32, #tpu.memory_space<hbm>> -> memref<128xf32, #tpu.memory_space<hbm>>
      %dma_wait3A_1854 = tpu.memref_slice %arg10[%mul3A_2] : memref<4096xf32, #tpu.memory_space<hbm>> -> memref<128xf32, #tpu.memory_space<hbm>>
      tpu.wait_dma2 semaphore(%run_scoped3A : memref<!tpu.dma_semaphore, #tpu.memory_space<semaphore_mem>>) src(%dma_wait3A_1854 : memref<128xf32, #tpu.memory_space<hbm>>) dst(%arg20 : memref<128xf32, #tpu.memory_space<vmem>>)
      tpu.yield
    }) : () -> ()
    %get3A = arith.constant 0 : index
    %get3A_23 = tpu.vector_load %arg17[%get3A] {strides = array<i32>} : memref<128xf32, #tpu.memory_space<vmem>>, vector<16xf32>,
    %get3A_24 = arith.constant 0 : index
    %get3A_25 = tpu.vector_load %arg18[%get3A_24] {strides = array<i32>} : memref<128xf32, #tpu.memory_space<vmem>>, vector<16xf32>,
    %get3A_26 = arith.constant 0 : index
    %get3A_27 = tpu.vector_load %arg19[%get3A_26] {strides = array<i32>} : memref<128xf32, #tpu.memory_space<vmem>>, vector<16xf32>,
    %broadcast_in_dim3A = arith.constant 0 : i32
    %broadcast_in_dim3A_28 = vector.broadcast %broadcast_in_dim3A : i32 to vector<16xi32>
    %get3A_29 = arith.constant 0 : index
    %get3A_30 = tpu.vector_load %arg16[%get3A_29] {strides = array<i32>} : memref<1280xi32, #tpu.memory_space<vmem>>, vector<16xi32>,
    %gather3A = tpu.vector_load_idx %arg12[%get3A_30] : memref<16384xf32, #tpu.memory_space<vmem>>[vector<16xi32>], vector<16xf32>,
    %gather3A_31 = tpu.vector_load_idx %arg13[%get3A_30] : memref<16384xf32, #tpu.memory_space<vmem>>[vector<16xi32>], vector<16xf32>,
    %gather3A_32 = tpu.vector_load_idx %arg14[%get3A_30] : memref<16384xf32, #tpu.memory_space<vmem>>[vector<16xi32>], vector<16xf32>,
    %gather3A_33 = tpu.vector_load_idx %arg15[%get3A_30] : memref<16384xf32, #tpu.memory_space<vmem>>[vector<16xi32>], vector<16xf32>,
    %mul3A_34 = arith.mulf %gather3A, %get3A_23 : vector<16xf32>
    %mul3A_35 = arith.mulf %gather3A_31, %get3A_25 : vector<16xf32>
    %add3A_36 = arith.addf %mul3A_34, %mul3A_35 : vector<16xf32>
    %mul3A_37 = arith.mulf %gather3A_32, %get3A_27 : vector<16xf32>
    %add3A_38 = arith.addf %add3A_36, %mul3A_37 : vector<16xf32>
    %sub3A = arith.subf %gather3A_33, %add3A_38 : vector<16xf32>
    %gt3A = arith.constant 0.000000e+00 : f32
    %gt3A_39 = vector.broadcast %gt3A : f32 to vector<16xf32>
    %gt3A_40 = arith.cmpf ogt, %sub3A, %gt3A_39 : vector<16xf32>
    %jit3A = arith.constant 1 : i32
    %jit3A_41 = arith.constant 0 : i32
    %broadcast_in_dim3A_42 = vector.broadcast %jit3A : i32 to vector<16xi32>
    %broadcast_in_dim3A_43 = vector.broadcast %jit3A_41 : i32 to vector<16xi32>
    %select_n3A = arith.select %gt3A_40, %broadcast_in_dim3A_42, %broadcast_in_dim3A_43 : vector<16xi1>, vector<16xi32>
    %add3A_44 = arith.addi %broadcast_in_dim3A_28, %select_n3A : vector<16xi32>
    %get3A_45 = arith.constant 128 : index
    %get3A_46 = tpu.vector_load %arg16[%get3A_45] {strides = array<i32>} : memref<1280xi32, #tpu.memory_space<vmem>>, vector<16xi32>,
    %gather3A_47 = tpu.vector_load_idx %arg12[%get3A_46] : memref<16384xf32, #tpu.memory_space<vmem>>[vector<16xi32>], vector<16xf32>,
    %gather3A_48 = tpu.vector_load_idx %arg13[%get3A_46] : memref<16384xf32, #tpu.memory_space<vmem>>[vector<16xi32>], vector<16xf32>,
    %gather3A_49 = tpu.vector_load_idx %arg14[%get3A_46] : memref<16384xf32, #tpu.memory_space<vmem>>[vector<16xi32>], vector<16xf32>,
    %gather3A_50 = tpu.vector_load_idx %arg15[%get3A_46] : memref<16384xf32, #tpu.memory_space<vmem>>[vector<16xi32>], vector<16xf32>,
    %mul3A_51 = arith.mulf %gather3A_47, %get3A_23 : vector<16xf32>
    %mul3A_52 = arith.mulf %gather3A_48, %get3A_25 : vector<16xf32>
    %add3A_53 = arith.addf %mul3A_51, %mul3A_52 : vector<16xf32>
    %mul3A_54 = arith.mulf %gather3A_49, %get3A_27 : vector<16xf32>
    %add3A_55 = arith.addf %add3A_53, %mul3A_54 : vector<16xf32>
    %sub3A_56 = arith.subf %gather3A_50, %add3A_55 : vector<16xf32>
    %gt3A_57 = arith.constant 0.000000e+00 : f32
    %gt3A_58 = vector.broadcast %gt3A_57 : f32 to vector<16xf32>
    %gt3A_59 = arith.cmpf ogt, %sub3A_56, %gt3A_58 : vector<16xf32>
    %jit3A_60 = arith.constant 1 : i32
    %jit3A_61 = arith.constant 0 : i32
    %broadcast_in_dim3A_62 = vector.broadcast %jit3A_60 : i32 to vector<16xi32>
    %broadcast_in_dim3A_63 = vector.broadcast %jit3A_61 : i32 to vector<16xi32>
    %select_n3A_64 = arith.select %gt3A_59, %broadcast_in_dim3A_62, %broadcast_in_dim3A_63 : vector<16xi1>, vector<16xi32>
    %add3A_65 = arith.addi %add3A_44, %select_n3A_64 : vector<16xi32>
    %get3A_66 = arith.constant 256 : index
    %get3A_67 = tpu.vector_load %arg16[%get3A_66] {strides = array<i32>} : memref<1280xi32, #tpu.memory_space<vmem>>, vector<16xi32>,
    %gather3A_68 = tpu.vector_load_idx %arg12[%get3A_67] : memref<16384xf32, #tpu.memory_space<vmem>>[vector<16xi32>], vector<16xf32>,
    %gather3A_69 = tpu.vector_load_idx %arg13[%get3A_67] : memref<16384xf32, #tpu.memory_space<vmem>>[vector<16xi32>], vector<16xf32>,
    %gather3A_70 = tpu.vector_load_idx %arg14[%get3A_67] : memref<16384xf32, #tpu.memory_space<vmem>>[vector<16xi32>], vector<16xf32>,
    %gather3A_71 = tpu.vector_load_idx %arg15[%get3A_67] : memref<16384xf32, #tpu.memory_space<vmem>>[vector<16xi32>], vector<16xf32>,
    %mul3A_72 = arith.mulf %gather3A_68, %get3A_23 : vector<16xf32>
    %mul3A_73 = arith.mulf %gather3A_69, %get3A_25 : vector<16xf32>
    %add3A_74 = arith.addf %mul3A_72, %mul3A_73 : vector<16xf32>
    %mul3A_75 = arith.mulf %gather3A_70, %get3A_27 : vector<16xf32>
    %add3A_76 = arith.addf %add3A_74, %mul3A_75 : vector<16xf32>
    %sub3A_77 = arith.subf %gather3A_71, %add3A_76 : vector<16xf32>
    %gt3A_78 = arith.constant 0.000000e+00 : f32
    %gt3A_79 = vector.broadcast %gt3A_78 : f32 to vector<16xf32>
    %gt3A_80 = arith.cmpf ogt, %sub3A_77, %gt3A_79 : vector<16xf32>
    %jit3A_81 = arith.constant 1 : i32
    %jit3A_82 = arith.constant 0 : i32
    %broadcast_in_dim3A_83 = vector.broadcast %jit3A_81 : i32 to vector<16xi32>
    %broadcast_in_dim3A_84 = vector.broadcast %jit3A_82 : i32 to vector<16xi32>
    %select_n3A_85 = arith.select %gt3A_80, %broadcast_in_dim3A_83, %broadcast_in_dim3A_84 : vector<16xi1>, vector<16xi32>
    %add3A_86 = arith.addi %add3A_65, %select_n3A_85 : vector<16xi32>
    %get3A_87 = arith.constant 384 : index
    %get3A_88 = tpu.vector_load %arg16[%get3A_87] {strides = array<i32>} : memref<1280xi32, #tpu.memory_space<vmem>>, vector<16xi32>,
    %gather3A_89 = tpu.vector_load_idx %arg12[%get3A_88] : memref<16384xf32, #tpu.memory_space<vmem>>[vector<16xi32>], vector<16xf32>,
    %gather3A_90 = tpu.vector_load_idx %arg13[%get3A_88] : memref<16384xf32, #tpu.memory_space<vmem>>[vector<16xi32>], vector<16xf32>,
    %gather3A_91 = tpu.vector_load_idx %arg14[%get3A_88] : memref<16384xf32, #tpu.memory_space<vmem>>[vector<16xi32>], vector<16xf32>,
    %gather3A_92 = tpu.vector_load_idx %arg15[%get3A_88] : memref<16384xf32, #tpu.memory_space<vmem>>[vector<16xi32>], vector<16xf32>,
    %mul3A_93 = arith.mulf %gather3A_89, %get3A_23 : vector<16xf32>
    %mul3A_94 = arith.mulf %gather3A_90, %get3A_25 : vector<16xf32>
    %add3A_95 = arith.addf %mul3A_93, %mul3A_94 : vector<16xf32>
    %mul3A_96 = arith.mulf %gather3A_91, %get3A_27 : vector<16xf32>
    %add3A_97 = arith.addf %add3A_95, %mul3A_96 : vector<16xf32>
    %sub3A_98 = arith.subf %gather3A_92, %add3A_97 : vector<16xf32>
    %gt3A_99 = arith.constant 0.000000e+00 : f32
    %gt3A_100 = vector.broadcast %gt3A_99 : f32 to vector<16xf32>
    %gt3A_101 = arith.cmpf ogt, %sub3A_98, %gt3A_100 : vector<16xf32>
    %jit3A_102 = arith.constant 1 : i32
    %jit3A_103 = arith.constant 0 : i32
    %broadcast_in_dim3A_104 = vector.broadcast %jit3A_102 : i32 to vector<16xi32>
    %broadcast_in_dim3A_105 = vector.broadcast %jit3A_103 : i32 to vector<16xi32>
    %select_n3A_106 = arith.select %gt3A_101, %broadcast_in_dim3A_104, %broadcast_in_dim3A_105 : vector<16xi1>, vector<16xi32>
    %add3A_107 = arith.addi %add3A_86, %select_n3A_106 : vector<16xi32>
    %get3A_108 = arith.constant 512 : index
    %get3A_109 = tpu.vector_load %arg16[%get3A_108] {strides = array<i32>} : memref<1280xi32, #tpu.memory_space<vmem>>, vector<16xi32>,
    %gather3A_110 = tpu.vector_load_idx %arg12[%get3A_109] : memref<16384xf32, #tpu.memory_space<vmem>>[vector<16xi32>], vector<16xf32>,
    %gather3A_111 = tpu.vector_load_idx %arg13[%get3A_109] : memref<16384xf32, #tpu.memory_space<vmem>>[vector<16xi32>], vector<16xf32>,
    %gather3A_112 = tpu.vector_load_idx %arg14[%get3A_109] : memref<16384xf32, #tpu.memory_space<vmem>>[vector<16xi32>], vector<16xf32>,
    %gather3A_113 = tpu.vector_load_idx %arg15[%get3A_109] : memref<16384xf32, #tpu.memory_space<vmem>>[vector<16xi32>], vector<16xf32>,
    %mul3A_114 = arith.mulf %gather3A_110, %get3A_23 : vector<16xf32>
    %mul3A_115 = arith.mulf %gather3A_111, %get3A_25 : vector<16xf32>
    %add3A_116 = arith.addf %mul3A_114, %mul3A_115 : vector<16xf32>
    %mul3A_117 = arith.mulf %gather3A_112, %get3A_27 : vector<16xf32>
    %add3A_118 = arith.addf %add3A_116, %mul3A_117 : vector<16xf32>
    %sub3A_119 = arith.subf %gather3A_113, %add3A_118 : vector<16xf32>
    %gt3A_120 = arith.constant 0.000000e+00 : f32
    %gt3A_121 = vector.broadcast %gt3A_120 : f32 to vector<16xf32>
    %gt3A_122 = arith.cmpf ogt, %sub3A_119, %gt3A_121 : vector<16xf32>
    %jit3A_123 = arith.constant 1 : i32
    %jit3A_124 = arith.constant 0 : i32
    %broadcast_in_dim3A_125 = vector.broadcast %jit3A_123 : i32 to vector<16xi32>
    %broadcast_in_dim3A_126 = vector.broadcast %jit3A_124 : i32 to vector<16xi32>
    %select_n3A_127 = arith.select %gt3A_122, %broadcast_in_dim3A_125, %broadcast_in_dim3A_126 : vector<16xi1>, vector<16xi32>
    %add3A_128 = arith.addi %add3A_107, %select_n3A_127 : vector<16xi32>
    %get3A_129 = arith.constant 640 : index
    %get3A_130 = tpu.vector_load %arg16[%get3A_129] {strides = array<i32>} : memref<1280xi32, #tpu.memory_space<vmem>>, vector<16xi32>,
    %gather3A_131 = tpu.vector_load_idx %arg12[%get3A_130] : memref<16384xf32, #tpu.memory_space<vmem>>[vector<16xi32>], vector<16xf32>,
    %gather3A_132 = tpu.vector_load_idx %arg13[%get3A_130] : memref<16384xf32, #tpu.memory_space<vmem>>[vector<16xi32>], vector<16xf32>,
    %gather3A_133 = tpu.vector_load_idx %arg14[%get3A_130] : memref<16384xf32, #tpu.memory_space<vmem>>[vector<16xi32>], vector<16xf32>,
    %gather3A_134 = tpu.vector_load_idx %arg15[%get3A_130] : memref<16384xf32, #tpu.memory_space<vmem>>[vector<16xi32>], vector<16xf32>,
    %mul3A_135 = arith.mulf %gather3A_131, %get3A_23 : vector<16xf32>
    %mul3A_136 = arith.mulf %gather3A_132, %get3A_25 : vector<16xf32>
    %add3A_137 = arith.addf %mul3A_135, %mul3A_136 : vector<16xf32>
    %mul3A_138 = arith.mulf %gather3A_133, %get3A_27 : vector<16xf32>
    %add3A_139 = arith.addf %add3A_137, %mul3A_138 : vector<16xf32>
    %sub3A_140 = arith.subf %gather3A_134, %add3A_139 : vector<16xf32>
    %gt3A_141 = arith.constant 0.000000e+00 : f32
    %gt3A_142 = vector.broadcast %gt3A_141 : f32 to vector<16xf32>
    %gt3A_143 = arith.cmpf ogt, %sub3A_140, %gt3A_142 : vector<16xf32>
    %jit3A_144 = arith.constant 1 : i32
    %jit3A_145 = arith.constant 0 : i32
    %broadcast_in_dim3A_146 = vector.broadcast %jit3A_144 : i32 to vector<16xi32>
    %broadcast_in_dim3A_147 = vector.broadcast %jit3A_145 : i32 to vector<16xi32>
    %select_n3A_148 = arith.select %gt3A_143, %broadcast_in_dim3A_146, %broadcast_in_dim3A_147 : vector<16xi1>, vector<16xi32>
    %add3A_149 = arith.addi %add3A_128, %select_n3A_148 : vector<16xi32>
    %get3A_150 = arith.constant 768 : index
    %get3A_151 = tpu.vector_load %arg16[%get3A_150] {strides = array<i32>} : memref<1280xi32, #tpu.memory_space<vmem>>, vector<16xi32>,
    %gather3A_152 = tpu.vector_load_idx %arg12[%get3A_151] : memref<16384xf32, #tpu.memory_space<vmem>>[vector<16xi32>], vector<16xf32>,
    %gather3A_153 = tpu.vector_load_idx %arg13[%get3A_151] : memref<16384xf32, #tpu.memory_space<vmem>>[vector<16xi32>], vector<16xf32>,
    %gather3A_154 = tpu.vector_load_idx %arg14[%get3A_151] : memref<16384xf32, #tpu.memory_space<vmem>>[vector<16xi32>], vector<16xf32>,
    %gather3A_155 = tpu.vector_load_idx %arg15[%get3A_151] : memref<16384xf32, #tpu.memory_space<vmem>>[vector<16xi32>], vector<16xf32>,
    %mul3A_156 = arith.mulf %gather3A_152, %get3A_23 : vector<16xf32>
    %mul3A_157 = arith.mulf %gather3A_153, %get3A_25 : vector<16xf32>
    %add3A_158 = arith.addf %mul3A_156, %mul3A_157 : vector<16xf32>
    %mul3A_159 = arith.mulf %gather3A_154, %get3A_27 : vector<16xf32>
    %add3A_160 = arith.addf %add3A_158, %mul3A_159 : vector<16xf32>
    %sub3A_161 = arith.subf %gather3A_155, %add3A_160 : vector<16xf32>
    %gt3A_162 = arith.constant 0.000000e+00 : f32
    %gt3A_163 = vector.broadcast %gt3A_162 : f32 to vector<16xf32>
    %gt3A_164 = arith.cmpf ogt, %sub3A_161, %gt3A_163 : vector<16xf32>
    %jit3A_165 = arith.constant 1 : i32
    %jit3A_166 = arith.constant 0 : i32
    %broadcast_in_dim3A_167 = vector.broadcast %jit3A_165 : i32 to vector<16xi32>
    %broadcast_in_dim3A_168 = vector.broadcast %jit3A_166 : i32 to vector<16xi32>
    %select_n3A_169 = arith.select %gt3A_164, %broadcast_in_dim3A_167, %broadcast_in_dim3A_168 : vector<16xi1>, vector<16xi32>
    %add3A_170 = arith.addi %add3A_149, %select_n3A_169 : vector<16xi32>
    %get3A_171 = arith.constant 896 : index
    %get3A_172 = tpu.vector_load %arg16[%get3A_171] {strides = array<i32>} : memref<1280xi32, #tpu.memory_space<vmem>>, vector<16xi32>,
    %gather3A_173 = tpu.vector_load_idx %arg12[%get3A_172] : memref<16384xf32, #tpu.memory_space<vmem>>[vector<16xi32>], vector<16xf32>,
    %gather3A_174 = tpu.vector_load_idx %arg13[%get3A_172] : memref<16384xf32, #tpu.memory_space<vmem>>[vector<16xi32>], vector<16xf32>,
    %gather3A_175 = tpu.vector_load_idx %arg14[%get3A_172] : memref<16384xf32, #tpu.memory_space<vmem>>[vector<16xi32>], vector<16xf32>,
    %gather3A_176 = tpu.vector_load_idx %arg15[%get3A_172] : memref<16384xf32, #tpu.memory_space<vmem>>[vector<16xi32>], vector<16xf32>,
    %mul3A_177 = arith.mulf %gather3A_173, %get3A_23 : vector<16xf32>
    %mul3A_178 = arith.mulf %gather3A_174, %get3A_25 : vector<16xf32>
    %add3A_179 = arith.addf %mul3A_177, %mul3A_178 : vector<16xf32>
    %mul3A_180 = arith.mulf %gather3A_175, %get3A_27 : vector<16xf32>
    %add3A_181 = arith.addf %add3A_179, %mul3A_180 : vector<16xf32>
    %sub3A_182 = arith.subf %gather3A_176, %add3A_181 : vector<16xf32>
    %gt3A_183 = arith.constant 0.000000e+00 : f32
    %gt3A_184 = vector.broadcast %gt3A_183 : f32 to vector<16xf32>
    %gt3A_185 = arith.cmpf ogt, %sub3A_182, %gt3A_184 : vector<16xf32>
    %jit3A_186 = arith.constant 1 : i32
    %jit3A_187 = arith.constant 0 : i32
    %broadcast_in_dim3A_188 = vector.broadcast %jit3A_186 : i32 to vector<16xi32>
    %broadcast_in_dim3A_189 = vector.broadcast %jit3A_187 : i32 to vector<16xi32>
    %select_n3A_190 = arith.select %gt3A_185, %broadcast_in_dim3A_188, %broadcast_in_dim3A_189 : vector<16xi1>, vector<16xi32>
    %add3A_191 = arith.addi %add3A_170, %select_n3A_190 : vector<16xi32>
    %get3A_192 = arith.constant 1024 : index
    %get3A_193 = tpu.vector_load %arg16[%get3A_192] {strides = array<i32>} : memref<1280xi32, #tpu.memory_space<vmem>>, vector<16xi32>,
    %gather3A_194 = tpu.vector_load_idx %arg12[%get3A_193] : memref<16384xf32, #tpu.memory_space<vmem>>[vector<16xi32>], vector<16xf32>,
    %gather3A_195 = tpu.vector_load_idx %arg13[%get3A_193] : memref<16384xf32, #tpu.memory_space<vmem>>[vector<16xi32>], vector<16xf32>,
    %gather3A_196 = tpu.vector_load_idx %arg14[%get3A_193] : memref<16384xf32, #tpu.memory_space<vmem>>[vector<16xi32>], vector<16xf32>,
    %gather3A_197 = tpu.vector_load_idx %arg15[%get3A_193] : memref<16384xf32, #tpu.memory_space<vmem>>[vector<16xi32>], vector<16xf32>,
    %mul3A_198 = arith.mulf %gather3A_194, %get3A_23 : vector<16xf32>
    %mul3A_199 = arith.mulf %gather3A_195, %get3A_25 : vector<16xf32>
    %add3A_200 = arith.addf %mul3A_198, %mul3A_199 : vector<16xf32>
    %mul3A_201 = arith.mulf %gather3A_196, %get3A_27 : vector<16xf32>
    %add3A_202 = arith.addf %add3A_200, %mul3A_201 : vector<16xf32>
    %sub3A_203 = arith.subf %gather3A_197, %add3A_202 : vector<16xf32>
    %gt3A_204 = arith.constant 0.000000e+00 : f32
    %gt3A_205 = vector.broadcast %gt3A_204 : f32 to vector<16xf32>
    %gt3A_206 = arith.cmpf ogt, %sub3A_203, %gt3A_205 : vector<16xf32>
    %jit3A_207 = arith.constant 1 : i32
    %jit3A_208 = arith.constant 0 : i32
    %broadcast_in_dim3A_209 = vector.broadcast %jit3A_207 : i32 to vector<16xi32>
    %broadcast_in_dim3A_210 = vector.broadcast %jit3A_208 : i32 to vector<16xi32>
    %select_n3A_211 = arith.select %gt3A_206, %broadcast_in_dim3A_209, %broadcast_in_dim3A_210 : vector<16xi1>, vector<16xi32>
    %add3A_212 = arith.addi %add3A_191, %select_n3A_211 : vector<16xi32>
    %get3A_213 = arith.constant 1152 : index
    %get3A_214 = tpu.vector_load %arg16[%get3A_213] {strides = array<i32>} : memref<1280xi32, #tpu.memory_space<vmem>>, vector<16xi32>,
    %gather3A_215 = tpu.vector_load_idx %arg12[%get3A_214] : memref<16384xf32, #tpu.memory_space<vmem>>[vector<16xi32>], vector<16xf32>,
    %gather3A_216 = tpu.vector_load_idx %arg13[%get3A_214] : memref<16384xf32, #tpu.memory_space<vmem>>[vector<16xi32>], vector<16xf32>,
    %gather3A_217 = tpu.vector_load_idx %arg14[%get3A_214] : memref<16384xf32, #tpu.memory_space<vmem>>[vector<16xi32>], vector<16xf32>,
    %gather3A_218 = tpu.vector_load_idx %arg15[%get3A_214] : memref<16384xf32, #tpu.memory_space<vmem>>[vector<16xi32>], vector<16xf32>,
    %mul3A_219 = arith.mulf %gather3A_215, %get3A_23 : vector<16xf32>
    %mul3A_220 = arith.mulf %gather3A_216, %get3A_25 : vector<16xf32>
    %add3A_221 = arith.addf %mul3A_219, %mul3A_220 : vector<16xf32>
    %mul3A_222 = arith.mulf %gather3A_217, %get3A_27 : vector<16xf32>
    %add3A_223 = arith.addf %add3A_221, %mul3A_222 : vector<16xf32>
    %sub3A_224 = arith.subf %gather3A_218, %add3A_223 : vector<16xf32>
    %gt3A_225 = arith.constant 0.000000e+00 : f32
    %gt3A_226 = vector.broadcast %gt3A_225 : f32 to vector<16xf32>
    %gt3A_227 = arith.cmpf ogt, %sub3A_224, %gt3A_226 : vector<16xf32>
    %jit3A_228 = arith.constant 1 : i32
    %jit3A_229 = arith.constant 0 : i32
    %broadcast_in_dim3A_230 = vector.broadcast %jit3A_228 : i32 to vector<16xi32>
    %broadcast_in_dim3A_231 = vector.broadcast %jit3A_229 : i32 to vector<16xi32>
    %select_n3A_232 = arith.select %gt3A_227, %broadcast_in_dim3A_230, %broadcast_in_dim3A_231 : vector<16xi1>, vector<16xi32>
    %add3A_233 = arith.addi %add3A_212, %select_n3A_232 : vector<16xi32>
    %get3A_234 = arith.constant 0 : index
    %get3A_235 = tpu.vector_load %arg20[%get3A_234] {strides = array<i32>} : memref<128xf32, #tpu.memory_space<vmem>>, vector<16xf32>,
    %gt3A_236 = arith.constant 8 : i32
    %gt3A_237 = vector.broadcast %gt3A_236 : i32 to vector<16xi32>
    %gt3A_238 = arith.cmpi sgt, %add3A_233, %gt3A_237 : vector<16xi32>
    %neg3A = arith.constant 0.000000e+00 : f32
    %neg3A_239 = vector.broadcast %neg3A : f32 to vector<16xf32>
    %neg3A_240 = arith.subf %neg3A_239, %get3A_235 : vector<16xf32>
    %select_n3A_241 = arith.select %gt3A_238, %neg3A_240, %get3A_235 : vector<16xi1>, vector<16xf32>
    %min3A = arith.minimumf %get3A_27, %select_n3A_241 : vector<16xf32>
    %swap3A = arith.constant 0 : index
    %swap3A_242 = tpu.vector_load %arg21[%swap3A] {strides = array<i32>} : memref<128xf32, #tpu.memory_space<vmem>>, vector<16xf32>,
    tpu.vector_store %arg21[%swap3A], %min3A {strides = array<i32>} : memref<128xf32, #tpu.memory_space<vmem>>, vector<16xf32>,
    %get3A_243 = arith.constant 16 : index
    %get3A_244 = tpu.vector_load %arg17[%get3A_243] {strides = array<i32>} : memref<128xf32, #tpu.memory_space<vmem>>, vector<16xf32>,
    %get3A_245 = arith.constant 16 : index
    %get3A_246 = tpu.vector_load %arg18[%get3A_245] {strides = array<i32>} : memref<128xf32, #tpu.memory_space<vmem>>, vector<16xf32>,
    %get3A_247 = arith.constant 16 : index
    %get3A_248 = tpu.vector_load %arg19[%get3A_247] {strides = array<i32>} : memref<128xf32, #tpu.memory_space<vmem>>, vector<16xf32>,
    %broadcast_in_dim3A_249 = arith.constant 0 : i32
    %broadcast_in_dim3A_250 = vector.broadcast %broadcast_in_dim3A_249 : i32 to vector<16xi32>
    %get3A_251 = arith.constant 16 : index
    %get3A_252 = tpu.vector_load %arg16[%get3A_251] {strides = array<i32>} : memref<1280xi32, #tpu.memory_space<vmem>>, vector<16xi32>,
    %gather3A_253 = tpu.vector_load_idx %arg12[%get3A_252] : memref<16384xf32, #tpu.memory_space<vmem>>[vector<16xi32>], vector<16xf32>,
    %gather3A_254 = tpu.vector_load_idx %arg13[%get3A_252] : memref<16384xf32, #tpu.memory_space<vmem>>[vector<16xi32>], vector<16xf32>,
    %gather3A_255 = tpu.vector_load_idx %arg14[%get3A_252] : memref<16384xf32, #tpu.memory_space<vmem>>[vector<16xi32>], vector<16xf32>,
    %gather3A_256 = tpu.vector_load_idx %arg15[%get3A_252] : memref<16384xf32, #tpu.memory_space<vmem>>[vector<16xi32>], vector<16xf32>,
    %mul3A_257 = arith.mulf %gather3A_253, %get3A_244 : vector<16xf32>
    %mul3A_258 = arith.mulf %gather3A_254, %get3A_246 : vector<16xf32>
    %add3A_259 = arith.addf %mul3A_257, %mul3A_258 : vector<16xf32>
    %mul3A_260 = arith.mulf %gather3A_255, %get3A_248 : vector<16xf32>
    %add3A_261 = arith.addf %add3A_259, %mul3A_260 : vector<16xf32>
    %sub3A_262 = arith.subf %gather3A_256, %add3A_261 : vector<16xf32>
    %gt3A_263 = arith.constant 0.000000e+00 : f32
    %gt3A_264 = vector.broadcast %gt3A_263 : f32 to vector<16xf32>
    %gt3A_265 = arith.cmpf ogt, %sub3A_262, %gt3A_264 : vector<16xf32>
    %jit3A_266 = arith.constant 1 : i32
    %jit3A_267 = arith.constant 0 : i32
    %broadcast_in_dim3A_268 = vector.broadcast %jit3A_266 : i32 to vector<16xi32>
    %broadcast_in_dim3A_269 = vector.broadcast %jit3A_267 : i32 to vector<16xi32>
    %select_n3A_270 = arith.select %gt3A_265, %broadcast_in_dim3A_268, %broadcast_in_dim3A_269 : vector<16xi1>, vector<16xi32>
    %add3A_271 = arith.addi %broadcast_in_dim3A_250, %select_n3A_270 : vector<16xi32>
    %get3A_272 = arith.constant 144 : index
    %get3A_273 = tpu.vector_load %arg16[%get3A_272] {strides = array<i32>} : memref<1280xi32, #tpu.memory_space<vmem>>, vector<16xi32>,
    %gather3A_274 = tpu.vector_load_idx %arg12[%get3A_273] : memref<16384xf32, #tpu.memory_space<vmem>>[vector<16xi32>], vector<16xf32>,
    %gather3A_275 = tpu.vector_load_idx %arg13[%get3A_273] : memref<16384xf32, #tpu.memory_space<vmem>>[vector<16xi32>], vector<16xf32>,
    %gather3A_276 = tpu.vector_load_idx %arg14[%get3A_273] : memref<16384xf32, #tpu.memory_space<vmem>>[vector<16xi32>], vector<16xf32>,
    %gather3A_277 = tpu.vector_load_idx %arg15[%get3A_273] : memref<16384xf32, #tpu.memory_space<vmem>>[vector<16xi32>], vector<16xf32>,
    %mul3A_278 = arith.mulf %gather3A_274, %get3A_244 : vector<16xf32>
    %mul3A_279 = arith.mulf %gather3A_275, %get3A_246 : vector<16xf32>
    %add3A_280 = arith.addf %mul3A_278, %mul3A_279 : vector<16xf32>
    %mul3A_281 = arith.mulf %gather3A_276, %get3A_248 : vector<16xf32>
    %add3A_282 = arith.addf %add3A_280, %mul3A_281 : vector<16xf32>
    %sub3A_283 = arith.subf %gather3A_277, %add3A_282 : vector<16xf32>
    %gt3A_284 = arith.constant 0.000000e+00 : f32
    %gt3A_285 = vector.broadcast %gt3A_284 : f32 to vector<16xf32>
    %gt3A_286 = arith.cmpf ogt, %sub3A_283, %gt3A_285 : vector<16xf32>
    %jit3A_287 = arith.constant 1 : i32
    %jit3A_288 = arith.constant 0 : i32
    %broadcast_in_dim3A_289 = vector.broadcast %jit3A_287 : i32 to vector<16xi32>
    %broadcast_in_dim3A_290 = vector.broadcast %jit3A_288 : i32 to vector<16xi32>
    %select_n3A_291 = arith.select %gt3A_286, %broadcast_in_dim3A_289, %broadcast_in_dim3A_290 : vector<16xi1>, vector<16xi32>
    %add3A_292 = arith.addi %add3A_271, %select_n3A_291 : vector<16xi32>
    %get3A_293 = arith.constant 272 : index
    %get3A_294 = tpu.vector_load %arg16[%get3A_293] {strides = array<i32>} : memref<1280xi32, #tpu.memory_space<vmem>>, vector<16xi32>,
    %gather3A_295 = tpu.vector_load_idx %arg12[%get3A_294] : memref<16384xf32, #tpu.memory_space<vmem>>[vector<16xi32>], vector<16xf32>,
    %gather3A_296 = tpu.vector_load_idx %arg13[%get3A_294] : memref<16384xf32, #tpu.memory_space<vmem>>[vector<16xi32>], vector<16xf32>,
    %gather3A_297 = tpu.vector_load_idx %arg14[%get3A_294] : memref<16384xf32, #tpu.memory_space<vmem>>[vector<16xi32>], vector<16xf32>,
    %gather3A_298 = tpu.vector_load_idx %arg15[%get3A_294] : memref<16384xf32, #tpu.memory_space<vmem>>[vector<16xi32>], vector<16xf32>,
    %mul3A_299 = arith.mulf %gather3A_295, %get3A_244 : vector<16xf32>
    %mul3A_300 = arith.mulf %gather3A_296, %get3A_246 : vector<16xf32>
    %add3A_301 = arith.addf %mul3A_299, %mul3A_300 : vector<16xf32>
    %mul3A_302 = arith.mulf %gather3A_297, %get3A_248 : vector<16xf32>
    %add3A_303 = arith.addf %add3A_301, %mul3A_302 : vector<16xf32>
    %sub3A_304 = arith.subf %gather3A_298, %add3A_303 : vector<16xf32>
    %gt3A_305 = arith.constant 0.000000e+00 : f32
    %gt3A_306 = vector.broadcast %gt3A_305 : f32 to vector<16xf32>
    %gt3A_307 = arith.cmpf ogt, %sub3A_304, %gt3A_306 : vector<16xf32>
    %jit3A_308 = arith.constant 1 : i32
    %jit3A_309 = arith.constant 0 : i32
    %broadcast_in_dim3A_310 = vector.broadcast %jit3A_308 : i32 to vector<16xi32>
    %broadcast_in_dim3A_311 = vector.broadcast %jit3A_309 : i32 to vector<16xi32>
    %select_n3A_312 = arith.select %gt3A_307, %broadcast_in_dim3A_310, %broadcast_in_dim3A_311 : vector<16xi1>, vector<16xi32>
    %add3A_313 = arith.addi %add3A_292, %select_n3A_312 : vector<16xi32>
    %get3A_314 = arith.constant 400 : index
    %get3A_315 = tpu.vector_load %arg16[%get3A_314] {strides = array<i32>} : memref<1280xi32, #tpu.memory_space<vmem>>, vector<16xi32>,
    %gather3A_316 = tpu.vector_load_idx %arg12[%get3A_315] : memref<16384xf32, #tpu.memory_space<vmem>>[vector<16xi32>], vector<16xf32>,
    %gather3A_317 = tpu.vector_load_idx %arg13[%get3A_315] : memref<16384xf32, #tpu.memory_space<vmem>>[vector<16xi32>], vector<16xf32>,
    %gather3A_318 = tpu.vector_load_idx %arg14[%get3A_315] : memref<16384xf32, #tpu.memory_space<vmem>>[vector<16xi32>], vector<16xf32>,
    %gather3A_319 = tpu.vector_load_idx %arg15[%get3A_315] : memref<16384xf32, #tpu.memory_space<vmem>>[vector<16xi32>], vector<16xf32>,
    %mul3A_320 = arith.mulf %gather3A_316, %get3A_244 : vector<16xf32>
    %mul3A_321 = arith.mulf %gather3A_317, %get3A_246 : vector<16xf32>
    %add3A_322 = arith.addf %mul3A_320, %mul3A_321 : vector<16xf32>
    %mul3A_323 = arith.mulf %gather3A_318, %get3A_248 : vector<16xf32>
    %add3A_324 = arith.addf %add3A_322, %mul3A_323 : vector<16xf32>
    %sub3A_325 = arith.subf %gather3A_319, %add3A_324 : vector<16xf32>
    %gt3A_326 = arith.constant 0.000000e+00 : f32
    %gt3A_327 = vector.broadcast %gt3A_326 : f32 to vector<16xf32>
    %gt3A_328 = arith.cmpf ogt, %sub3A_325, %gt3A_327 : vector<16xf32>
    %jit3A_329 = arith.constant 1 : i32
    %jit3A_330 = arith.constant 0 : i32
    %broadcast_in_dim3A_331 = vector.broadcast %jit3A_329 : i32 to vector<16xi32>
    %broadcast_in_dim3A_332 = vector.broadcast %jit3A_330 : i32 to vector<16xi32>
    %select_n3A_333 = arith.select %gt3A_328, %broadcast_in_dim3A_331, %broadcast_in_dim3A_332 : vector<16xi1>, vector<16xi32>
    %add3A_334 = arith.addi %add3A_313, %select_n3A_333 : vector<16xi32>
    %get3A_335 = arith.constant 528 : index
    %get3A_336 = tpu.vector_load %arg16[%get3A_335] {strides = array<i32>} : memref<1280xi32, #tpu.memory_space<vmem>>, vector<16xi32>,
    %gather3A_337 = tpu.vector_load_idx %arg12[%get3A_336] : memref<16384xf32, #tpu.memory_space<vmem>>[vector<16xi32>], vector<16xf32>,
    %gather3A_338 = tpu.vector_load_idx %arg13[%get3A_336] : memref<16384xf32, #tpu.memory_space<vmem>>[vector<16xi32>], vector<16xf32>,
    %gather3A_339 = tpu.vector_load_idx %arg14[%get3A_336] : memref<16384xf32, #tpu.memory_space<vmem>>[vector<16xi32>], vector<16xf32>,
    %gather3A_340 = tpu.vector_load_idx %arg15[%get3A_336] : memref<16384xf32, #tpu.memory_space<vmem>>[vector<16xi32>], vector<16xf32>,
    %mul3A_341 = arith.mulf %gather3A_337, %get3A_244 : vector<16xf32>
    %mul3A_342 = arith.mulf %gather3A_338, %get3A_246 : vector<16xf32>
    %add3A_343 = arith.addf %mul3A_341, %mul3A_342 : vector<16xf32>
    %mul3A_344 = arith.mulf %gather3A_339, %get3A_248 : vector<16xf32>
    %add3A_345 = arith.addf %add3A_343, %mul3A_344 : vector<16xf32>
    %sub3A_346 = arith.subf %gather3A_340, %add3A_345 : vector<16xf32>
    %gt3A_347 = arith.constant 0.000000e+00 : f32
    %gt3A_348 = vector.broadcast %gt3A_347 : f32 to vector<16xf32>
    %gt3A_349 = arith.cmpf ogt, %sub3A_346, %gt3A_348 : vector<16xf32>
    %jit3A_350 = arith.constant 1 : i32
    %jit3A_351 = arith.constant 0 : i32
    %broadcast_in_dim3A_352 = vector.broadcast %jit3A_350 : i32 to vector<16xi32>
    %broadcast_in_dim3A_353 = vector.broadcast %jit3A_351 : i32 to vector<16xi32>
    %select_n3A_354 = arith.select %gt3A_349, %broadcast_in_dim3A_352, %broadcast_in_dim3A_353 : vector<16xi1>, vector<16xi32>
    %add3A_355 = arith.addi %add3A_334, %select_n3A_354 : vector<16xi32>
    %get3A_356 = arith.constant 656 : index
    %get3A_357 = tpu.vector_load %arg16[%get3A_356] {strides = array<i32>} : memref<1280xi32, #tpu.memory_space<vmem>>, vector<16xi32>,
    %gather3A_358 = tpu.vector_load_idx %arg12[%get3A_357] : memref<16384xf32, #tpu.memory_space<vmem>>[vector<16xi32>], vector<16xf32>,
    %gather3A_359 = tpu.vector_load_idx %arg13[%get3A_357] : memref<16384xf32, #tpu.memory_space<vmem>>[vector<16xi32>], vector<16xf32>,
    %gather3A_360 = tpu.vector_load_idx %arg14[%get3A_357] : memref<16384xf32, #tpu.memory_space<vmem>>[vector<16xi32>], vector<16xf32>,
    %gather3A_361 = tpu.vector_load_idx %arg15[%get3A_357] : memref<16384xf32, #tpu.memory_space<vmem>>[vector<16xi32>], vector<16xf32>,
    %mul3A_362 = arith.mulf %gather3A_358, %get3A_244 : vector<16xf32>
    %mul3A_363 = arith.mulf %gather3A_359, %get3A_246 : vector<16xf32>
    %add3A_364 = arith.addf %mul3A_362, %mul3A_363 : vector<16xf32>
    %mul3A_365 = arith.mulf %gather3A_360, %get3A_248 : vector<16xf32>
    %add3A_366 = arith.addf %add3A_364, %mul3A_365 : vector<16xf32>
    %sub3A_367 = arith.subf %gather3A_361, %add3A_366 : vector<16xf32>
    %gt3A_368 = arith.constant 0.000000e+00 : f32
    %gt3A_369 = vector.broadcast %gt3A_368 : f32 to vector<16xf32>
    %gt3A_370 = arith.cmpf ogt, %sub3A_367, %gt3A_369 : vector<16xf32>
    %jit3A_371 = arith.constant 1 : i32
    %jit3A_372 = arith.constant 0 : i32
    %broadcast_in_dim3A_373 = vector.broadcast %jit3A_371 : i32 to vector<16xi32>
    %broadcast_in_dim3A_374 = vector.broadcast %jit3A_372 : i32 to vector<16xi32>
    %select_n3A_375 = arith.select %gt3A_370, %broadcast_in_dim3A_373, %broadcast_in_dim3A_374 : vector<16xi1>, vector<16xi32>
    %add3A_376 = arith.addi %add3A_355, %select_n3A_375 : vector<16xi32>
    %get3A_377 = arith.constant 784 : index
    %get3A_378 = tpu.vector_load %arg16[%get3A_377] {strides = array<i32>} : memref<1280xi32, #tpu.memory_space<vmem>>, vector<16xi32>,
    %gather3A_379 = tpu.vector_load_idx %arg12[%get3A_378] : memref<16384xf32, #tpu.memory_space<vmem>>[vector<16xi32>], vector<16xf32>,
    %gather3A_380 = tpu.vector_load_idx %arg13[%get3A_378] : memref<16384xf32, #tpu.memory_space<vmem>>[vector<16xi32>], vector<16xf32>,
    %gather3A_381 = tpu.vector_load_idx %arg14[%get3A_378] : memref<16384xf32, #tpu.memory_space<vmem>>[vector<16xi32>], vector<16xf32>,
    %gather3A_382 = tpu.vector_load_idx %arg15[%get3A_378] : memref<16384xf32, #tpu.memory_space<vmem>>[vector<16xi32>], vector<16xf32>,
    %mul3A_383 = arith.mulf %gather3A_379, %get3A_244 : vector<16xf32>
    %mul3A_384 = arith.mulf %gather3A_380, %get3A_246 : vector<16xf32>
    %add3A_385 = arith.addf %mul3A_383, %mul3A_384 : vector<16xf32>
    %mul3A_386 = arith.mulf %gather3A_381, %get3A_248 : vector<16xf32>
    %add3A_387 = arith.addf %add3A_385, %mul3A_386 : vector<16xf32>
    %sub3A_388 = arith.subf %gather3A_382, %add3A_387 : vector<16xf32>
    %gt3A_389 = arith.constant 0.000000e+00 : f32
    %gt3A_390 = vector.broadcast %gt3A_389 : f32 to vector<16xf32>
    %gt3A_391 = arith.cmpf ogt, %sub3A_388, %gt3A_390 : vector<16xf32>
    %jit3A_392 = arith.constant 1 : i32
    %jit3A_393 = arith.constant 0 : i32
    %broadcast_in_dim3A_394 = vector.broadcast %jit3A_392 : i32 to vector<16xi32>
    %broadcast_in_dim3A_395 = vector.broadcast %jit3A_393 : i32 to vector<16xi32>
    %select_n3A_396 = arith.select %gt3A_391, %broadcast_in_dim3A_394, %broadcast_in_dim3A_395 : vector<16xi1>, vector<16xi32>
    %add3A_397 = arith.addi %add3A_376, %select_n3A_396 : vector<16xi32>
    %get3A_398 = arith.constant 912 : index
    %get3A_399 = tpu.vector_load %arg16[%get3A_398] {strides = array<i32>} : memref<1280xi32, #tpu.memory_space<vmem>>, vector<16xi32>,
    %gather3A_400 = tpu.vector_load_idx %arg12[%get3A_399] : memref<16384xf32, #tpu.memory_space<vmem>>[vector<16xi32>], vector<16xf32>,
    %gather3A_401 = tpu.vector_load_idx %arg13[%get3A_399] : memref<16384xf32, #tpu.memory_space<vmem>>[vector<16xi32>], vector<16xf32>,
    %gather3A_402 = tpu.vector_load_idx %arg14[%get3A_399] : memref<16384xf32, #tpu.memory_space<vmem>>[vector<16xi32>], vector<16xf32>,
    %gather3A_403 = tpu.vector_load_idx %arg15[%get3A_399] : memref<16384xf32, #tpu.memory_space<vmem>>[vector<16xi32>], vector<16xf32>,
    %mul3A_404 = arith.mulf %gather3A_400, %get3A_244 : vector<16xf32>
    %mul3A_405 = arith.mulf %gather3A_401, %get3A_246 : vector<16xf32>
    %add3A_406 = arith.addf %mul3A_404, %mul3A_405 : vector<16xf32>
    %mul3A_407 = arith.mulf %gather3A_402, %get3A_248 : vector<16xf32>
    %add3A_408 = arith.addf %add3A_406, %mul3A_407 : vector<16xf32>
    %sub3A_409 = arith.subf %gather3A_403, %add3A_408 : vector<16xf32>
    %gt3A_410 = arith.constant 0.000000e+00 : f32
    %gt3A_411 = vector.broadcast %gt3A_410 : f32 to vector<16xf32>
    %gt3A_412 = arith.cmpf ogt, %sub3A_409, %gt3A_411 : vector<16xf32>
    %jit3A_413 = arith.constant 1 : i32
    %jit3A_414 = arith.constant 0 : i32
    %broadcast_in_dim3A_415 = vector.broadcast %jit3A_413 : i32 to vector<16xi32>
    %broadcast_in_dim3A_416 = vector.broadcast %jit3A_414 : i32 to vector<16xi32>
    %select_n3A_417 = arith.select %gt3A_412, %broadcast_in_dim3A_415, %broadcast_in_dim3A_416 : vector<16xi1>, vector<16xi32>
    %add3A_418 = arith.addi %add3A_397, %select_n3A_417 : vector<16xi32>
    %get3A_419 = arith.constant 1040 : index
    %get3A_420 = tpu.vector_load %arg16[%get3A_419] {strides = array<i32>} : memref<1280xi32, #tpu.memory_space<vmem>>, vector<16xi32>,
    %gather3A_421 = tpu.vector_load_idx %arg12[%get3A_420] : memref<16384xf32, #tpu.memory_space<vmem>>[vector<16xi32>], vector<16xf32>,
    %gather3A_422 = tpu.vector_load_idx %arg13[%get3A_420] : memref<16384xf32, #tpu.memory_space<vmem>>[vector<16xi32>], vector<16xf32>,
    %gather3A_423 = tpu.vector_load_idx %arg14[%get3A_420] : memref<16384xf32, #tpu.memory_space<vmem>>[vector<16xi32>], vector<16xf32>,
    %gather3A_424 = tpu.vector_load_idx %arg15[%get3A_420] : memref<16384xf32, #tpu.memory_space<vmem>>[vector<16xi32>], vector<16xf32>,
    %mul3A_425 = arith.mulf %gather3A_421, %get3A_244 : vector<16xf32>
    %mul3A_426 = arith.mulf %gather3A_422, %get3A_246 : vector<16xf32>
    %add3A_427 = arith.addf %mul3A_425, %mul3A_426 : vector<16xf32>
    %mul3A_428 = arith.mulf %gather3A_423, %get3A_248 : vector<16xf32>
    %add3A_429 = arith.addf %add3A_427, %mul3A_428 : vector<16xf32>
    %sub3A_430 = arith.subf %gather3A_424, %add3A_429 : vector<16xf32>
    %gt3A_431 = arith.constant 0.000000e+00 : f32
    %gt3A_432 = vector.broadcast %gt3A_431 : f32 to vector<16xf32>
    %gt3A_433 = arith.cmpf ogt, %sub3A_430, %gt3A_432 : vector<16xf32>
    %jit3A_434 = arith.constant 1 : i32
    %jit3A_435 = arith.constant 0 : i32
    %broadcast_in_dim3A_436 = vector.broadcast %jit3A_434 : i32 to vector<16xi32>
    %broadcast_in_dim3A_437 = vector.broadcast %jit3A_435 : i32 to vector<16xi32>
    %select_n3A_438 = arith.select %gt3A_433, %broadcast_in_dim3A_436, %broadcast_in_dim3A_437 : vector<16xi1>, vector<16xi32>
    %add3A_439 = arith.addi %add3A_418, %select_n3A_438 : vector<16xi32>
    %get3A_440 = arith.constant 1168 : index
    %get3A_441 = tpu.vector_load %arg16[%get3A_440] {strides = array<i32>} : memref<1280xi32, #tpu.memory_space<vmem>>, vector<16xi32>,
    %gather3A_442 = tpu.vector_load_idx %arg12[%get3A_441] : memref<16384xf32, #tpu.memory_space<vmem>>[vector<16xi32>], vector<16xf32>,
    %gather3A_443 = tpu.vector_load_idx %arg13[%get3A_441] : memref<16384xf32, #tpu.memory_space<vmem>>[vector<16xi32>], vector<16xf32>,
    %gather3A_444 = tpu.vector_load_idx %arg14[%get3A_441] : memref<16384xf32, #tpu.memory_space<vmem>>[vector<16xi32>], vector<16xf32>,
    %gather3A_445 = tpu.vector_load_idx %arg15[%get3A_441] : memref<16384xf32, #tpu.memory_space<vmem>>[vector<16xi32>], vector<16xf32>,
    %mul3A_446 = arith.mulf %gather3A_442, %get3A_244 : vector<16xf32>
    %mul3A_447 = arith.mulf %gather3A_443, %get3A_246 : vector<16xf32>
    %add3A_448 = arith.addf %mul3A_446, %mul3A_447 : vector<16xf32>
    %mul3A_449 = arith.mulf %gather3A_444, %get3A_248 : vector<16xf32>
    %add3A_450 = arith.addf %add3A_448, %mul3A_449 : vector<16xf32>
    %sub3A_451 = arith.subf %gather3A_445, %add3A_450 : vector<16xf32>
    %gt3A_452 = arith.constant 0.000000e+00 : f32
    %gt3A_453 = vector.broadcast %gt3A_452 : f32 to vector<16xf32>
    %gt3A_454 = arith.cmpf ogt, %sub3A_451, %gt3A_453 : vector<16xf32>
    %jit3A_455 = arith.constant 1 : i32
    %jit3A_456 = arith.constant 0 : i32
    %broadcast_in_dim3A_457 = vector.broadcast %jit3A_455 : i32 to vector<16xi32>
    %broadcast_in_dim3A_458 = vector.broadcast %jit3A_456 : i32 to vector<16xi32>
    %select_n3A_459 = arith.select %gt3A_454, %broadcast_in_dim3A_457, %broadcast_in_dim3A_458 : vector<16xi1>, vector<16xi32>
    %add3A_460 = arith.addi %add3A_439, %select_n3A_459 : vector<16xi32>
    %get3A_461 = arith.constant 16 : index
    %get3A_462 = tpu.vector_load %arg20[%get3A_461] {strides = array<i32>} : memref<128xf32, #tpu.memory_space<vmem>>, vector<16xf32>,
    %gt3A_463 = arith.constant 8 : i32
    %gt3A_464 = vector.broadcast %gt3A_463 : i32 to vector<16xi32>
    %gt3A_465 = arith.cmpi sgt, %add3A_460, %gt3A_464 : vector<16xi32>
    %neg3A_466 = arith.constant 0.000000e+00 : f32
    %neg3A_467 = vector.broadcast %neg3A_466 : f32 to vector<16xf32>
    %neg3A_468 = arith.subf %neg3A_467, %get3A_462 : vector<16xf32>
    %select_n3A_469 = arith.select %gt3A_465, %neg3A_468, %get3A_462 : vector<16xi1>, vector<16xf32>
    %min3A_470 = arith.minimumf %get3A_248, %select_n3A_469 : vector<16xf32>
    %swap3A_471 = arith.constant 16 : index
    %swap3A_472 = tpu.vector_load %arg21[%swap3A_471] {strides = array<i32>} : memref<128xf32, #tpu.memory_space<vmem>>, vector<16xf32>,
    tpu.vector_store %arg21[%swap3A_471], %min3A_470 {strides = array<i32>} : memref<128xf32, #tpu.memory_space<vmem>>, vector<16xf32>,
    %get3A_473 = arith.constant 32 : index
    %get3A_474 = tpu.vector_load %arg17[%get3A_473] {strides = array<i32>} : memref<128xf32, #tpu.memory_space<vmem>>, vector<16xf32>,
    %get3A_475 = arith.constant 32 : index
    %get3A_476 = tpu.vector_load %arg18[%get3A_475] {strides = array<i32>} : memref<128xf32, #tpu.memory_space<vmem>>, vector<16xf32>,
    %get3A_477 = arith.constant 32 : index
    %get3A_478 = tpu.vector_load %arg19[%get3A_477] {strides = array<i32>} : memref<128xf32, #tpu.memory_space<vmem>>, vector<16xf32>,
    %broadcast_in_dim3A_479 = arith.constant 0 : i32
    %broadcast_in_dim3A_480 = vector.broadcast %broadcast_in_dim3A_479 : i32 to vector<16xi32>
    %get3A_481 = arith.constant 32 : index
    %get3A_482 = tpu.vector_load %arg16[%get3A_481] {strides = array<i32>} : memref<1280xi32, #tpu.memory_space<vmem>>, vector<16xi32>,
    %gather3A_483 = tpu.vector_load_idx %arg12[%get3A_482] : memref<16384xf32, #tpu.memory_space<vmem>>[vector<16xi32>], vector<16xf32>,
    %gather3A_484 = tpu.vector_load_idx %arg13[%get3A_482] : memref<16384xf32, #tpu.memory_space<vmem>>[vector<16xi32>], vector<16xf32>,
    %gather3A_485 = tpu.vector_load_idx %arg14[%get3A_482] : memref<16384xf32, #tpu.memory_space<vmem>>[vector<16xi32>], vector<16xf32>,
    %gather3A_486 = tpu.vector_load_idx %arg15[%get3A_482] : memref<16384xf32, #tpu.memory_space<vmem>>[vector<16xi32>], vector<16xf32>,
    %mul3A_487 = arith.mulf %gather3A_483, %get3A_474 : vector<16xf32>
    %mul3A_488 = arith.mulf %gather3A_484, %get3A_476 : vector<16xf32>
    %add3A_489 = arith.addf %mul3A_487, %mul3A_488 : vector<16xf32>
    %mul3A_490 = arith.mulf %gather3A_485, %get3A_478 : vector<16xf32>
    %add3A_491 = arith.addf %add3A_489, %mul3A_490 : vector<16xf32>
    %sub3A_492 = arith.subf %gather3A_486, %add3A_491 : vector<16xf32>
    %gt3A_493 = arith.constant 0.000000e+00 : f32
    %gt3A_494 = vector.broadcast %gt3A_493 : f32 to vector<16xf32>
    %gt3A_495 = arith.cmpf ogt, %sub3A_492, %gt3A_494 : vector<16xf32>
    %jit3A_496 = arith.constant 1 : i32
    %jit3A_497 = arith.constant 0 : i32
    %broadcast_in_dim3A_498 = vector.broadcast %jit3A_496 : i32 to vector<16xi32>
    %broadcast_in_dim3A_499 = vector.broadcast %jit3A_497 : i32 to vector<16xi32>
    %select_n3A_500 = arith.select %gt3A_495, %broadcast_in_dim3A_498, %broadcast_in_dim3A_499 : vector<16xi1>, vector<16xi32>
    %add3A_501 = arith.addi %broadcast_in_dim3A_480, %select_n3A_500 : vector<16xi32>
    %get3A_502 = arith.constant 160 : index
    %get3A_503 = tpu.vector_load %arg16[%get3A_502] {strides = array<i32>} : memref<1280xi32, #tpu.memory_space<vmem>>, vector<16xi32>,
    %gather3A_504 = tpu.vector_load_idx %arg12[%get3A_503] : memref<16384xf32, #tpu.memory_space<vmem>>[vector<16xi32>], vector<16xf32>,
    %gather3A_505 = tpu.vector_load_idx %arg13[%get3A_503] : memref<16384xf32, #tpu.memory_space<vmem>>[vector<16xi32>], vector<16xf32>,
    %gather3A_506 = tpu.vector_load_idx %arg14[%get3A_503] : memref<16384xf32, #tpu.memory_space<vmem>>[vector<16xi32>], vector<16xf32>,
    %gather3A_507 = tpu.vector_load_idx %arg15[%get3A_503] : memref<16384xf32, #tpu.memory_space<vmem>>[vector<16xi32>], vector<16xf32>,
    %mul3A_508 = arith.mulf %gather3A_504, %get3A_474 : vector<16xf32>
    %mul3A_509 = arith.mulf %gather3A_505, %get3A_476 : vector<16xf32>
    %add3A_510 = arith.addf %mul3A_508, %mul3A_509 : vector<16xf32>
    %mul3A_511 = arith.mulf %gather3A_506, %get3A_478 : vector<16xf32>
    %add3A_512 = arith.addf %add3A_510, %mul3A_511 : vector<16xf32>
    %sub3A_513 = arith.subf %gather3A_507, %add3A_512 : vector<16xf32>
    %gt3A_514 = arith.constant 0.000000e+00 : f32
    %gt3A_515 = vector.broadcast %gt3A_514 : f32 to vector<16xf32>
    %gt3A_516 = arith.cmpf ogt, %sub3A_513, %gt3A_515 : vector<16xf32>
    %jit3A_517 = arith.constant 1 : i32
    %jit3A_518 = arith.constant 0 : i32
    %broadcast_in_dim3A_519 = vector.broadcast %jit3A_517 : i32 to vector<16xi32>
    %broadcast_in_dim3A_520 = vector.broadcast %jit3A_518 : i32 to vector<16xi32>
    %select_n3A_521 = arith.select %gt3A_516, %broadcast_in_dim3A_519, %broadcast_in_dim3A_520 : vector<16xi1>, vector<16xi32>
    %add3A_522 = arith.addi %add3A_501, %select_n3A_521 : vector<16xi32>
    %get3A_523 = arith.constant 288 : index
    %get3A_524 = tpu.vector_load %arg16[%get3A_523] {strides = array<i32>} : memref<1280xi32, #tpu.memory_space<vmem>>, vector<16xi32>,
    %gather3A_525 = tpu.vector_load_idx %arg12[%get3A_524] : memref<16384xf32, #tpu.memory_space<vmem>>[vector<16xi32>], vector<16xf32>,
    %gather3A_526 = tpu.vector_load_idx %arg13[%get3A_524] : memref<16384xf32, #tpu.memory_space<vmem>>[vector<16xi32>], vector<16xf32>,
    %gather3A_527 = tpu.vector_load_idx %arg14[%get3A_524] : memref<16384xf32, #tpu.memory_space<vmem>>[vector<16xi32>], vector<16xf32>,
    %gather3A_528 = tpu.vector_load_idx %arg15[%get3A_524] : memref<16384xf32, #tpu.memory_space<vmem>>[vector<16xi32>], vector<16xf32>,
    %mul3A_529 = arith.mulf %gather3A_525, %get3A_474 : vector<16xf32>
    %mul3A_530 = arith.mulf %gather3A_526, %get3A_476 : vector<16xf32>
    %add3A_531 = arith.addf %mul3A_529, %mul3A_530 : vector<16xf32>
    %mul3A_532 = arith.mulf %gather3A_527, %get3A_478 : vector<16xf32>
    %add3A_533 = arith.addf %add3A_531, %mul3A_532 : vector<16xf32>
    %sub3A_534 = arith.subf %gather3A_528, %add3A_533 : vector<16xf32>
    %gt3A_535 = arith.constant 0.000000e+00 : f32
    %gt3A_536 = vector.broadcast %gt3A_535 : f32 to vector<16xf32>
    %gt3A_537 = arith.cmpf ogt, %sub3A_534, %gt3A_536 : vector<16xf32>
    %jit3A_538 = arith.constant 1 : i32
    %jit3A_539 = arith.constant 0 : i32
    %broadcast_in_dim3A_540 = vector.broadcast %jit3A_538 : i32 to vector<16xi32>
    %broadcast_in_dim3A_541 = vector.broadcast %jit3A_539 : i32 to vector<16xi32>
    %select_n3A_542 = arith.select %gt3A_537, %broadcast_in_dim3A_540, %broadcast_in_dim3A_541 : vector<16xi1>, vector<16xi32>
    %add3A_543 = arith.addi %add3A_522, %select_n3A_542 : vector<16xi32>
    %get3A_544 = arith.constant 416 : index
    %get3A_545 = tpu.vector_load %arg16[%get3A_544] {strides = array<i32>} : memref<1280xi32, #tpu.memory_space<vmem>>, vector<16xi32>,
    %gather3A_546 = tpu.vector_load_idx %arg12[%get3A_545] : memref<16384xf32, #tpu.memory_space<vmem>>[vector<16xi32>], vector<16xf32>,
    %gather3A_547 = tpu.vector_load_idx %arg13[%get3A_545] : memref<16384xf32, #tpu.memory_space<vmem>>[vector<16xi32>], vector<16xf32>,
    %gather3A_548 = tpu.vector_load_idx %arg14[%get3A_545] : memref<16384xf32, #tpu.memory_space<vmem>>[vector<16xi32>], vector<16xf32>,
    %gather3A_549 = tpu.vector_load_idx %arg15[%get3A_545] : memref<16384xf32, #tpu.memory_space<vmem>>[vector<16xi32>], vector<16xf32>,
    %mul3A_550 = arith.mulf %gather3A_546, %get3A_474 : vector<16xf32>
    %mul3A_551 = arith.mulf %gather3A_547, %get3A_476 : vector<16xf32>
    %add3A_552 = arith.addf %mul3A_550, %mul3A_551 : vector<16xf32>
    %mul3A_553 = arith.mulf %gather3A_548, %get3A_478 : vector<16xf32>
    %add3A_554 = arith.addf %add3A_552, %mul3A_553 : vector<16xf32>
    %sub3A_555 = arith.subf %gather3A_549, %add3A_554 : vector<16xf32>
    %gt3A_556 = arith.constant 0.000000e+00 : f32
    %gt3A_557 = vector.broadcast %gt3A_556 : f32 to vector<16xf32>
    %gt3A_558 = arith.cmpf ogt, %sub3A_555, %gt3A_557 : vector<16xf32>
    %jit3A_559 = arith.constant 1 : i32
    %jit3A_560 = arith.constant 0 : i32
    %broadcast_in_dim3A_561 = vector.broadcast %jit3A_559 : i32 to vector<16xi32>
    %broadcast_in_dim3A_562 = vector.broadcast %jit3A_560 : i32 to vector<16xi32>
    %select_n3A_563 = arith.select %gt3A_558, %broadcast_in_dim3A_561, %broadcast_in_dim3A_562 : vector<16xi1>, vector<16xi32>
    %add3A_564 = arith.addi %add3A_543, %select_n3A_563 : vector<16xi32>
    %get3A_565 = arith.constant 544 : index
    %get3A_566 = tpu.vector_load %arg16[%get3A_565] {strides = array<i32>} : memref<1280xi32, #tpu.memory_space<vmem>>, vector<16xi32>,
    %gather3A_567 = tpu.vector_load_idx %arg12[%get3A_566] : memref<16384xf32, #tpu.memory_space<vmem>>[vector<16xi32>], vector<16xf32>,
    %gather3A_568 = tpu.vector_load_idx %arg13[%get3A_566] : memref<16384xf32, #tpu.memory_space<vmem>>[vector<16xi32>], vector<16xf32>,
    %gather3A_569 = tpu.vector_load_idx %arg14[%get3A_566] : memref<16384xf32, #tpu.memory_space<vmem>>[vector<16xi32>], vector<16xf32>,
    %gather3A_570 = tpu.vector_load_idx %arg15[%get3A_566] : memref<16384xf32, #tpu.memory_space<vmem>>[vector<16xi32>], vector<16xf32>,
    %mul3A_571 = arith.mulf %gather3A_567, %get3A_474 : vector<16xf32>
    %mul3A_572 = arith.mulf %gather3A_568, %get3A_476 : vector<16xf32>
    %add3A_573 = arith.addf %mul3A_571, %mul3A_572 : vector<16xf32>
    %mul3A_574 = arith.mulf %gather3A_569, %get3A_478 : vector<16xf32>
    %add3A_575 = arith.addf %add3A_573, %mul3A_574 : vector<16xf32>
    %sub3A_576 = arith.subf %gather3A_570, %add3A_575 : vector<16xf32>
    %gt3A_577 = arith.constant 0.000000e+00 : f32
    %gt3A_578 = vector.broadcast %gt3A_577 : f32 to vector<16xf32>
    %gt3A_579 = arith.cmpf ogt, %sub3A_576, %gt3A_578 : vector<16xf32>
    %jit3A_580 = arith.constant 1 : i32
    %jit3A_581 = arith.constant 0 : i32
    %broadcast_in_dim3A_582 = vector.broadcast %jit3A_580 : i32 to vector<16xi32>
    %broadcast_in_dim3A_583 = vector.broadcast %jit3A_581 : i32 to vector<16xi32>
    %select_n3A_584 = arith.select %gt3A_579, %broadcast_in_dim3A_582, %broadcast_in_dim3A_583 : vector<16xi1>, vector<16xi32>
    %add3A_585 = arith.addi %add3A_564, %select_n3A_584 : vector<16xi32>
    %get3A_586 = arith.constant 672 : index
    %get3A_587 = tpu.vector_load %arg16[%get3A_586] {strides = array<i32>} : memref<1280xi32, #tpu.memory_space<vmem>>, vector<16xi32>,
    %gather3A_588 = tpu.vector_load_idx %arg12[%get3A_587] : memref<16384xf32, #tpu.memory_space<vmem>>[vector<16xi32>], vector<16xf32>,
    %gather3A_589 = tpu.vector_load_idx %arg13[%get3A_587] : memref<16384xf32, #tpu.memory_space<vmem>>[vector<16xi32>], vector<16xf32>,
    %gather3A_590 = tpu.vector_load_idx %arg14[%get3A_587] : memref<16384xf32, #tpu.memory_space<vmem>>[vector<16xi32>], vector<16xf32>,
    %gather3A_591 = tpu.vector_load_idx %arg15[%get3A_587] : memref<16384xf32, #tpu.memory_space<vmem>>[vector<16xi32>], vector<16xf32>,
    %mul3A_592 = arith.mulf %gather3A_588, %get3A_474 : vector<16xf32>
    %mul3A_593 = arith.mulf %gather3A_589, %get3A_476 : vector<16xf32>
    %add3A_594 = arith.addf %mul3A_592, %mul3A_593 : vector<16xf32>
    %mul3A_595 = arith.mulf %gather3A_590, %get3A_478 : vector<16xf32>
    %add3A_596 = arith.addf %add3A_594, %mul3A_595 : vector<16xf32>
    %sub3A_597 = arith.subf %gather3A_591, %add3A_596 : vector<16xf32>
    %gt3A_598 = arith.constant 0.000000e+00 : f32
    %gt3A_599 = vector.broadcast %gt3A_598 : f32 to vector<16xf32>
    %gt3A_600 = arith.cmpf ogt, %sub3A_597, %gt3A_599 : vector<16xf32>
    %jit3A_601 = arith.constant 1 : i32
    %jit3A_602 = arith.constant 0 : i32
    %broadcast_in_dim3A_603 = vector.broadcast %jit3A_601 : i32 to vector<16xi32>
    %broadcast_in_dim3A_604 = vector.broadcast %jit3A_602 : i32 to vector<16xi32>
    %select_n3A_605 = arith.select %gt3A_600, %broadcast_in_dim3A_603, %broadcast_in_dim3A_604 : vector<16xi1>, vector<16xi32>
    %add3A_606 = arith.addi %add3A_585, %select_n3A_605 : vector<16xi32>
    %get3A_607 = arith.constant 800 : index
    %get3A_608 = tpu.vector_load %arg16[%get3A_607] {strides = array<i32>} : memref<1280xi32, #tpu.memory_space<vmem>>, vector<16xi32>,
    %gather3A_609 = tpu.vector_load_idx %arg12[%get3A_608] : memref<16384xf32, #tpu.memory_space<vmem>>[vector<16xi32>], vector<16xf32>,
    %gather3A_610 = tpu.vector_load_idx %arg13[%get3A_608] : memref<16384xf32, #tpu.memory_space<vmem>>[vector<16xi32>], vector<16xf32>,
    %gather3A_611 = tpu.vector_load_idx %arg14[%get3A_608] : memref<16384xf32, #tpu.memory_space<vmem>>[vector<16xi32>], vector<16xf32>,
    %gather3A_612 = tpu.vector_load_idx %arg15[%get3A_608] : memref<16384xf32, #tpu.memory_space<vmem>>[vector<16xi32>], vector<16xf32>,
    %mul3A_613 = arith.mulf %gather3A_609, %get3A_474 : vector<16xf32>
    %mul3A_614 = arith.mulf %gather3A_610, %get3A_476 : vector<16xf32>
    %add3A_615 = arith.addf %mul3A_613, %mul3A_614 : vector<16xf32>
    %mul3A_616 = arith.mulf %gather3A_611, %get3A_478 : vector<16xf32>
    %add3A_617 = arith.addf %add3A_615, %mul3A_616 : vector<16xf32>
    %sub3A_618 = arith.subf %gather3A_612, %add3A_617 : vector<16xf32>
    %gt3A_619 = arith.constant 0.000000e+00 : f32
    %gt3A_620 = vector.broadcast %gt3A_619 : f32 to vector<16xf32>
    %gt3A_621 = arith.cmpf ogt, %sub3A_618, %gt3A_620 : vector<16xf32>
    %jit3A_622 = arith.constant 1 : i32
    %jit3A_623 = arith.constant 0 : i32
    %broadcast_in_dim3A_624 = vector.broadcast %jit3A_622 : i32 to vector<16xi32>
    %broadcast_in_dim3A_625 = vector.broadcast %jit3A_623 : i32 to vector<16xi32>
    %select_n3A_626 = arith.select %gt3A_621, %broadcast_in_dim3A_624, %broadcast_in_dim3A_625 : vector<16xi1>, vector<16xi32>
    %add3A_627 = arith.addi %add3A_606, %select_n3A_626 : vector<16xi32>
    %get3A_628 = arith.constant 928 : index
    %get3A_629 = tpu.vector_load %arg16[%get3A_628] {strides = array<i32>} : memref<1280xi32, #tpu.memory_space<vmem>>, vector<16xi32>,
    %gather3A_630 = tpu.vector_load_idx %arg12[%get3A_629] : memref<16384xf32, #tpu.memory_space<vmem>>[vector<16xi32>], vector<16xf32>,
    %gather3A_631 = tpu.vector_load_idx %arg13[%get3A_629] : memref<16384xf32, #tpu.memory_space<vmem>>[vector<16xi32>], vector<16xf32>,
    %gather3A_632 = tpu.vector_load_idx %arg14[%get3A_629] : memref<16384xf32, #tpu.memory_space<vmem>>[vector<16xi32>], vector<16xf32>,
    %gather3A_633 = tpu.vector_load_idx %arg15[%get3A_629] : memref<16384xf32, #tpu.memory_space<vmem>>[vector<16xi32>], vector<16xf32>,
    %mul3A_634 = arith.mulf %gather3A_630, %get3A_474 : vector<16xf32>
    %mul3A_635 = arith.mulf %gather3A_631, %get3A_476 : vector<16xf32>
    %add3A_636 = arith.addf %mul3A_634, %mul3A_635 : vector<16xf32>
    %mul3A_637 = arith.mulf %gather3A_632, %get3A_478 : vector<16xf32>
    %add3A_638 = arith.addf %add3A_636, %mul3A_637 : vector<16xf32>
    %sub3A_639 = arith.subf %gather3A_633, %add3A_638 : vector<16xf32>
    %gt3A_640 = arith.constant 0.000000e+00 : f32
    %gt3A_641 = vector.broadcast %gt3A_640 : f32 to vector<16xf32>
    %gt3A_642 = arith.cmpf ogt, %sub3A_639, %gt3A_641 : vector<16xf32>
    %jit3A_643 = arith.constant 1 : i32
    %jit3A_644 = arith.constant 0 : i32
    %broadcast_in_dim3A_645 = vector.broadcast %jit3A_643 : i32 to vector<16xi32>
    %broadcast_in_dim3A_646 = vector.broadcast %jit3A_644 : i32 to vector<16xi32>
    %select_n3A_647 = arith.select %gt3A_642, %broadcast_in_dim3A_645, %broadcast_in_dim3A_646 : vector<16xi1>, vector<16xi32>
    %add3A_648 = arith.addi %add3A_627, %select_n3A_647 : vector<16xi32>
    %get3A_649 = arith.constant 1056 : index
    %get3A_650 = tpu.vector_load %arg16[%get3A_649] {strides = array<i32>} : memref<1280xi32, #tpu.memory_space<vmem>>, vector<16xi32>,
    %gather3A_651 = tpu.vector_load_idx %arg12[%get3A_650] : memref<16384xf32, #tpu.memory_space<vmem>>[vector<16xi32>], vector<16xf32>,
    %gather3A_652 = tpu.vector_load_idx %arg13[%get3A_650] : memref<16384xf32, #tpu.memory_space<vmem>>[vector<16xi32>], vector<16xf32>,
    %gather3A_653 = tpu.vector_load_idx %arg14[%get3A_650] : memref<16384xf32, #tpu.memory_space<vmem>>[vector<16xi32>], vector<16xf32>,
    %gather3A_654 = tpu.vector_load_idx %arg15[%get3A_650] : memref<16384xf32, #tpu.memory_space<vmem>>[vector<16xi32>], vector<16xf32>,
    %mul3A_655 = arith.mulf %gather3A_651, %get3A_474 : vector<16xf32>
    %mul3A_656 = arith.mulf %gather3A_652, %get3A_476 : vector<16xf32>
    %add3A_657 = arith.addf %mul3A_655, %mul3A_656 : vector<16xf32>
    %mul3A_658 = arith.mulf %gather3A_653, %get3A_478 : vector<16xf32>
    %add3A_659 = arith.addf %add3A_657, %mul3A_658 : vector<16xf32>
    %sub3A_660 = arith.subf %gather3A_654, %add3A_659 : vector<16xf32>
    %gt3A_661 = arith.constant 0.000000e+00 : f32
    %gt3A_662 = vector.broadcast %gt3A_661 : f32 to vector<16xf32>
    %gt3A_663 = arith.cmpf ogt, %sub3A_660, %gt3A_662 : vector<16xf32>
    %jit3A_664 = arith.constant 1 : i32
    %jit3A_665 = arith.constant 0 : i32
    %broadcast_in_dim3A_666 = vector.broadcast %jit3A_664 : i32 to vector<16xi32>
    %broadcast_in_dim3A_667 = vector.broadcast %jit3A_665 : i32 to vector<16xi32>
    %select_n3A_668 = arith.select %gt3A_663, %broadcast_in_dim3A_666, %broadcast_in_dim3A_667 : vector<16xi1>, vector<16xi32>
    %add3A_669 = arith.addi %add3A_648, %select_n3A_668 : vector<16xi32>
    %get3A_670 = arith.constant 1184 : index
    %get3A_671 = tpu.vector_load %arg16[%get3A_670] {strides = array<i32>} : memref<1280xi32, #tpu.memory_space<vmem>>, vector<16xi32>,
    %gather3A_672 = tpu.vector_load_idx %arg12[%get3A_671] : memref<16384xf32, #tpu.memory_space<vmem>>[vector<16xi32>], vector<16xf32>,
    %gather3A_673 = tpu.vector_load_idx %arg13[%get3A_671] : memref<16384xf32, #tpu.memory_space<vmem>>[vector<16xi32>], vector<16xf32>,
    %gather3A_674 = tpu.vector_load_idx %arg14[%get3A_671] : memref<16384xf32, #tpu.memory_space<vmem>>[vector<16xi32>], vector<16xf32>,
    %gather3A_675 = tpu.vector_load_idx %arg15[%get3A_671] : memref<16384xf32, #tpu.memory_space<vmem>>[vector<16xi32>], vector<16xf32>,
    %mul3A_676 = arith.mulf %gather3A_672, %get3A_474 : vector<16xf32>
    %mul3A_677 = arith.mulf %gather3A_673, %get3A_476 : vector<16xf32>
    %add3A_678 = arith.addf %mul3A_676, %mul3A_677 : vector<16xf32>
    %mul3A_679 = arith.mulf %gather3A_674, %get3A_478 : vector<16xf32>
    %add3A_680 = arith.addf %add3A_678, %mul3A_679 : vector<16xf32>
    %sub3A_681 = arith.subf %gather3A_675, %add3A_680 : vector<16xf32>
    %gt3A_682 = arith.constant 0.000000e+00 : f32
    %gt3A_683 = vector.broadcast %gt3A_682 : f32 to vector<16xf32>
    %gt3A_684 = arith.cmpf ogt, %sub3A_681, %gt3A_683 : vector<16xf32>
    %jit3A_685 = arith.constant 1 : i32
    %jit3A_686 = arith.constant 0 : i32
    %broadcast_in_dim3A_687 = vector.broadcast %jit3A_685 : i32 to vector<16xi32>
    %broadcast_in_dim3A_688 = vector.broadcast %jit3A_686 : i32 to vector<16xi32>
    %select_n3A_689 = arith.select %gt3A_684, %broadcast_in_dim3A_687, %broadcast_in_dim3A_688 : vector<16xi1>, vector<16xi32>
    %add3A_690 = arith.addi %add3A_669, %select_n3A_689 : vector<16xi32>
    %get3A_691 = arith.constant 32 : index
    %get3A_692 = tpu.vector_load %arg20[%get3A_691] {strides = array<i32>} : memref<128xf32, #tpu.memory_space<vmem>>, vector<16xf32>,
    %gt3A_693 = arith.constant 8 : i32
    %gt3A_694 = vector.broadcast %gt3A_693 : i32 to vector<16xi32>
    %gt3A_695 = arith.cmpi sgt, %add3A_690, %gt3A_694 : vector<16xi32>
    %neg3A_696 = arith.constant 0.000000e+00 : f32
    %neg3A_697 = vector.broadcast %neg3A_696 : f32 to vector<16xf32>
    %neg3A_698 = arith.subf %neg3A_697, %get3A_692 : vector<16xf32>
    %select_n3A_699 = arith.select %gt3A_695, %neg3A_698, %get3A_692 : vector<16xi1>, vector<16xf32>
    %min3A_700 = arith.minimumf %get3A_478, %select_n3A_699 : vector<16xf32>
    %swap3A_701 = arith.constant 32 : index
    %swap3A_702 = tpu.vector_load %arg21[%swap3A_701] {strides = array<i32>} : memref<128xf32, #tpu.memory_space<vmem>>, vector<16xf32>,
    tpu.vector_store %arg21[%swap3A_701], %min3A_700 {strides = array<i32>} : memref<128xf32, #tpu.memory_space<vmem>>, vector<16xf32>,
    %get3A_703 = arith.constant 48 : index
    %get3A_704 = tpu.vector_load %arg17[%get3A_703] {strides = array<i32>} : memref<128xf32, #tpu.memory_space<vmem>>, vector<16xf32>,
    %get3A_705 = arith.constant 48 : index
    %get3A_706 = tpu.vector_load %arg18[%get3A_705] {strides = array<i32>} : memref<128xf32, #tpu.memory_space<vmem>>, vector<16xf32>,
    %get3A_707 = arith.constant 48 : index
    %get3A_708 = tpu.vector_load %arg19[%get3A_707] {strides = array<i32>} : memref<128xf32, #tpu.memory_space<vmem>>, vector<16xf32>,
    %broadcast_in_dim3A_709 = arith.constant 0 : i32
    %broadcast_in_dim3A_710 = vector.broadcast %broadcast_in_dim3A_709 : i32 to vector<16xi32>
    %get3A_711 = arith.constant 48 : index
    %get3A_712 = tpu.vector_load %arg16[%get3A_711] {strides = array<i32>} : memref<1280xi32, #tpu.memory_space<vmem>>, vector<16xi32>,
    %gather3A_713 = tpu.vector_load_idx %arg12[%get3A_712] : memref<16384xf32, #tpu.memory_space<vmem>>[vector<16xi32>], vector<16xf32>,
    %gather3A_714 = tpu.vector_load_idx %arg13[%get3A_712] : memref<16384xf32, #tpu.memory_space<vmem>>[vector<16xi32>], vector<16xf32>,
    %gather3A_715 = tpu.vector_load_idx %arg14[%get3A_712] : memref<16384xf32, #tpu.memory_space<vmem>>[vector<16xi32>], vector<16xf32>,
    %gather3A_716 = tpu.vector_load_idx %arg15[%get3A_712] : memref<16384xf32, #tpu.memory_space<vmem>>[vector<16xi32>], vector<16xf32>,
    %mul3A_717 = arith.mulf %gather3A_713, %get3A_704 : vector<16xf32>
    %mul3A_718 = arith.mulf %gather3A_714, %get3A_706 : vector<16xf32>
    %add3A_719 = arith.addf %mul3A_717, %mul3A_718 : vector<16xf32>
    %mul3A_720 = arith.mulf %gather3A_715, %get3A_708 : vector<16xf32>
    %add3A_721 = arith.addf %add3A_719, %mul3A_720 : vector<16xf32>
    %sub3A_722 = arith.subf %gather3A_716, %add3A_721 : vector<16xf32>
    %gt3A_723 = arith.constant 0.000000e+00 : f32
    %gt3A_724 = vector.broadcast %gt3A_723 : f32 to vector<16xf32>
    %gt3A_725 = arith.cmpf ogt, %sub3A_722, %gt3A_724 : vector<16xf32>
    %jit3A_726 = arith.constant 1 : i32
    %jit3A_727 = arith.constant 0 : i32
    %broadcast_in_dim3A_728 = vector.broadcast %jit3A_726 : i32 to vector<16xi32>
    %broadcast_in_dim3A_729 = vector.broadcast %jit3A_727 : i32 to vector<16xi32>
    %select_n3A_730 = arith.select %gt3A_725, %broadcast_in_dim3A_728, %broadcast_in_dim3A_729 : vector<16xi1>, vector<16xi32>
    %add3A_731 = arith.addi %broadcast_in_dim3A_710, %select_n3A_730 : vector<16xi32>
    %get3A_732 = arith.constant 176 : index
    %get3A_733 = tpu.vector_load %arg16[%get3A_732] {strides = array<i32>} : memref<1280xi32, #tpu.memory_space<vmem>>, vector<16xi32>,
    %gather3A_734 = tpu.vector_load_idx %arg12[%get3A_733] : memref<16384xf32, #tpu.memory_space<vmem>>[vector<16xi32>], vector<16xf32>,
    %gather3A_735 = tpu.vector_load_idx %arg13[%get3A_733] : memref<16384xf32, #tpu.memory_space<vmem>>[vector<16xi32>], vector<16xf32>,
    %gather3A_736 = tpu.vector_load_idx %arg14[%get3A_733] : memref<16384xf32, #tpu.memory_space<vmem>>[vector<16xi32>], vector<16xf32>,
    %gather3A_737 = tpu.vector_load_idx %arg15[%get3A_733] : memref<16384xf32, #tpu.memory_space<vmem>>[vector<16xi32>], vector<16xf32>,
    %mul3A_738 = arith.mulf %gather3A_734, %get3A_704 : vector<16xf32>
    %mul3A_739 = arith.mulf %gather3A_735, %get3A_706 : vector<16xf32>
    %add3A_740 = arith.addf %mul3A_738, %mul3A_739 : vector<16xf32>
    %mul3A_741 = arith.mulf %gather3A_736, %get3A_708 : vector<16xf32>
    %add3A_742 = arith.addf %add3A_740, %mul3A_741 : vector<16xf32>
    %sub3A_743 = arith.subf %gather3A_737, %add3A_742 : vector<16xf32>
    %gt3A_744 = arith.constant 0.000000e+00 : f32
    %gt3A_745 = vector.broadcast %gt3A_744 : f32 to vector<16xf32>
    %gt3A_746 = arith.cmpf ogt, %sub3A_743, %gt3A_745 : vector<16xf32>
    %jit3A_747 = arith.constant 1 : i32
    %jit3A_748 = arith.constant 0 : i32
    %broadcast_in_dim3A_749 = vector.broadcast %jit3A_747 : i32 to vector<16xi32>
    %broadcast_in_dim3A_750 = vector.broadcast %jit3A_748 : i32 to vector<16xi32>
    %select_n3A_751 = arith.select %gt3A_746, %broadcast_in_dim3A_749, %broadcast_in_dim3A_750 : vector<16xi1>, vector<16xi32>
    %add3A_752 = arith.addi %add3A_731, %select_n3A_751 : vector<16xi32>
    %get3A_753 = arith.constant 304 : index
    %get3A_754 = tpu.vector_load %arg16[%get3A_753] {strides = array<i32>} : memref<1280xi32, #tpu.memory_space<vmem>>, vector<16xi32>,
    %gather3A_755 = tpu.vector_load_idx %arg12[%get3A_754] : memref<16384xf32, #tpu.memory_space<vmem>>[vector<16xi32>], vector<16xf32>,
    %gather3A_756 = tpu.vector_load_idx %arg13[%get3A_754] : memref<16384xf32, #tpu.memory_space<vmem>>[vector<16xi32>], vector<16xf32>,
    %gather3A_757 = tpu.vector_load_idx %arg14[%get3A_754] : memref<16384xf32, #tpu.memory_space<vmem>>[vector<16xi32>], vector<16xf32>,
    %gather3A_758 = tpu.vector_load_idx %arg15[%get3A_754] : memref<16384xf32, #tpu.memory_space<vmem>>[vector<16xi32>], vector<16xf32>,
    %mul3A_759 = arith.mulf %gather3A_755, %get3A_704 : vector<16xf32>
    %mul3A_760 = arith.mulf %gather3A_756, %get3A_706 : vector<16xf32>
    %add3A_761 = arith.addf %mul3A_759, %mul3A_760 : vector<16xf32>
    %mul3A_762 = arith.mulf %gather3A_757, %get3A_708 : vector<16xf32>
    %add3A_763 = arith.addf %add3A_761, %mul3A_762 : vector<16xf32>
    %sub3A_764 = arith.subf %gather3A_758, %add3A_763 : vector<16xf32>
    %gt3A_765 = arith.constant 0.000000e+00 : f32
    %gt3A_766 = vector.broadcast %gt3A_765 : f32 to vector<16xf32>
    %gt3A_767 = arith.cmpf ogt, %sub3A_764, %gt3A_766 : vector<16xf32>
    %jit3A_768 = arith.constant 1 : i32
    %jit3A_769 = arith.constant 0 : i32
    %broadcast_in_dim3A_770 = vector.broadcast %jit3A_768 : i32 to vector<16xi32>
    %broadcast_in_dim3A_771 = vector.broadcast %jit3A_769 : i32 to vector<16xi32>
    %select_n3A_772 = arith.select %gt3A_767, %broadcast_in_dim3A_770, %broadcast_in_dim3A_771 : vector<16xi1>, vector<16xi32>
    %add3A_773 = arith.addi %add3A_752, %select_n3A_772 : vector<16xi32>
    %get3A_774 = arith.constant 432 : index
    %get3A_775 = tpu.vector_load %arg16[%get3A_774] {strides = array<i32>} : memref<1280xi32, #tpu.memory_space<vmem>>, vector<16xi32>,
    %gather3A_776 = tpu.vector_load_idx %arg12[%get3A_775] : memref<16384xf32, #tpu.memory_space<vmem>>[vector<16xi32>], vector<16xf32>,
    %gather3A_777 = tpu.vector_load_idx %arg13[%get3A_775] : memref<16384xf32, #tpu.memory_space<vmem>>[vector<16xi32>], vector<16xf32>,
    %gather3A_778 = tpu.vector_load_idx %arg14[%get3A_775] : memref<16384xf32, #tpu.memory_space<vmem>>[vector<16xi32>], vector<16xf32>,
    %gather3A_779 = tpu.vector_load_idx %arg15[%get3A_775] : memref<16384xf32, #tpu.memory_space<vmem>>[vector<16xi32>], vector<16xf32>,
    %mul3A_780 = arith.mulf %gather3A_776, %get3A_704 : vector<16xf32>
    %mul3A_781 = arith.mulf %gather3A_777, %get3A_706 : vector<16xf32>
    %add3A_782 = arith.addf %mul3A_780, %mul3A_781 : vector<16xf32>
    %mul3A_783 = arith.mulf %gather3A_778, %get3A_708 : vector<16xf32>
    %add3A_784 = arith.addf %add3A_782, %mul3A_783 : vector<16xf32>
    %sub3A_785 = arith.subf %gather3A_779, %add3A_784 : vector<16xf32>
    %gt3A_786 = arith.constant 0.000000e+00 : f32
    %gt3A_787 = vector.broadcast %gt3A_786 : f32 to vector<16xf32>
    %gt3A_788 = arith.cmpf ogt, %sub3A_785, %gt3A_787 : vector<16xf32>
    %jit3A_789 = arith.constant 1 : i32
    %jit3A_790 = arith.constant 0 : i32
    %broadcast_in_dim3A_791 = vector.broadcast %jit3A_789 : i32 to vector<16xi32>
    %broadcast_in_dim3A_792 = vector.broadcast %jit3A_790 : i32 to vector<16xi32>
    %select_n3A_793 = arith.select %gt3A_788, %broadcast_in_dim3A_791, %broadcast_in_dim3A_792 : vector<16xi1>, vector<16xi32>
    %add3A_794 = arith.addi %add3A_773, %select_n3A_793 : vector<16xi32>
    %get3A_795 = arith.constant 560 : index
    %get3A_796 = tpu.vector_load %arg16[%get3A_795] {strides = array<i32>} : memref<1280xi32, #tpu.memory_space<vmem>>, vector<16xi32>,
    %gather3A_797 = tpu.vector_load_idx %arg12[%get3A_796] : memref<16384xf32, #tpu.memory_space<vmem>>[vector<16xi32>], vector<16xf32>,
    %gather3A_798 = tpu.vector_load_idx %arg13[%get3A_796] : memref<16384xf32, #tpu.memory_space<vmem>>[vector<16xi32>], vector<16xf32>,
    %gather3A_799 = tpu.vector_load_idx %arg14[%get3A_796] : memref<16384xf32, #tpu.memory_space<vmem>>[vector<16xi32>], vector<16xf32>,
    %gather3A_800 = tpu.vector_load_idx %arg15[%get3A_796] : memref<16384xf32, #tpu.memory_space<vmem>>[vector<16xi32>], vector<16xf32>,
    %mul3A_801 = arith.mulf %gather3A_797, %get3A_704 : vector<16xf32>
    %mul3A_802 = arith.mulf %gather3A_798, %get3A_706 : vector<16xf32>
    %add3A_803 = arith.addf %mul3A_801, %mul3A_802 : vector<16xf32>
    %mul3A_804 = arith.mulf %gather3A_799, %get3A_708 : vector<16xf32>
    %add3A_805 = arith.addf %add3A_803, %mul3A_804 : vector<16xf32>
    %sub3A_806 = arith.subf %gather3A_800, %add3A_805 : vector<16xf32>
    %gt3A_807 = arith.constant 0.000000e+00 : f32
    %gt3A_808 = vector.broadcast %gt3A_807 : f32 to vector<16xf32>
    %gt3A_809 = arith.cmpf ogt, %sub3A_806, %gt3A_808 : vector<16xf32>
    %jit3A_810 = arith.constant 1 : i32
    %jit3A_811 = arith.constant 0 : i32
    %broadcast_in_dim3A_812 = vector.broadcast %jit3A_810 : i32 to vector<16xi32>
    %broadcast_in_dim3A_813 = vector.broadcast %jit3A_811 : i32 to vector<16xi32>
    %select_n3A_814 = arith.select %gt3A_809, %broadcast_in_dim3A_812, %broadcast_in_dim3A_813 : vector<16xi1>, vector<16xi32>
    %add3A_815 = arith.addi %add3A_794, %select_n3A_814 : vector<16xi32>
    %get3A_816 = arith.constant 688 : index
    %get3A_817 = tpu.vector_load %arg16[%get3A_816] {strides = array<i32>} : memref<1280xi32, #tpu.memory_space<vmem>>, vector<16xi32>,
    %gather3A_818 = tpu.vector_load_idx %arg12[%get3A_817] : memref<16384xf32, #tpu.memory_space<vmem>>[vector<16xi32>], vector<16xf32>,
    %gather3A_819 = tpu.vector_load_idx %arg13[%get3A_817] : memref<16384xf32, #tpu.memory_space<vmem>>[vector<16xi32>], vector<16xf32>,
    %gather3A_820 = tpu.vector_load_idx %arg14[%get3A_817] : memref<16384xf32, #tpu.memory_space<vmem>>[vector<16xi32>], vector<16xf32>,
    %gather3A_821 = tpu.vector_load_idx %arg15[%get3A_817] : memref<16384xf32, #tpu.memory_space<vmem>>[vector<16xi32>], vector<16xf32>,
    %mul3A_822 = arith.mulf %gather3A_818, %get3A_704 : vector<16xf32>
    %mul3A_823 = arith.mulf %gather3A_819, %get3A_706 : vector<16xf32>
    %add3A_824 = arith.addf %mul3A_822, %mul3A_823 : vector<16xf32>
    %mul3A_825 = arith.mulf %gather3A_820, %get3A_708 : vector<16xf32>
    %add3A_826 = arith.addf %add3A_824, %mul3A_825 : vector<16xf32>
    %sub3A_827 = arith.subf %gather3A_821, %add3A_826 : vector<16xf32>
    %gt3A_828 = arith.constant 0.000000e+00 : f32
    %gt3A_829 = vector.broadcast %gt3A_828 : f32 to vector<16xf32>
    %gt3A_830 = arith.cmpf ogt, %sub3A_827, %gt3A_829 : vector<16xf32>
    %jit3A_831 = arith.constant 1 : i32
    %jit3A_832 = arith.constant 0 : i32
    %broadcast_in_dim3A_833 = vector.broadcast %jit3A_831 : i32 to vector<16xi32>
    %broadcast_in_dim3A_834 = vector.broadcast %jit3A_832 : i32 to vector<16xi32>
    %select_n3A_835 = arith.select %gt3A_830, %broadcast_in_dim3A_833, %broadcast_in_dim3A_834 : vector<16xi1>, vector<16xi32>
    %add3A_836 = arith.addi %add3A_815, %select_n3A_835 : vector<16xi32>
    %get3A_837 = arith.constant 816 : index
    %get3A_838 = tpu.vector_load %arg16[%get3A_837] {strides = array<i32>} : memref<1280xi32, #tpu.memory_space<vmem>>, vector<16xi32>,
    %gather3A_839 = tpu.vector_load_idx %arg12[%get3A_838] : memref<16384xf32, #tpu.memory_space<vmem>>[vector<16xi32>], vector<16xf32>,
    %gather3A_840 = tpu.vector_load_idx %arg13[%get3A_838] : memref<16384xf32, #tpu.memory_space<vmem>>[vector<16xi32>], vector<16xf32>,
    %gather3A_841 = tpu.vector_load_idx %arg14[%get3A_838] : memref<16384xf32, #tpu.memory_space<vmem>>[vector<16xi32>], vector<16xf32>,
    %gather3A_842 = tpu.vector_load_idx %arg15[%get3A_838] : memref<16384xf32, #tpu.memory_space<vmem>>[vector<16xi32>], vector<16xf32>,
    %mul3A_843 = arith.mulf %gather3A_839, %get3A_704 : vector<16xf32>
    %mul3A_844 = arith.mulf %gather3A_840, %get3A_706 : vector<16xf32>
    %add3A_845 = arith.addf %mul3A_843, %mul3A_844 : vector<16xf32>
    %mul3A_846 = arith.mulf %gather3A_841, %get3A_708 : vector<16xf32>
    %add3A_847 = arith.addf %add3A_845, %mul3A_846 : vector<16xf32>
    %sub3A_848 = arith.subf %gather3A_842, %add3A_847 : vector<16xf32>
    %gt3A_849 = arith.constant 0.000000e+00 : f32
    %gt3A_850 = vector.broadcast %gt3A_849 : f32 to vector<16xf32>
    %gt3A_851 = arith.cmpf ogt, %sub3A_848, %gt3A_850 : vector<16xf32>
    %jit3A_852 = arith.constant 1 : i32
    %jit3A_853 = arith.constant 0 : i32
    %broadcast_in_dim3A_854 = vector.broadcast %jit3A_852 : i32 to vector<16xi32>
    %broadcast_in_dim3A_855 = vector.broadcast %jit3A_853 : i32 to vector<16xi32>
    %select_n3A_856 = arith.select %gt3A_851, %broadcast_in_dim3A_854, %broadcast_in_dim3A_855 : vector<16xi1>, vector<16xi32>
    %add3A_857 = arith.addi %add3A_836, %select_n3A_856 : vector<16xi32>
    %get3A_858 = arith.constant 944 : index
    %get3A_859 = tpu.vector_load %arg16[%get3A_858] {strides = array<i32>} : memref<1280xi32, #tpu.memory_space<vmem>>, vector<16xi32>,
    %gather3A_860 = tpu.vector_load_idx %arg12[%get3A_859] : memref<16384xf32, #tpu.memory_space<vmem>>[vector<16xi32>], vector<16xf32>,
    %gather3A_861 = tpu.vector_load_idx %arg13[%get3A_859] : memref<16384xf32, #tpu.memory_space<vmem>>[vector<16xi32>], vector<16xf32>,
    %gather3A_862 = tpu.vector_load_idx %arg14[%get3A_859] : memref<16384xf32, #tpu.memory_space<vmem>>[vector<16xi32>], vector<16xf32>,
    %gather3A_863 = tpu.vector_load_idx %arg15[%get3A_859] : memref<16384xf32, #tpu.memory_space<vmem>>[vector<16xi32>], vector<16xf32>,
    %mul3A_864 = arith.mulf %gather3A_860, %get3A_704 : vector<16xf32>
    %mul3A_865 = arith.mulf %gather3A_861, %get3A_706 : vector<16xf32>
    %add3A_866 = arith.addf %mul3A_864, %mul3A_865 : vector<16xf32>
    %mul3A_867 = arith.mulf %gather3A_862, %get3A_708 : vector<16xf32>
    %add3A_868 = arith.addf %add3A_866, %mul3A_867 : vector<16xf32>
    %sub3A_869 = arith.subf %gather3A_863, %add3A_868 : vector<16xf32>
    %gt3A_870 = arith.constant 0.000000e+00 : f32
    %gt3A_871 = vector.broadcast %gt3A_870 : f32 to vector<16xf32>
    %gt3A_872 = arith.cmpf ogt, %sub3A_869, %gt3A_871 : vector<16xf32>
    %jit3A_873 = arith.constant 1 : i32
    %jit3A_874 = arith.constant 0 : i32
    %broadcast_in_dim3A_875 = vector.broadcast %jit3A_873 : i32 to vector<16xi32>
    %broadcast_in_dim3A_876 = vector.broadcast %jit3A_874 : i32 to vector<16xi32>
    %select_n3A_877 = arith.select %gt3A_872, %broadcast_in_dim3A_875, %broadcast_in_dim3A_876 : vector<16xi1>, vector<16xi32>
    %add3A_878 = arith.addi %add3A_857, %select_n3A_877 : vector<16xi32>
    %get3A_879 = arith.constant 1072 : index
    %get3A_880 = tpu.vector_load %arg16[%get3A_879] {strides = array<i32>} : memref<1280xi32, #tpu.memory_space<vmem>>, vector<16xi32>,
    %gather3A_881 = tpu.vector_load_idx %arg12[%get3A_880] : memref<16384xf32, #tpu.memory_space<vmem>>[vector<16xi32>], vector<16xf32>,
    %gather3A_882 = tpu.vector_load_idx %arg13[%get3A_880] : memref<16384xf32, #tpu.memory_space<vmem>>[vector<16xi32>], vector<16xf32>,
    %gather3A_883 = tpu.vector_load_idx %arg14[%get3A_880] : memref<16384xf32, #tpu.memory_space<vmem>>[vector<16xi32>], vector<16xf32>,
    %gather3A_884 = tpu.vector_load_idx %arg15[%get3A_880] : memref<16384xf32, #tpu.memory_space<vmem>>[vector<16xi32>], vector<16xf32>,
    %mul3A_885 = arith.mulf %gather3A_881, %get3A_704 : vector<16xf32>
    %mul3A_886 = arith.mulf %gather3A_882, %get3A_706 : vector<16xf32>
    %add3A_887 = arith.addf %mul3A_885, %mul3A_886 : vector<16xf32>
    %mul3A_888 = arith.mulf %gather3A_883, %get3A_708 : vector<16xf32>
    %add3A_889 = arith.addf %add3A_887, %mul3A_888 : vector<16xf32>
    %sub3A_890 = arith.subf %gather3A_884, %add3A_889 : vector<16xf32>
    %gt3A_891 = arith.constant 0.000000e+00 : f32
    %gt3A_892 = vector.broadcast %gt3A_891 : f32 to vector<16xf32>
    %gt3A_893 = arith.cmpf ogt, %sub3A_890, %gt3A_892 : vector<16xf32>
    %jit3A_894 = arith.constant 1 : i32
    %jit3A_895 = arith.constant 0 : i32
    %broadcast_in_dim3A_896 = vector.broadcast %jit3A_894 : i32 to vector<16xi32>
    %broadcast_in_dim3A_897 = vector.broadcast %jit3A_895 : i32 to vector<16xi32>
    %select_n3A_898 = arith.select %gt3A_893, %broadcast_in_dim3A_896, %broadcast_in_dim3A_897 : vector<16xi1>, vector<16xi32>
    %add3A_899 = arith.addi %add3A_878, %select_n3A_898 : vector<16xi32>
    %get3A_900 = arith.constant 1200 : index
    %get3A_901 = tpu.vector_load %arg16[%get3A_900] {strides = array<i32>} : memref<1280xi32, #tpu.memory_space<vmem>>, vector<16xi32>,
    %gather3A_902 = tpu.vector_load_idx %arg12[%get3A_901] : memref<16384xf32, #tpu.memory_space<vmem>>[vector<16xi32>], vector<16xf32>,
    %gather3A_903 = tpu.vector_load_idx %arg13[%get3A_901] : memref<16384xf32, #tpu.memory_space<vmem>>[vector<16xi32>], vector<16xf32>,
    %gather3A_904 = tpu.vector_load_idx %arg14[%get3A_901] : memref<16384xf32, #tpu.memory_space<vmem>>[vector<16xi32>], vector<16xf32>,
    %gather3A_905 = tpu.vector_load_idx %arg15[%get3A_901] : memref<16384xf32, #tpu.memory_space<vmem>>[vector<16xi32>], vector<16xf32>,
    %mul3A_906 = arith.mulf %gather3A_902, %get3A_704 : vector<16xf32>
    %mul3A_907 = arith.mulf %gather3A_903, %get3A_706 : vector<16xf32>
    %add3A_908 = arith.addf %mul3A_906, %mul3A_907 : vector<16xf32>
    %mul3A_909 = arith.mulf %gather3A_904, %get3A_708 : vector<16xf32>
    %add3A_910 = arith.addf %add3A_908, %mul3A_909 : vector<16xf32>
    %sub3A_911 = arith.subf %gather3A_905, %add3A_910 : vector<16xf32>
    %gt3A_912 = arith.constant 0.000000e+00 : f32
    %gt3A_913 = vector.broadcast %gt3A_912 : f32 to vector<16xf32>
    %gt3A_914 = arith.cmpf ogt, %sub3A_911, %gt3A_913 : vector<16xf32>
    %jit3A_915 = arith.constant 1 : i32
    %jit3A_916 = arith.constant 0 : i32
    %broadcast_in_dim3A_917 = vector.broadcast %jit3A_915 : i32 to vector<16xi32>
    %broadcast_in_dim3A_918 = vector.broadcast %jit3A_916 : i32 to vector<16xi32>
    %select_n3A_919 = arith.select %gt3A_914, %broadcast_in_dim3A_917, %broadcast_in_dim3A_918 : vector<16xi1>, vector<16xi32>
    %add3A_920 = arith.addi %add3A_899, %select_n3A_919 : vector<16xi32>
    %get3A_921 = arith.constant 48 : index
    %get3A_922 = tpu.vector_load %arg20[%get3A_921] {strides = array<i32>} : memref<128xf32, #tpu.memory_space<vmem>>, vector<16xf32>,
    %gt3A_923 = arith.constant 8 : i32
    %gt3A_924 = vector.broadcast %gt3A_923 : i32 to vector<16xi32>
    %gt3A_925 = arith.cmpi sgt, %add3A_920, %gt3A_924 : vector<16xi32>
    %neg3A_926 = arith.constant 0.000000e+00 : f32
    %neg3A_927 = vector.broadcast %neg3A_926 : f32 to vector<16xf32>
    %neg3A_928 = arith.subf %neg3A_927, %get3A_922 : vector<16xf32>
    %select_n3A_929 = arith.select %gt3A_925, %neg3A_928, %get3A_922 : vector<16xi1>, vector<16xf32>
    %min3A_930 = arith.minimumf %get3A_708, %select_n3A_929 : vector<16xf32>
    %swap3A_931 = arith.constant 48 : index
    %swap3A_932 = tpu.vector_load %arg21[%swap3A_931] {strides = array<i32>} : memref<128xf32, #tpu.memory_space<vmem>>, vector<16xf32>,
    tpu.vector_store %arg21[%swap3A_931], %min3A_930 {strides = array<i32>} : memref<128xf32, #tpu.memory_space<vmem>>, vector<16xf32>,
    %get3A_933 = arith.constant 64 : index
    %get3A_934 = tpu.vector_load %arg17[%get3A_933] {strides = array<i32>} : memref<128xf32, #tpu.memory_space<vmem>>, vector<16xf32>,
    %get3A_935 = arith.constant 64 : index
    %get3A_936 = tpu.vector_load %arg18[%get3A_935] {strides = array<i32>} : memref<128xf32, #tpu.memory_space<vmem>>, vector<16xf32>,
    %get3A_937 = arith.constant 64 : index
    %get3A_938 = tpu.vector_load %arg19[%get3A_937] {strides = array<i32>} : memref<128xf32, #tpu.memory_space<vmem>>, vector<16xf32>,
    %broadcast_in_dim3A_939 = arith.constant 0 : i32
    %broadcast_in_dim3A_940 = vector.broadcast %broadcast_in_dim3A_939 : i32 to vector<16xi32>
    %get3A_941 = arith.constant 64 : index
    %get3A_942 = tpu.vector_load %arg16[%get3A_941] {strides = array<i32>} : memref<1280xi32, #tpu.memory_space<vmem>>, vector<16xi32>,
    %gather3A_943 = tpu.vector_load_idx %arg12[%get3A_942] : memref<16384xf32, #tpu.memory_space<vmem>>[vector<16xi32>], vector<16xf32>,
    %gather3A_944 = tpu.vector_load_idx %arg13[%get3A_942] : memref<16384xf32, #tpu.memory_space<vmem>>[vector<16xi32>], vector<16xf32>,
    %gather3A_945 = tpu.vector_load_idx %arg14[%get3A_942] : memref<16384xf32, #tpu.memory_space<vmem>>[vector<16xi32>], vector<16xf32>,
    %gather3A_946 = tpu.vector_load_idx %arg15[%get3A_942] : memref<16384xf32, #tpu.memory_space<vmem>>[vector<16xi32>], vector<16xf32>,
    %mul3A_947 = arith.mulf %gather3A_943, %get3A_934 : vector<16xf32>
    %mul3A_948 = arith.mulf %gather3A_944, %get3A_936 : vector<16xf32>
    %add3A_949 = arith.addf %mul3A_947, %mul3A_948 : vector<16xf32>
    %mul3A_950 = arith.mulf %gather3A_945, %get3A_938 : vector<16xf32>
    %add3A_951 = arith.addf %add3A_949, %mul3A_950 : vector<16xf32>
    %sub3A_952 = arith.subf %gather3A_946, %add3A_951 : vector<16xf32>
    %gt3A_953 = arith.constant 0.000000e+00 : f32
    %gt3A_954 = vector.broadcast %gt3A_953 : f32 to vector<16xf32>
    %gt3A_955 = arith.cmpf ogt, %sub3A_952, %gt3A_954 : vector<16xf32>
    %jit3A_956 = arith.constant 1 : i32
    %jit3A_957 = arith.constant 0 : i32
    %broadcast_in_dim3A_958 = vector.broadcast %jit3A_956 : i32 to vector<16xi32>
    %broadcast_in_dim3A_959 = vector.broadcast %jit3A_957 : i32 to vector<16xi32>
    %select_n3A_960 = arith.select %gt3A_955, %broadcast_in_dim3A_958, %broadcast_in_dim3A_959 : vector<16xi1>, vector<16xi32>
    %add3A_961 = arith.addi %broadcast_in_dim3A_940, %select_n3A_960 : vector<16xi32>
    %get3A_962 = arith.constant 192 : index
    %get3A_963 = tpu.vector_load %arg16[%get3A_962] {strides = array<i32>} : memref<1280xi32, #tpu.memory_space<vmem>>, vector<16xi32>,
    %gather3A_964 = tpu.vector_load_idx %arg12[%get3A_963] : memref<16384xf32, #tpu.memory_space<vmem>>[vector<16xi32>], vector<16xf32>,
    %gather3A_965 = tpu.vector_load_idx %arg13[%get3A_963] : memref<16384xf32, #tpu.memory_space<vmem>>[vector<16xi32>], vector<16xf32>,
    %gather3A_966 = tpu.vector_load_idx %arg14[%get3A_963] : memref<16384xf32, #tpu.memory_space<vmem>>[vector<16xi32>], vector<16xf32>,
    %gather3A_967 = tpu.vector_load_idx %arg15[%get3A_963] : memref<16384xf32, #tpu.memory_space<vmem>>[vector<16xi32>], vector<16xf32>,
    %mul3A_968 = arith.mulf %gather3A_964, %get3A_934 : vector<16xf32>
    %mul3A_969 = arith.mulf %gather3A_965, %get3A_936 : vector<16xf32>
    %add3A_970 = arith.addf %mul3A_968, %mul3A_969 : vector<16xf32>
    %mul3A_971 = arith.mulf %gather3A_966, %get3A_938 : vector<16xf32>
    %add3A_972 = arith.addf %add3A_970, %mul3A_971 : vector<16xf32>
    %sub3A_973 = arith.subf %gather3A_967, %add3A_972 : vector<16xf32>
    %gt3A_974 = arith.constant 0.000000e+00 : f32
    %gt3A_975 = vector.broadcast %gt3A_974 : f32 to vector<16xf32>
    %gt3A_976 = arith.cmpf ogt, %sub3A_973, %gt3A_975 : vector<16xf32>
    %jit3A_977 = arith.constant 1 : i32
    %jit3A_978 = arith.constant 0 : i32
    %broadcast_in_dim3A_979 = vector.broadcast %jit3A_977 : i32 to vector<16xi32>
    %broadcast_in_dim3A_980 = vector.broadcast %jit3A_978 : i32 to vector<16xi32>
    %select_n3A_981 = arith.select %gt3A_976, %broadcast_in_dim3A_979, %broadcast_in_dim3A_980 : vector<16xi1>, vector<16xi32>
    %add3A_982 = arith.addi %add3A_961, %select_n3A_981 : vector<16xi32>
    %get3A_983 = arith.constant 320 : index
    %get3A_984 = tpu.vector_load %arg16[%get3A_983] {strides = array<i32>} : memref<1280xi32, #tpu.memory_space<vmem>>, vector<16xi32>,
    %gather3A_985 = tpu.vector_load_idx %arg12[%get3A_984] : memref<16384xf32, #tpu.memory_space<vmem>>[vector<16xi32>], vector<16xf32>,
    %gather3A_986 = tpu.vector_load_idx %arg13[%get3A_984] : memref<16384xf32, #tpu.memory_space<vmem>>[vector<16xi32>], vector<16xf32>,
    %gather3A_987 = tpu.vector_load_idx %arg14[%get3A_984] : memref<16384xf32, #tpu.memory_space<vmem>>[vector<16xi32>], vector<16xf32>,
    %gather3A_988 = tpu.vector_load_idx %arg15[%get3A_984] : memref<16384xf32, #tpu.memory_space<vmem>>[vector<16xi32>], vector<16xf32>,
    %mul3A_989 = arith.mulf %gather3A_985, %get3A_934 : vector<16xf32>
    %mul3A_990 = arith.mulf %gather3A_986, %get3A_936 : vector<16xf32>
    %add3A_991 = arith.addf %mul3A_989, %mul3A_990 : vector<16xf32>
    %mul3A_992 = arith.mulf %gather3A_987, %get3A_938 : vector<16xf32>
    %add3A_993 = arith.addf %add3A_991, %mul3A_992 : vector<16xf32>
    %sub3A_994 = arith.subf %gather3A_988, %add3A_993 : vector<16xf32>
    %gt3A_995 = arith.constant 0.000000e+00 : f32
    %gt3A_996 = vector.broadcast %gt3A_995 : f32 to vector<16xf32>
    %gt3A_997 = arith.cmpf ogt, %sub3A_994, %gt3A_996 : vector<16xf32>
    %jit3A_998 = arith.constant 1 : i32
    %jit3A_999 = arith.constant 0 : i32
    %broadcast_in_dim3A_1000 = vector.broadcast %jit3A_998 : i32 to vector<16xi32>
    %broadcast_in_dim3A_1001 = vector.broadcast %jit3A_999 : i32 to vector<16xi32>
    %select_n3A_1002 = arith.select %gt3A_997, %broadcast_in_dim3A_1000, %broadcast_in_dim3A_1001 : vector<16xi1>, vector<16xi32>
    %add3A_1003 = arith.addi %add3A_982, %select_n3A_1002 : vector<16xi32>
    %get3A_1004 = arith.constant 448 : index
    %get3A_1005 = tpu.vector_load %arg16[%get3A_1004] {strides = array<i32>} : memref<1280xi32, #tpu.memory_space<vmem>>, vector<16xi32>,
    %gather3A_1006 = tpu.vector_load_idx %arg12[%get3A_1005] : memref<16384xf32, #tpu.memory_space<vmem>>[vector<16xi32>], vector<16xf32>,
    %gather3A_1007 = tpu.vector_load_idx %arg13[%get3A_1005] : memref<16384xf32, #tpu.memory_space<vmem>>[vector<16xi32>], vector<16xf32>,
    %gather3A_1008 = tpu.vector_load_idx %arg14[%get3A_1005] : memref<16384xf32, #tpu.memory_space<vmem>>[vector<16xi32>], vector<16xf32>,
    %gather3A_1009 = tpu.vector_load_idx %arg15[%get3A_1005] : memref<16384xf32, #tpu.memory_space<vmem>>[vector<16xi32>], vector<16xf32>,
    %mul3A_1010 = arith.mulf %gather3A_1006, %get3A_934 : vector<16xf32>
    %mul3A_1011 = arith.mulf %gather3A_1007, %get3A_936 : vector<16xf32>
    %add3A_1012 = arith.addf %mul3A_1010, %mul3A_1011 : vector<16xf32>
    %mul3A_1013 = arith.mulf %gather3A_1008, %get3A_938 : vector<16xf32>
    %add3A_1014 = arith.addf %add3A_1012, %mul3A_1013 : vector<16xf32>
    %sub3A_1015 = arith.subf %gather3A_1009, %add3A_1014 : vector<16xf32>
    %gt3A_1016 = arith.constant 0.000000e+00 : f32
    %gt3A_1017 = vector.broadcast %gt3A_1016 : f32 to vector<16xf32>
    %gt3A_1018 = arith.cmpf ogt, %sub3A_1015, %gt3A_1017 : vector<16xf32>
    %jit3A_1019 = arith.constant 1 : i32
    %jit3A_1020 = arith.constant 0 : i32
    %broadcast_in_dim3A_1021 = vector.broadcast %jit3A_1019 : i32 to vector<16xi32>
    %broadcast_in_dim3A_1022 = vector.broadcast %jit3A_1020 : i32 to vector<16xi32>
    %select_n3A_1023 = arith.select %gt3A_1018, %broadcast_in_dim3A_1021, %broadcast_in_dim3A_1022 : vector<16xi1>, vector<16xi32>
    %add3A_1024 = arith.addi %add3A_1003, %select_n3A_1023 : vector<16xi32>
    %get3A_1025 = arith.constant 576 : index
    %get3A_1026 = tpu.vector_load %arg16[%get3A_1025] {strides = array<i32>} : memref<1280xi32, #tpu.memory_space<vmem>>, vector<16xi32>,
    %gather3A_1027 = tpu.vector_load_idx %arg12[%get3A_1026] : memref<16384xf32, #tpu.memory_space<vmem>>[vector<16xi32>], vector<16xf32>,
    %gather3A_1028 = tpu.vector_load_idx %arg13[%get3A_1026] : memref<16384xf32, #tpu.memory_space<vmem>>[vector<16xi32>], vector<16xf32>,
    %gather3A_1029 = tpu.vector_load_idx %arg14[%get3A_1026] : memref<16384xf32, #tpu.memory_space<vmem>>[vector<16xi32>], vector<16xf32>,
    %gather3A_1030 = tpu.vector_load_idx %arg15[%get3A_1026] : memref<16384xf32, #tpu.memory_space<vmem>>[vector<16xi32>], vector<16xf32>,
    %mul3A_1031 = arith.mulf %gather3A_1027, %get3A_934 : vector<16xf32>
    %mul3A_1032 = arith.mulf %gather3A_1028, %get3A_936 : vector<16xf32>
    %add3A_1033 = arith.addf %mul3A_1031, %mul3A_1032 : vector<16xf32>
    %mul3A_1034 = arith.mulf %gather3A_1029, %get3A_938 : vector<16xf32>
    %add3A_1035 = arith.addf %add3A_1033, %mul3A_1034 : vector<16xf32>
    %sub3A_1036 = arith.subf %gather3A_1030, %add3A_1035 : vector<16xf32>
    %gt3A_1037 = arith.constant 0.000000e+00 : f32
    %gt3A_1038 = vector.broadcast %gt3A_1037 : f32 to vector<16xf32>
    %gt3A_1039 = arith.cmpf ogt, %sub3A_1036, %gt3A_1038 : vector<16xf32>
    %jit3A_1040 = arith.constant 1 : i32
    %jit3A_1041 = arith.constant 0 : i32
    %broadcast_in_dim3A_1042 = vector.broadcast %jit3A_1040 : i32 to vector<16xi32>
    %broadcast_in_dim3A_1043 = vector.broadcast %jit3A_1041 : i32 to vector<16xi32>
    %select_n3A_1044 = arith.select %gt3A_1039, %broadcast_in_dim3A_1042, %broadcast_in_dim3A_1043 : vector<16xi1>, vector<16xi32>
    %add3A_1045 = arith.addi %add3A_1024, %select_n3A_1044 : vector<16xi32>
    %get3A_1046 = arith.constant 704 : index
    %get3A_1047 = tpu.vector_load %arg16[%get3A_1046] {strides = array<i32>} : memref<1280xi32, #tpu.memory_space<vmem>>, vector<16xi32>,
    %gather3A_1048 = tpu.vector_load_idx %arg12[%get3A_1047] : memref<16384xf32, #tpu.memory_space<vmem>>[vector<16xi32>], vector<16xf32>,
    %gather3A_1049 = tpu.vector_load_idx %arg13[%get3A_1047] : memref<16384xf32, #tpu.memory_space<vmem>>[vector<16xi32>], vector<16xf32>,
    %gather3A_1050 = tpu.vector_load_idx %arg14[%get3A_1047] : memref<16384xf32, #tpu.memory_space<vmem>>[vector<16xi32>], vector<16xf32>,
    %gather3A_1051 = tpu.vector_load_idx %arg15[%get3A_1047] : memref<16384xf32, #tpu.memory_space<vmem>>[vector<16xi32>], vector<16xf32>,
    %mul3A_1052 = arith.mulf %gather3A_1048, %get3A_934 : vector<16xf32>
    %mul3A_1053 = arith.mulf %gather3A_1049, %get3A_936 : vector<16xf32>
    %add3A_1054 = arith.addf %mul3A_1052, %mul3A_1053 : vector<16xf32>
    %mul3A_1055 = arith.mulf %gather3A_1050, %get3A_938 : vector<16xf32>
    %add3A_1056 = arith.addf %add3A_1054, %mul3A_1055 : vector<16xf32>
    %sub3A_1057 = arith.subf %gather3A_1051, %add3A_1056 : vector<16xf32>
    %gt3A_1058 = arith.constant 0.000000e+00 : f32
    %gt3A_1059 = vector.broadcast %gt3A_1058 : f32 to vector<16xf32>
    %gt3A_1060 = arith.cmpf ogt, %sub3A_1057, %gt3A_1059 : vector<16xf32>
    %jit3A_1061 = arith.constant 1 : i32
    %jit3A_1062 = arith.constant 0 : i32
    %broadcast_in_dim3A_1063 = vector.broadcast %jit3A_1061 : i32 to vector<16xi32>
    %broadcast_in_dim3A_1064 = vector.broadcast %jit3A_1062 : i32 to vector<16xi32>
    %select_n3A_1065 = arith.select %gt3A_1060, %broadcast_in_dim3A_1063, %broadcast_in_dim3A_1064 : vector<16xi1>, vector<16xi32>
    %add3A_1066 = arith.addi %add3A_1045, %select_n3A_1065 : vector<16xi32>
    %get3A_1067 = arith.constant 832 : index
    %get3A_1068 = tpu.vector_load %arg16[%get3A_1067] {strides = array<i32>} : memref<1280xi32, #tpu.memory_space<vmem>>, vector<16xi32>,
    %gather3A_1069 = tpu.vector_load_idx %arg12[%get3A_1068] : memref<16384xf32, #tpu.memory_space<vmem>>[vector<16xi32>], vector<16xf32>,
    %gather3A_1070 = tpu.vector_load_idx %arg13[%get3A_1068] : memref<16384xf32, #tpu.memory_space<vmem>>[vector<16xi32>], vector<16xf32>,
    %gather3A_1071 = tpu.vector_load_idx %arg14[%get3A_1068] : memref<16384xf32, #tpu.memory_space<vmem>>[vector<16xi32>], vector<16xf32>,
    %gather3A_1072 = tpu.vector_load_idx %arg15[%get3A_1068] : memref<16384xf32, #tpu.memory_space<vmem>>[vector<16xi32>], vector<16xf32>,
    %mul3A_1073 = arith.mulf %gather3A_1069, %get3A_934 : vector<16xf32>
    %mul3A_1074 = arith.mulf %gather3A_1070, %get3A_936 : vector<16xf32>
    %add3A_1075 = arith.addf %mul3A_1073, %mul3A_1074 : vector<16xf32>
    %mul3A_1076 = arith.mulf %gather3A_1071, %get3A_938 : vector<16xf32>
    %add3A_1077 = arith.addf %add3A_1075, %mul3A_1076 : vector<16xf32>
    %sub3A_1078 = arith.subf %gather3A_1072, %add3A_1077 : vector<16xf32>
    %gt3A_1079 = arith.constant 0.000000e+00 : f32
    %gt3A_1080 = vector.broadcast %gt3A_1079 : f32 to vector<16xf32>
    %gt3A_1081 = arith.cmpf ogt, %sub3A_1078, %gt3A_1080 : vector<16xf32>
    %jit3A_1082 = arith.constant 1 : i32
    %jit3A_1083 = arith.constant 0 : i32
    %broadcast_in_dim3A_1084 = vector.broadcast %jit3A_1082 : i32 to vector<16xi32>
    %broadcast_in_dim3A_1085 = vector.broadcast %jit3A_1083 : i32 to vector<16xi32>
    %select_n3A_1086 = arith.select %gt3A_1081, %broadcast_in_dim3A_1084, %broadcast_in_dim3A_1085 : vector<16xi1>, vector<16xi32>
    %add3A_1087 = arith.addi %add3A_1066, %select_n3A_1086 : vector<16xi32>
    %get3A_1088 = arith.constant 960 : index
    %get3A_1089 = tpu.vector_load %arg16[%get3A_1088] {strides = array<i32>} : memref<1280xi32, #tpu.memory_space<vmem>>, vector<16xi32>,
    %gather3A_1090 = tpu.vector_load_idx %arg12[%get3A_1089] : memref<16384xf32, #tpu.memory_space<vmem>>[vector<16xi32>], vector<16xf32>,
    %gather3A_1091 = tpu.vector_load_idx %arg13[%get3A_1089] : memref<16384xf32, #tpu.memory_space<vmem>>[vector<16xi32>], vector<16xf32>,
    %gather3A_1092 = tpu.vector_load_idx %arg14[%get3A_1089] : memref<16384xf32, #tpu.memory_space<vmem>>[vector<16xi32>], vector<16xf32>,
    %gather3A_1093 = tpu.vector_load_idx %arg15[%get3A_1089] : memref<16384xf32, #tpu.memory_space<vmem>>[vector<16xi32>], vector<16xf32>,
    %mul3A_1094 = arith.mulf %gather3A_1090, %get3A_934 : vector<16xf32>
    %mul3A_1095 = arith.mulf %gather3A_1091, %get3A_936 : vector<16xf32>
    %add3A_1096 = arith.addf %mul3A_1094, %mul3A_1095 : vector<16xf32>
    %mul3A_1097 = arith.mulf %gather3A_1092, %get3A_938 : vector<16xf32>
    %add3A_1098 = arith.addf %add3A_1096, %mul3A_1097 : vector<16xf32>
    %sub3A_1099 = arith.subf %gather3A_1093, %add3A_1098 : vector<16xf32>
    %gt3A_1100 = arith.constant 0.000000e+00 : f32
    %gt3A_1101 = vector.broadcast %gt3A_1100 : f32 to vector<16xf32>
    %gt3A_1102 = arith.cmpf ogt, %sub3A_1099, %gt3A_1101 : vector<16xf32>
    %jit3A_1103 = arith.constant 1 : i32
    %jit3A_1104 = arith.constant 0 : i32
    %broadcast_in_dim3A_1105 = vector.broadcast %jit3A_1103 : i32 to vector<16xi32>
    %broadcast_in_dim3A_1106 = vector.broadcast %jit3A_1104 : i32 to vector<16xi32>
    %select_n3A_1107 = arith.select %gt3A_1102, %broadcast_in_dim3A_1105, %broadcast_in_dim3A_1106 : vector<16xi1>, vector<16xi32>
    %add3A_1108 = arith.addi %add3A_1087, %select_n3A_1107 : vector<16xi32>
    %get3A_1109 = arith.constant 1088 : index
    %get3A_1110 = tpu.vector_load %arg16[%get3A_1109] {strides = array<i32>} : memref<1280xi32, #tpu.memory_space<vmem>>, vector<16xi32>,
    %gather3A_1111 = tpu.vector_load_idx %arg12[%get3A_1110] : memref<16384xf32, #tpu.memory_space<vmem>>[vector<16xi32>], vector<16xf32>,
    %gather3A_1112 = tpu.vector_load_idx %arg13[%get3A_1110] : memref<16384xf32, #tpu.memory_space<vmem>>[vector<16xi32>], vector<16xf32>,
    %gather3A_1113 = tpu.vector_load_idx %arg14[%get3A_1110] : memref<16384xf32, #tpu.memory_space<vmem>>[vector<16xi32>], vector<16xf32>,
    %gather3A_1114 = tpu.vector_load_idx %arg15[%get3A_1110] : memref<16384xf32, #tpu.memory_space<vmem>>[vector<16xi32>], vector<16xf32>,
    %mul3A_1115 = arith.mulf %gather3A_1111, %get3A_934 : vector<16xf32>
    %mul3A_1116 = arith.mulf %gather3A_1112, %get3A_936 : vector<16xf32>
    %add3A_1117 = arith.addf %mul3A_1115, %mul3A_1116 : vector<16xf32>
    %mul3A_1118 = arith.mulf %gather3A_1113, %get3A_938 : vector<16xf32>
    %add3A_1119 = arith.addf %add3A_1117, %mul3A_1118 : vector<16xf32>
    %sub3A_1120 = arith.subf %gather3A_1114, %add3A_1119 : vector<16xf32>
    %gt3A_1121 = arith.constant 0.000000e+00 : f32
    %gt3A_1122 = vector.broadcast %gt3A_1121 : f32 to vector<16xf32>
    %gt3A_1123 = arith.cmpf ogt, %sub3A_1120, %gt3A_1122 : vector<16xf32>
    %jit3A_1124 = arith.constant 1 : i32
    %jit3A_1125 = arith.constant 0 : i32
    %broadcast_in_dim3A_1126 = vector.broadcast %jit3A_1124 : i32 to vector<16xi32>
    %broadcast_in_dim3A_1127 = vector.broadcast %jit3A_1125 : i32 to vector<16xi32>
    %select_n3A_1128 = arith.select %gt3A_1123, %broadcast_in_dim3A_1126, %broadcast_in_dim3A_1127 : vector<16xi1>, vector<16xi32>
    %add3A_1129 = arith.addi %add3A_1108, %select_n3A_1128 : vector<16xi32>
    %get3A_1130 = arith.constant 1216 : index
    %get3A_1131 = tpu.vector_load %arg16[%get3A_1130] {strides = array<i32>} : memref<1280xi32, #tpu.memory_space<vmem>>, vector<16xi32>,
    %gather3A_1132 = tpu.vector_load_idx %arg12[%get3A_1131] : memref<16384xf32, #tpu.memory_space<vmem>>[vector<16xi32>], vector<16xf32>,
    %gather3A_1133 = tpu.vector_load_idx %arg13[%get3A_1131] : memref<16384xf32, #tpu.memory_space<vmem>>[vector<16xi32>], vector<16xf32>,
    %gather3A_1134 = tpu.vector_load_idx %arg14[%get3A_1131] : memref<16384xf32, #tpu.memory_space<vmem>>[vector<16xi32>], vector<16xf32>,
    %gather3A_1135 = tpu.vector_load_idx %arg15[%get3A_1131] : memref<16384xf32, #tpu.memory_space<vmem>>[vector<16xi32>], vector<16xf32>,
    %mul3A_1136 = arith.mulf %gather3A_1132, %get3A_934 : vector<16xf32>
    %mul3A_1137 = arith.mulf %gather3A_1133, %get3A_936 : vector<16xf32>
    %add3A_1138 = arith.addf %mul3A_1136, %mul3A_1137 : vector<16xf32>
    %mul3A_1139 = arith.mulf %gather3A_1134, %get3A_938 : vector<16xf32>
    %add3A_1140 = arith.addf %add3A_1138, %mul3A_1139 : vector<16xf32>
    %sub3A_1141 = arith.subf %gather3A_1135, %add3A_1140 : vector<16xf32>
    %gt3A_1142 = arith.constant 0.000000e+00 : f32
    %gt3A_1143 = vector.broadcast %gt3A_1142 : f32 to vector<16xf32>
    %gt3A_1144 = arith.cmpf ogt, %sub3A_1141, %gt3A_1143 : vector<16xf32>
    %jit3A_1145 = arith.constant 1 : i32
    %jit3A_1146 = arith.constant 0 : i32
    %broadcast_in_dim3A_1147 = vector.broadcast %jit3A_1145 : i32 to vector<16xi32>
    %broadcast_in_dim3A_1148 = vector.broadcast %jit3A_1146 : i32 to vector<16xi32>
    %select_n3A_1149 = arith.select %gt3A_1144, %broadcast_in_dim3A_1147, %broadcast_in_dim3A_1148 : vector<16xi1>, vector<16xi32>
    %add3A_1150 = arith.addi %add3A_1129, %select_n3A_1149 : vector<16xi32>
    %get3A_1151 = arith.constant 64 : index
    %get3A_1152 = tpu.vector_load %arg20[%get3A_1151] {strides = array<i32>} : memref<128xf32, #tpu.memory_space<vmem>>, vector<16xf32>,
    %gt3A_1153 = arith.constant 8 : i32
    %gt3A_1154 = vector.broadcast %gt3A_1153 : i32 to vector<16xi32>
    %gt3A_1155 = arith.cmpi sgt, %add3A_1150, %gt3A_1154 : vector<16xi32>
    %neg3A_1156 = arith.constant 0.000000e+00 : f32
    %neg3A_1157 = vector.broadcast %neg3A_1156 : f32 to vector<16xf32>
    %neg3A_1158 = arith.subf %neg3A_1157, %get3A_1152 : vector<16xf32>
    %select_n3A_1159 = arith.select %gt3A_1155, %neg3A_1158, %get3A_1152 : vector<16xi1>, vector<16xf32>
    %min3A_1160 = arith.minimumf %get3A_938, %select_n3A_1159 : vector<16xf32>
    %swap3A_1161 = arith.constant 64 : index
    %swap3A_1162 = tpu.vector_load %arg21[%swap3A_1161] {strides = array<i32>} : memref<128xf32, #tpu.memory_space<vmem>>, vector<16xf32>,
    tpu.vector_store %arg21[%swap3A_1161], %min3A_1160 {strides = array<i32>} : memref<128xf32, #tpu.memory_space<vmem>>, vector<16xf32>,
    %get3A_1163 = arith.constant 80 : index
    %get3A_1164 = tpu.vector_load %arg17[%get3A_1163] {strides = array<i32>} : memref<128xf32, #tpu.memory_space<vmem>>, vector<16xf32>,
    %get3A_1165 = arith.constant 80 : index
    %get3A_1166 = tpu.vector_load %arg18[%get3A_1165] {strides = array<i32>} : memref<128xf32, #tpu.memory_space<vmem>>, vector<16xf32>,
    %get3A_1167 = arith.constant 80 : index
    %get3A_1168 = tpu.vector_load %arg19[%get3A_1167] {strides = array<i32>} : memref<128xf32, #tpu.memory_space<vmem>>, vector<16xf32>,
    %broadcast_in_dim3A_1169 = arith.constant 0 : i32
    %broadcast_in_dim3A_1170 = vector.broadcast %broadcast_in_dim3A_1169 : i32 to vector<16xi32>
    %get3A_1171 = arith.constant 80 : index
    %get3A_1172 = tpu.vector_load %arg16[%get3A_1171] {strides = array<i32>} : memref<1280xi32, #tpu.memory_space<vmem>>, vector<16xi32>,
    %gather3A_1173 = tpu.vector_load_idx %arg12[%get3A_1172] : memref<16384xf32, #tpu.memory_space<vmem>>[vector<16xi32>], vector<16xf32>,
    %gather3A_1174 = tpu.vector_load_idx %arg13[%get3A_1172] : memref<16384xf32, #tpu.memory_space<vmem>>[vector<16xi32>], vector<16xf32>,
    %gather3A_1175 = tpu.vector_load_idx %arg14[%get3A_1172] : memref<16384xf32, #tpu.memory_space<vmem>>[vector<16xi32>], vector<16xf32>,
    %gather3A_1176 = tpu.vector_load_idx %arg15[%get3A_1172] : memref<16384xf32, #tpu.memory_space<vmem>>[vector<16xi32>], vector<16xf32>,
    %mul3A_1177 = arith.mulf %gather3A_1173, %get3A_1164 : vector<16xf32>
    %mul3A_1178 = arith.mulf %gather3A_1174, %get3A_1166 : vector<16xf32>
    %add3A_1179 = arith.addf %mul3A_1177, %mul3A_1178 : vector<16xf32>
    %mul3A_1180 = arith.mulf %gather3A_1175, %get3A_1168 : vector<16xf32>
    %add3A_1181 = arith.addf %add3A_1179, %mul3A_1180 : vector<16xf32>
    %sub3A_1182 = arith.subf %gather3A_1176, %add3A_1181 : vector<16xf32>
    %gt3A_1183 = arith.constant 0.000000e+00 : f32
    %gt3A_1184 = vector.broadcast %gt3A_1183 : f32 to vector<16xf32>
    %gt3A_1185 = arith.cmpf ogt, %sub3A_1182, %gt3A_1184 : vector<16xf32>
    %jit3A_1186 = arith.constant 1 : i32
    %jit3A_1187 = arith.constant 0 : i32
    %broadcast_in_dim3A_1188 = vector.broadcast %jit3A_1186 : i32 to vector<16xi32>
    %broadcast_in_dim3A_1189 = vector.broadcast %jit3A_1187 : i32 to vector<16xi32>
    %select_n3A_1190 = arith.select %gt3A_1185, %broadcast_in_dim3A_1188, %broadcast_in_dim3A_1189 : vector<16xi1>, vector<16xi32>
    %add3A_1191 = arith.addi %broadcast_in_dim3A_1170, %select_n3A_1190 : vector<16xi32>
    %get3A_1192 = arith.constant 208 : index
    %get3A_1193 = tpu.vector_load %arg16[%get3A_1192] {strides = array<i32>} : memref<1280xi32, #tpu.memory_space<vmem>>, vector<16xi32>,
    %gather3A_1194 = tpu.vector_load_idx %arg12[%get3A_1193] : memref<16384xf32, #tpu.memory_space<vmem>>[vector<16xi32>], vector<16xf32>,
    %gather3A_1195 = tpu.vector_load_idx %arg13[%get3A_1193] : memref<16384xf32, #tpu.memory_space<vmem>>[vector<16xi32>], vector<16xf32>,
    %gather3A_1196 = tpu.vector_load_idx %arg14[%get3A_1193] : memref<16384xf32, #tpu.memory_space<vmem>>[vector<16xi32>], vector<16xf32>,
    %gather3A_1197 = tpu.vector_load_idx %arg15[%get3A_1193] : memref<16384xf32, #tpu.memory_space<vmem>>[vector<16xi32>], vector<16xf32>,
    %mul3A_1198 = arith.mulf %gather3A_1194, %get3A_1164 : vector<16xf32>
    %mul3A_1199 = arith.mulf %gather3A_1195, %get3A_1166 : vector<16xf32>
    %add3A_1200 = arith.addf %mul3A_1198, %mul3A_1199 : vector<16xf32>
    %mul3A_1201 = arith.mulf %gather3A_1196, %get3A_1168 : vector<16xf32>
    %add3A_1202 = arith.addf %add3A_1200, %mul3A_1201 : vector<16xf32>
    %sub3A_1203 = arith.subf %gather3A_1197, %add3A_1202 : vector<16xf32>
    %gt3A_1204 = arith.constant 0.000000e+00 : f32
    %gt3A_1205 = vector.broadcast %gt3A_1204 : f32 to vector<16xf32>
    %gt3A_1206 = arith.cmpf ogt, %sub3A_1203, %gt3A_1205 : vector<16xf32>
    %jit3A_1207 = arith.constant 1 : i32
    %jit3A_1208 = arith.constant 0 : i32
    %broadcast_in_dim3A_1209 = vector.broadcast %jit3A_1207 : i32 to vector<16xi32>
    %broadcast_in_dim3A_1210 = vector.broadcast %jit3A_1208 : i32 to vector<16xi32>
    %select_n3A_1211 = arith.select %gt3A_1206, %broadcast_in_dim3A_1209, %broadcast_in_dim3A_1210 : vector<16xi1>, vector<16xi32>
    %add3A_1212 = arith.addi %add3A_1191, %select_n3A_1211 : vector<16xi32>
    %get3A_1213 = arith.constant 336 : index
    %get3A_1214 = tpu.vector_load %arg16[%get3A_1213] {strides = array<i32>} : memref<1280xi32, #tpu.memory_space<vmem>>, vector<16xi32>,
    %gather3A_1215 = tpu.vector_load_idx %arg12[%get3A_1214] : memref<16384xf32, #tpu.memory_space<vmem>>[vector<16xi32>], vector<16xf32>,
    %gather3A_1216 = tpu.vector_load_idx %arg13[%get3A_1214] : memref<16384xf32, #tpu.memory_space<vmem>>[vector<16xi32>], vector<16xf32>,
    %gather3A_1217 = tpu.vector_load_idx %arg14[%get3A_1214] : memref<16384xf32, #tpu.memory_space<vmem>>[vector<16xi32>], vector<16xf32>,
    %gather3A_1218 = tpu.vector_load_idx %arg15[%get3A_1214] : memref<16384xf32, #tpu.memory_space<vmem>>[vector<16xi32>], vector<16xf32>,
    %mul3A_1219 = arith.mulf %gather3A_1215, %get3A_1164 : vector<16xf32>
    %mul3A_1220 = arith.mulf %gather3A_1216, %get3A_1166 : vector<16xf32>
    %add3A_1221 = arith.addf %mul3A_1219, %mul3A_1220 : vector<16xf32>
    %mul3A_1222 = arith.mulf %gather3A_1217, %get3A_1168 : vector<16xf32>
    %add3A_1223 = arith.addf %add3A_1221, %mul3A_1222 : vector<16xf32>
    %sub3A_1224 = arith.subf %gather3A_1218, %add3A_1223 : vector<16xf32>
    %gt3A_1225 = arith.constant 0.000000e+00 : f32
    %gt3A_1226 = vector.broadcast %gt3A_1225 : f32 to vector<16xf32>
    %gt3A_1227 = arith.cmpf ogt, %sub3A_1224, %gt3A_1226 : vector<16xf32>
    %jit3A_1228 = arith.constant 1 : i32
    %jit3A_1229 = arith.constant 0 : i32
    %broadcast_in_dim3A_1230 = vector.broadcast %jit3A_1228 : i32 to vector<16xi32>
    %broadcast_in_dim3A_1231 = vector.broadcast %jit3A_1229 : i32 to vector<16xi32>
    %select_n3A_1232 = arith.select %gt3A_1227, %broadcast_in_dim3A_1230, %broadcast_in_dim3A_1231 : vector<16xi1>, vector<16xi32>
    %add3A_1233 = arith.addi %add3A_1212, %select_n3A_1232 : vector<16xi32>
    %get3A_1234 = arith.constant 464 : index
    %get3A_1235 = tpu.vector_load %arg16[%get3A_1234] {strides = array<i32>} : memref<1280xi32, #tpu.memory_space<vmem>>, vector<16xi32>,
    %gather3A_1236 = tpu.vector_load_idx %arg12[%get3A_1235] : memref<16384xf32, #tpu.memory_space<vmem>>[vector<16xi32>], vector<16xf32>,
    %gather3A_1237 = tpu.vector_load_idx %arg13[%get3A_1235] : memref<16384xf32, #tpu.memory_space<vmem>>[vector<16xi32>], vector<16xf32>,
    %gather3A_1238 = tpu.vector_load_idx %arg14[%get3A_1235] : memref<16384xf32, #tpu.memory_space<vmem>>[vector<16xi32>], vector<16xf32>,
    %gather3A_1239 = tpu.vector_load_idx %arg15[%get3A_1235] : memref<16384xf32, #tpu.memory_space<vmem>>[vector<16xi32>], vector<16xf32>,
    %mul3A_1240 = arith.mulf %gather3A_1236, %get3A_1164 : vector<16xf32>
    %mul3A_1241 = arith.mulf %gather3A_1237, %get3A_1166 : vector<16xf32>
    %add3A_1242 = arith.addf %mul3A_1240, %mul3A_1241 : vector<16xf32>
    %mul3A_1243 = arith.mulf %gather3A_1238, %get3A_1168 : vector<16xf32>
    %add3A_1244 = arith.addf %add3A_1242, %mul3A_1243 : vector<16xf32>
    %sub3A_1245 = arith.subf %gather3A_1239, %add3A_1244 : vector<16xf32>
    %gt3A_1246 = arith.constant 0.000000e+00 : f32
    %gt3A_1247 = vector.broadcast %gt3A_1246 : f32 to vector<16xf32>
    %gt3A_1248 = arith.cmpf ogt, %sub3A_1245, %gt3A_1247 : vector<16xf32>
    %jit3A_1249 = arith.constant 1 : i32
    %jit3A_1250 = arith.constant 0 : i32
    %broadcast_in_dim3A_1251 = vector.broadcast %jit3A_1249 : i32 to vector<16xi32>
    %broadcast_in_dim3A_1252 = vector.broadcast %jit3A_1250 : i32 to vector<16xi32>
    %select_n3A_1253 = arith.select %gt3A_1248, %broadcast_in_dim3A_1251, %broadcast_in_dim3A_1252 : vector<16xi1>, vector<16xi32>
    %add3A_1254 = arith.addi %add3A_1233, %select_n3A_1253 : vector<16xi32>
    %get3A_1255 = arith.constant 592 : index
    %get3A_1256 = tpu.vector_load %arg16[%get3A_1255] {strides = array<i32>} : memref<1280xi32, #tpu.memory_space<vmem>>, vector<16xi32>,
    %gather3A_1257 = tpu.vector_load_idx %arg12[%get3A_1256] : memref<16384xf32, #tpu.memory_space<vmem>>[vector<16xi32>], vector<16xf32>,
    %gather3A_1258 = tpu.vector_load_idx %arg13[%get3A_1256] : memref<16384xf32, #tpu.memory_space<vmem>>[vector<16xi32>], vector<16xf32>,
    %gather3A_1259 = tpu.vector_load_idx %arg14[%get3A_1256] : memref<16384xf32, #tpu.memory_space<vmem>>[vector<16xi32>], vector<16xf32>,
    %gather3A_1260 = tpu.vector_load_idx %arg15[%get3A_1256] : memref<16384xf32, #tpu.memory_space<vmem>>[vector<16xi32>], vector<16xf32>,
    %mul3A_1261 = arith.mulf %gather3A_1257, %get3A_1164 : vector<16xf32>
    %mul3A_1262 = arith.mulf %gather3A_1258, %get3A_1166 : vector<16xf32>
    %add3A_1263 = arith.addf %mul3A_1261, %mul3A_1262 : vector<16xf32>
    %mul3A_1264 = arith.mulf %gather3A_1259, %get3A_1168 : vector<16xf32>
    %add3A_1265 = arith.addf %add3A_1263, %mul3A_1264 : vector<16xf32>
    %sub3A_1266 = arith.subf %gather3A_1260, %add3A_1265 : vector<16xf32>
    %gt3A_1267 = arith.constant 0.000000e+00 : f32
    %gt3A_1268 = vector.broadcast %gt3A_1267 : f32 to vector<16xf32>
    %gt3A_1269 = arith.cmpf ogt, %sub3A_1266, %gt3A_1268 : vector<16xf32>
    %jit3A_1270 = arith.constant 1 : i32
    %jit3A_1271 = arith.constant 0 : i32
    %broadcast_in_dim3A_1272 = vector.broadcast %jit3A_1270 : i32 to vector<16xi32>
    %broadcast_in_dim3A_1273 = vector.broadcast %jit3A_1271 : i32 to vector<16xi32>
    %select_n3A_1274 = arith.select %gt3A_1269, %broadcast_in_dim3A_1272, %broadcast_in_dim3A_1273 : vector<16xi1>, vector<16xi32>
    %add3A_1275 = arith.addi %add3A_1254, %select_n3A_1274 : vector<16xi32>
    %get3A_1276 = arith.constant 720 : index
    %get3A_1277 = tpu.vector_load %arg16[%get3A_1276] {strides = array<i32>} : memref<1280xi32, #tpu.memory_space<vmem>>, vector<16xi32>,
    %gather3A_1278 = tpu.vector_load_idx %arg12[%get3A_1277] : memref<16384xf32, #tpu.memory_space<vmem>>[vector<16xi32>], vector<16xf32>,
    %gather3A_1279 = tpu.vector_load_idx %arg13[%get3A_1277] : memref<16384xf32, #tpu.memory_space<vmem>>[vector<16xi32>], vector<16xf32>,
    %gather3A_1280 = tpu.vector_load_idx %arg14[%get3A_1277] : memref<16384xf32, #tpu.memory_space<vmem>>[vector<16xi32>], vector<16xf32>,
    %gather3A_1281 = tpu.vector_load_idx %arg15[%get3A_1277] : memref<16384xf32, #tpu.memory_space<vmem>>[vector<16xi32>], vector<16xf32>,
    %mul3A_1282 = arith.mulf %gather3A_1278, %get3A_1164 : vector<16xf32>
    %mul3A_1283 = arith.mulf %gather3A_1279, %get3A_1166 : vector<16xf32>
    %add3A_1284 = arith.addf %mul3A_1282, %mul3A_1283 : vector<16xf32>
    %mul3A_1285 = arith.mulf %gather3A_1280, %get3A_1168 : vector<16xf32>
    %add3A_1286 = arith.addf %add3A_1284, %mul3A_1285 : vector<16xf32>
    %sub3A_1287 = arith.subf %gather3A_1281, %add3A_1286 : vector<16xf32>
    %gt3A_1288 = arith.constant 0.000000e+00 : f32
    %gt3A_1289 = vector.broadcast %gt3A_1288 : f32 to vector<16xf32>
    %gt3A_1290 = arith.cmpf ogt, %sub3A_1287, %gt3A_1289 : vector<16xf32>
    %jit3A_1291 = arith.constant 1 : i32
    %jit3A_1292 = arith.constant 0 : i32
    %broadcast_in_dim3A_1293 = vector.broadcast %jit3A_1291 : i32 to vector<16xi32>
    %broadcast_in_dim3A_1294 = vector.broadcast %jit3A_1292 : i32 to vector<16xi32>
    %select_n3A_1295 = arith.select %gt3A_1290, %broadcast_in_dim3A_1293, %broadcast_in_dim3A_1294 : vector<16xi1>, vector<16xi32>
    %add3A_1296 = arith.addi %add3A_1275, %select_n3A_1295 : vector<16xi32>
    %get3A_1297 = arith.constant 848 : index
    %get3A_1298 = tpu.vector_load %arg16[%get3A_1297] {strides = array<i32>} : memref<1280xi32, #tpu.memory_space<vmem>>, vector<16xi32>,
    %gather3A_1299 = tpu.vector_load_idx %arg12[%get3A_1298] : memref<16384xf32, #tpu.memory_space<vmem>>[vector<16xi32>], vector<16xf32>,
    %gather3A_1300 = tpu.vector_load_idx %arg13[%get3A_1298] : memref<16384xf32, #tpu.memory_space<vmem>>[vector<16xi32>], vector<16xf32>,
    %gather3A_1301 = tpu.vector_load_idx %arg14[%get3A_1298] : memref<16384xf32, #tpu.memory_space<vmem>>[vector<16xi32>], vector<16xf32>,
    %gather3A_1302 = tpu.vector_load_idx %arg15[%get3A_1298] : memref<16384xf32, #tpu.memory_space<vmem>>[vector<16xi32>], vector<16xf32>,
    %mul3A_1303 = arith.mulf %gather3A_1299, %get3A_1164 : vector<16xf32>
    %mul3A_1304 = arith.mulf %gather3A_1300, %get3A_1166 : vector<16xf32>
    %add3A_1305 = arith.addf %mul3A_1303, %mul3A_1304 : vector<16xf32>
    %mul3A_1306 = arith.mulf %gather3A_1301, %get3A_1168 : vector<16xf32>
    %add3A_1307 = arith.addf %add3A_1305, %mul3A_1306 : vector<16xf32>
    %sub3A_1308 = arith.subf %gather3A_1302, %add3A_1307 : vector<16xf32>
    %gt3A_1309 = arith.constant 0.000000e+00 : f32
    %gt3A_1310 = vector.broadcast %gt3A_1309 : f32 to vector<16xf32>
    %gt3A_1311 = arith.cmpf ogt, %sub3A_1308, %gt3A_1310 : vector<16xf32>
    %jit3A_1312 = arith.constant 1 : i32
    %jit3A_1313 = arith.constant 0 : i32
    %broadcast_in_dim3A_1314 = vector.broadcast %jit3A_1312 : i32 to vector<16xi32>
    %broadcast_in_dim3A_1315 = vector.broadcast %jit3A_1313 : i32 to vector<16xi32>
    %select_n3A_1316 = arith.select %gt3A_1311, %broadcast_in_dim3A_1314, %broadcast_in_dim3A_1315 : vector<16xi1>, vector<16xi32>
    %add3A_1317 = arith.addi %add3A_1296, %select_n3A_1316 : vector<16xi32>
    %get3A_1318 = arith.constant 976 : index
    %get3A_1319 = tpu.vector_load %arg16[%get3A_1318] {strides = array<i32>} : memref<1280xi32, #tpu.memory_space<vmem>>, vector<16xi32>,
    %gather3A_1320 = tpu.vector_load_idx %arg12[%get3A_1319] : memref<16384xf32, #tpu.memory_space<vmem>>[vector<16xi32>], vector<16xf32>,
    %gather3A_1321 = tpu.vector_load_idx %arg13[%get3A_1319] : memref<16384xf32, #tpu.memory_space<vmem>>[vector<16xi32>], vector<16xf32>,
    %gather3A_1322 = tpu.vector_load_idx %arg14[%get3A_1319] : memref<16384xf32, #tpu.memory_space<vmem>>[vector<16xi32>], vector<16xf32>,
    %gather3A_1323 = tpu.vector_load_idx %arg15[%get3A_1319] : memref<16384xf32, #tpu.memory_space<vmem>>[vector<16xi32>], vector<16xf32>,
    %mul3A_1324 = arith.mulf %gather3A_1320, %get3A_1164 : vector<16xf32>
    %mul3A_1325 = arith.mulf %gather3A_1321, %get3A_1166 : vector<16xf32>
    %add3A_1326 = arith.addf %mul3A_1324, %mul3A_1325 : vector<16xf32>
    %mul3A_1327 = arith.mulf %gather3A_1322, %get3A_1168 : vector<16xf32>
    %add3A_1328 = arith.addf %add3A_1326, %mul3A_1327 : vector<16xf32>
    %sub3A_1329 = arith.subf %gather3A_1323, %add3A_1328 : vector<16xf32>
    %gt3A_1330 = arith.constant 0.000000e+00 : f32
    %gt3A_1331 = vector.broadcast %gt3A_1330 : f32 to vector<16xf32>
    %gt3A_1332 = arith.cmpf ogt, %sub3A_1329, %gt3A_1331 : vector<16xf32>
    %jit3A_1333 = arith.constant 1 : i32
    %jit3A_1334 = arith.constant 0 : i32
    %broadcast_in_dim3A_1335 = vector.broadcast %jit3A_1333 : i32 to vector<16xi32>
    %broadcast_in_dim3A_1336 = vector.broadcast %jit3A_1334 : i32 to vector<16xi32>
    %select_n3A_1337 = arith.select %gt3A_1332, %broadcast_in_dim3A_1335, %broadcast_in_dim3A_1336 : vector<16xi1>, vector<16xi32>
    %add3A_1338 = arith.addi %add3A_1317, %select_n3A_1337 : vector<16xi32>
    %get3A_1339 = arith.constant 1104 : index
    %get3A_1340 = tpu.vector_load %arg16[%get3A_1339] {strides = array<i32>} : memref<1280xi32, #tpu.memory_space<vmem>>, vector<16xi32>,
    %gather3A_1341 = tpu.vector_load_idx %arg12[%get3A_1340] : memref<16384xf32, #tpu.memory_space<vmem>>[vector<16xi32>], vector<16xf32>,
    %gather3A_1342 = tpu.vector_load_idx %arg13[%get3A_1340] : memref<16384xf32, #tpu.memory_space<vmem>>[vector<16xi32>], vector<16xf32>,
    %gather3A_1343 = tpu.vector_load_idx %arg14[%get3A_1340] : memref<16384xf32, #tpu.memory_space<vmem>>[vector<16xi32>], vector<16xf32>,
    %gather3A_1344 = tpu.vector_load_idx %arg15[%get3A_1340] : memref<16384xf32, #tpu.memory_space<vmem>>[vector<16xi32>], vector<16xf32>,
    %mul3A_1345 = arith.mulf %gather3A_1341, %get3A_1164 : vector<16xf32>
    %mul3A_1346 = arith.mulf %gather3A_1342, %get3A_1166 : vector<16xf32>
    %add3A_1347 = arith.addf %mul3A_1345, %mul3A_1346 : vector<16xf32>
    %mul3A_1348 = arith.mulf %gather3A_1343, %get3A_1168 : vector<16xf32>
    %add3A_1349 = arith.addf %add3A_1347, %mul3A_1348 : vector<16xf32>
    %sub3A_1350 = arith.subf %gather3A_1344, %add3A_1349 : vector<16xf32>
    %gt3A_1351 = arith.constant 0.000000e+00 : f32
    %gt3A_1352 = vector.broadcast %gt3A_1351 : f32 to vector<16xf32>
    %gt3A_1353 = arith.cmpf ogt, %sub3A_1350, %gt3A_1352 : vector<16xf32>
    %jit3A_1354 = arith.constant 1 : i32
    %jit3A_1355 = arith.constant 0 : i32
    %broadcast_in_dim3A_1356 = vector.broadcast %jit3A_1354 : i32 to vector<16xi32>
    %broadcast_in_dim3A_1357 = vector.broadcast %jit3A_1355 : i32 to vector<16xi32>
    %select_n3A_1358 = arith.select %gt3A_1353, %broadcast_in_dim3A_1356, %broadcast_in_dim3A_1357 : vector<16xi1>, vector<16xi32>
    %add3A_1359 = arith.addi %add3A_1338, %select_n3A_1358 : vector<16xi32>
    %get3A_1360 = arith.constant 1232 : index
    %get3A_1361 = tpu.vector_load %arg16[%get3A_1360] {strides = array<i32>} : memref<1280xi32, #tpu.memory_space<vmem>>, vector<16xi32>,
    %gather3A_1362 = tpu.vector_load_idx %arg12[%get3A_1361] : memref<16384xf32, #tpu.memory_space<vmem>>[vector<16xi32>], vector<16xf32>,
    %gather3A_1363 = tpu.vector_load_idx %arg13[%get3A_1361] : memref<16384xf32, #tpu.memory_space<vmem>>[vector<16xi32>], vector<16xf32>,
    %gather3A_1364 = tpu.vector_load_idx %arg14[%get3A_1361] : memref<16384xf32, #tpu.memory_space<vmem>>[vector<16xi32>], vector<16xf32>,
    %gather3A_1365 = tpu.vector_load_idx %arg15[%get3A_1361] : memref<16384xf32, #tpu.memory_space<vmem>>[vector<16xi32>], vector<16xf32>,
    %mul3A_1366 = arith.mulf %gather3A_1362, %get3A_1164 : vector<16xf32>
    %mul3A_1367 = arith.mulf %gather3A_1363, %get3A_1166 : vector<16xf32>
    %add3A_1368 = arith.addf %mul3A_1366, %mul3A_1367 : vector<16xf32>
    %mul3A_1369 = arith.mulf %gather3A_1364, %get3A_1168 : vector<16xf32>
    %add3A_1370 = arith.addf %add3A_1368, %mul3A_1369 : vector<16xf32>
    %sub3A_1371 = arith.subf %gather3A_1365, %add3A_1370 : vector<16xf32>
    %gt3A_1372 = arith.constant 0.000000e+00 : f32
    %gt3A_1373 = vector.broadcast %gt3A_1372 : f32 to vector<16xf32>
    %gt3A_1374 = arith.cmpf ogt, %sub3A_1371, %gt3A_1373 : vector<16xf32>
    %jit3A_1375 = arith.constant 1 : i32
    %jit3A_1376 = arith.constant 0 : i32
    %broadcast_in_dim3A_1377 = vector.broadcast %jit3A_1375 : i32 to vector<16xi32>
    %broadcast_in_dim3A_1378 = vector.broadcast %jit3A_1376 : i32 to vector<16xi32>
    %select_n3A_1379 = arith.select %gt3A_1374, %broadcast_in_dim3A_1377, %broadcast_in_dim3A_1378 : vector<16xi1>, vector<16xi32>
    %add3A_1380 = arith.addi %add3A_1359, %select_n3A_1379 : vector<16xi32>
    %get3A_1381 = arith.constant 80 : index
    %get3A_1382 = tpu.vector_load %arg20[%get3A_1381] {strides = array<i32>} : memref<128xf32, #tpu.memory_space<vmem>>, vector<16xf32>,
    %gt3A_1383 = arith.constant 8 : i32
    %gt3A_1384 = vector.broadcast %gt3A_1383 : i32 to vector<16xi32>
    %gt3A_1385 = arith.cmpi sgt, %add3A_1380, %gt3A_1384 : vector<16xi32>
    %neg3A_1386 = arith.constant 0.000000e+00 : f32
    %neg3A_1387 = vector.broadcast %neg3A_1386 : f32 to vector<16xf32>
    %neg3A_1388 = arith.subf %neg3A_1387, %get3A_1382 : vector<16xf32>
    %select_n3A_1389 = arith.select %gt3A_1385, %neg3A_1388, %get3A_1382 : vector<16xi1>, vector<16xf32>
    %min3A_1390 = arith.minimumf %get3A_1168, %select_n3A_1389 : vector<16xf32>
    %swap3A_1391 = arith.constant 80 : index
    %swap3A_1392 = tpu.vector_load %arg21[%swap3A_1391] {strides = array<i32>} : memref<128xf32, #tpu.memory_space<vmem>>, vector<16xf32>,
    tpu.vector_store %arg21[%swap3A_1391], %min3A_1390 {strides = array<i32>} : memref<128xf32, #tpu.memory_space<vmem>>, vector<16xf32>,
    %get3A_1393 = arith.constant 96 : index
    %get3A_1394 = tpu.vector_load %arg17[%get3A_1393] {strides = array<i32>} : memref<128xf32, #tpu.memory_space<vmem>>, vector<16xf32>,
    %get3A_1395 = arith.constant 96 : index
    %get3A_1396 = tpu.vector_load %arg18[%get3A_1395] {strides = array<i32>} : memref<128xf32, #tpu.memory_space<vmem>>, vector<16xf32>,
    %get3A_1397 = arith.constant 96 : index
    %get3A_1398 = tpu.vector_load %arg19[%get3A_1397] {strides = array<i32>} : memref<128xf32, #tpu.memory_space<vmem>>, vector<16xf32>,
    %broadcast_in_dim3A_1399 = arith.constant 0 : i32
    %broadcast_in_dim3A_1400 = vector.broadcast %broadcast_in_dim3A_1399 : i32 to vector<16xi32>
    %get3A_1401 = arith.constant 96 : index
    %get3A_1402 = tpu.vector_load %arg16[%get3A_1401] {strides = array<i32>} : memref<1280xi32, #tpu.memory_space<vmem>>, vector<16xi32>,
    %gather3A_1403 = tpu.vector_load_idx %arg12[%get3A_1402] : memref<16384xf32, #tpu.memory_space<vmem>>[vector<16xi32>], vector<16xf32>,
    %gather3A_1404 = tpu.vector_load_idx %arg13[%get3A_1402] : memref<16384xf32, #tpu.memory_space<vmem>>[vector<16xi32>], vector<16xf32>,
    %gather3A_1405 = tpu.vector_load_idx %arg14[%get3A_1402] : memref<16384xf32, #tpu.memory_space<vmem>>[vector<16xi32>], vector<16xf32>,
    %gather3A_1406 = tpu.vector_load_idx %arg15[%get3A_1402] : memref<16384xf32, #tpu.memory_space<vmem>>[vector<16xi32>], vector<16xf32>,
    %mul3A_1407 = arith.mulf %gather3A_1403, %get3A_1394 : vector<16xf32>
    %mul3A_1408 = arith.mulf %gather3A_1404, %get3A_1396 : vector<16xf32>
    %add3A_1409 = arith.addf %mul3A_1407, %mul3A_1408 : vector<16xf32>
    %mul3A_1410 = arith.mulf %gather3A_1405, %get3A_1398 : vector<16xf32>
    %add3A_1411 = arith.addf %add3A_1409, %mul3A_1410 : vector<16xf32>
    %sub3A_1412 = arith.subf %gather3A_1406, %add3A_1411 : vector<16xf32>
    %gt3A_1413 = arith.constant 0.000000e+00 : f32
    %gt3A_1414 = vector.broadcast %gt3A_1413 : f32 to vector<16xf32>
    %gt3A_1415 = arith.cmpf ogt, %sub3A_1412, %gt3A_1414 : vector<16xf32>
    %jit3A_1416 = arith.constant 1 : i32
    %jit3A_1417 = arith.constant 0 : i32
    %broadcast_in_dim3A_1418 = vector.broadcast %jit3A_1416 : i32 to vector<16xi32>
    %broadcast_in_dim3A_1419 = vector.broadcast %jit3A_1417 : i32 to vector<16xi32>
    %select_n3A_1420 = arith.select %gt3A_1415, %broadcast_in_dim3A_1418, %broadcast_in_dim3A_1419 : vector<16xi1>, vector<16xi32>
    %add3A_1421 = arith.addi %broadcast_in_dim3A_1400, %select_n3A_1420 : vector<16xi32>
    %get3A_1422 = arith.constant 224 : index
    %get3A_1423 = tpu.vector_load %arg16[%get3A_1422] {strides = array<i32>} : memref<1280xi32, #tpu.memory_space<vmem>>, vector<16xi32>,
    %gather3A_1424 = tpu.vector_load_idx %arg12[%get3A_1423] : memref<16384xf32, #tpu.memory_space<vmem>>[vector<16xi32>], vector<16xf32>,
    %gather3A_1425 = tpu.vector_load_idx %arg13[%get3A_1423] : memref<16384xf32, #tpu.memory_space<vmem>>[vector<16xi32>], vector<16xf32>,
    %gather3A_1426 = tpu.vector_load_idx %arg14[%get3A_1423] : memref<16384xf32, #tpu.memory_space<vmem>>[vector<16xi32>], vector<16xf32>,
    %gather3A_1427 = tpu.vector_load_idx %arg15[%get3A_1423] : memref<16384xf32, #tpu.memory_space<vmem>>[vector<16xi32>], vector<16xf32>,
    %mul3A_1428 = arith.mulf %gather3A_1424, %get3A_1394 : vector<16xf32>
    %mul3A_1429 = arith.mulf %gather3A_1425, %get3A_1396 : vector<16xf32>
    %add3A_1430 = arith.addf %mul3A_1428, %mul3A_1429 : vector<16xf32>
    %mul3A_1431 = arith.mulf %gather3A_1426, %get3A_1398 : vector<16xf32>
    %add3A_1432 = arith.addf %add3A_1430, %mul3A_1431 : vector<16xf32>
    %sub3A_1433 = arith.subf %gather3A_1427, %add3A_1432 : vector<16xf32>
    %gt3A_1434 = arith.constant 0.000000e+00 : f32
    %gt3A_1435 = vector.broadcast %gt3A_1434 : f32 to vector<16xf32>
    %gt3A_1436 = arith.cmpf ogt, %sub3A_1433, %gt3A_1435 : vector<16xf32>
    %jit3A_1437 = arith.constant 1 : i32
    %jit3A_1438 = arith.constant 0 : i32
    %broadcast_in_dim3A_1439 = vector.broadcast %jit3A_1437 : i32 to vector<16xi32>
    %broadcast_in_dim3A_1440 = vector.broadcast %jit3A_1438 : i32 to vector<16xi32>
    %select_n3A_1441 = arith.select %gt3A_1436, %broadcast_in_dim3A_1439, %broadcast_in_dim3A_1440 : vector<16xi1>, vector<16xi32>
    %add3A_1442 = arith.addi %add3A_1421, %select_n3A_1441 : vector<16xi32>
    %get3A_1443 = arith.constant 352 : index
    %get3A_1444 = tpu.vector_load %arg16[%get3A_1443] {strides = array<i32>} : memref<1280xi32, #tpu.memory_space<vmem>>, vector<16xi32>,
    %gather3A_1445 = tpu.vector_load_idx %arg12[%get3A_1444] : memref<16384xf32, #tpu.memory_space<vmem>>[vector<16xi32>], vector<16xf32>,
    %gather3A_1446 = tpu.vector_load_idx %arg13[%get3A_1444] : memref<16384xf32, #tpu.memory_space<vmem>>[vector<16xi32>], vector<16xf32>,
    %gather3A_1447 = tpu.vector_load_idx %arg14[%get3A_1444] : memref<16384xf32, #tpu.memory_space<vmem>>[vector<16xi32>], vector<16xf32>,
    %gather3A_1448 = tpu.vector_load_idx %arg15[%get3A_1444] : memref<16384xf32, #tpu.memory_space<vmem>>[vector<16xi32>], vector<16xf32>,
    %mul3A_1449 = arith.mulf %gather3A_1445, %get3A_1394 : vector<16xf32>
    %mul3A_1450 = arith.mulf %gather3A_1446, %get3A_1396 : vector<16xf32>
    %add3A_1451 = arith.addf %mul3A_1449, %mul3A_1450 : vector<16xf32>
    %mul3A_1452 = arith.mulf %gather3A_1447, %get3A_1398 : vector<16xf32>
    %add3A_1453 = arith.addf %add3A_1451, %mul3A_1452 : vector<16xf32>
    %sub3A_1454 = arith.subf %gather3A_1448, %add3A_1453 : vector<16xf32>
    %gt3A_1455 = arith.constant 0.000000e+00 : f32
    %gt3A_1456 = vector.broadcast %gt3A_1455 : f32 to vector<16xf32>
    %gt3A_1457 = arith.cmpf ogt, %sub3A_1454, %gt3A_1456 : vector<16xf32>
    %jit3A_1458 = arith.constant 1 : i32
    %jit3A_1459 = arith.constant 0 : i32
    %broadcast_in_dim3A_1460 = vector.broadcast %jit3A_1458 : i32 to vector<16xi32>
    %broadcast_in_dim3A_1461 = vector.broadcast %jit3A_1459 : i32 to vector<16xi32>
    %select_n3A_1462 = arith.select %gt3A_1457, %broadcast_in_dim3A_1460, %broadcast_in_dim3A_1461 : vector<16xi1>, vector<16xi32>
    %add3A_1463 = arith.addi %add3A_1442, %select_n3A_1462 : vector<16xi32>
    %get3A_1464 = arith.constant 480 : index
    %get3A_1465 = tpu.vector_load %arg16[%get3A_1464] {strides = array<i32>} : memref<1280xi32, #tpu.memory_space<vmem>>, vector<16xi32>,
    %gather3A_1466 = tpu.vector_load_idx %arg12[%get3A_1465] : memref<16384xf32, #tpu.memory_space<vmem>>[vector<16xi32>], vector<16xf32>,
    %gather3A_1467 = tpu.vector_load_idx %arg13[%get3A_1465] : memref<16384xf32, #tpu.memory_space<vmem>>[vector<16xi32>], vector<16xf32>,
    %gather3A_1468 = tpu.vector_load_idx %arg14[%get3A_1465] : memref<16384xf32, #tpu.memory_space<vmem>>[vector<16xi32>], vector<16xf32>,
    %gather3A_1469 = tpu.vector_load_idx %arg15[%get3A_1465] : memref<16384xf32, #tpu.memory_space<vmem>>[vector<16xi32>], vector<16xf32>,
    %mul3A_1470 = arith.mulf %gather3A_1466, %get3A_1394 : vector<16xf32>
    %mul3A_1471 = arith.mulf %gather3A_1467, %get3A_1396 : vector<16xf32>
    %add3A_1472 = arith.addf %mul3A_1470, %mul3A_1471 : vector<16xf32>
    %mul3A_1473 = arith.mulf %gather3A_1468, %get3A_1398 : vector<16xf32>
    %add3A_1474 = arith.addf %add3A_1472, %mul3A_1473 : vector<16xf32>
    %sub3A_1475 = arith.subf %gather3A_1469, %add3A_1474 : vector<16xf32>
    %gt3A_1476 = arith.constant 0.000000e+00 : f32
    %gt3A_1477 = vector.broadcast %gt3A_1476 : f32 to vector<16xf32>
    %gt3A_1478 = arith.cmpf ogt, %sub3A_1475, %gt3A_1477 : vector<16xf32>
    %jit3A_1479 = arith.constant 1 : i32
    %jit3A_1480 = arith.constant 0 : i32
    %broadcast_in_dim3A_1481 = vector.broadcast %jit3A_1479 : i32 to vector<16xi32>
    %broadcast_in_dim3A_1482 = vector.broadcast %jit3A_1480 : i32 to vector<16xi32>
    %select_n3A_1483 = arith.select %gt3A_1478, %broadcast_in_dim3A_1481, %broadcast_in_dim3A_1482 : vector<16xi1>, vector<16xi32>
    %add3A_1484 = arith.addi %add3A_1463, %select_n3A_1483 : vector<16xi32>
    %get3A_1485 = arith.constant 608 : index
    %get3A_1486 = tpu.vector_load %arg16[%get3A_1485] {strides = array<i32>} : memref<1280xi32, #tpu.memory_space<vmem>>, vector<16xi32>,
    %gather3A_1487 = tpu.vector_load_idx %arg12[%get3A_1486] : memref<16384xf32, #tpu.memory_space<vmem>>[vector<16xi32>], vector<16xf32>,
    %gather3A_1488 = tpu.vector_load_idx %arg13[%get3A_1486] : memref<16384xf32, #tpu.memory_space<vmem>>[vector<16xi32>], vector<16xf32>,
    %gather3A_1489 = tpu.vector_load_idx %arg14[%get3A_1486] : memref<16384xf32, #tpu.memory_space<vmem>>[vector<16xi32>], vector<16xf32>,
    %gather3A_1490 = tpu.vector_load_idx %arg15[%get3A_1486] : memref<16384xf32, #tpu.memory_space<vmem>>[vector<16xi32>], vector<16xf32>,
    %mul3A_1491 = arith.mulf %gather3A_1487, %get3A_1394 : vector<16xf32>
    %mul3A_1492 = arith.mulf %gather3A_1488, %get3A_1396 : vector<16xf32>
    %add3A_1493 = arith.addf %mul3A_1491, %mul3A_1492 : vector<16xf32>
    %mul3A_1494 = arith.mulf %gather3A_1489, %get3A_1398 : vector<16xf32>
    %add3A_1495 = arith.addf %add3A_1493, %mul3A_1494 : vector<16xf32>
    %sub3A_1496 = arith.subf %gather3A_1490, %add3A_1495 : vector<16xf32>
    %gt3A_1497 = arith.constant 0.000000e+00 : f32
    %gt3A_1498 = vector.broadcast %gt3A_1497 : f32 to vector<16xf32>
    %gt3A_1499 = arith.cmpf ogt, %sub3A_1496, %gt3A_1498 : vector<16xf32>
    %jit3A_1500 = arith.constant 1 : i32
    %jit3A_1501 = arith.constant 0 : i32
    %broadcast_in_dim3A_1502 = vector.broadcast %jit3A_1500 : i32 to vector<16xi32>
    %broadcast_in_dim3A_1503 = vector.broadcast %jit3A_1501 : i32 to vector<16xi32>
    %select_n3A_1504 = arith.select %gt3A_1499, %broadcast_in_dim3A_1502, %broadcast_in_dim3A_1503 : vector<16xi1>, vector<16xi32>
    %add3A_1505 = arith.addi %add3A_1484, %select_n3A_1504 : vector<16xi32>
    %get3A_1506 = arith.constant 736 : index
    %get3A_1507 = tpu.vector_load %arg16[%get3A_1506] {strides = array<i32>} : memref<1280xi32, #tpu.memory_space<vmem>>, vector<16xi32>,
    %gather3A_1508 = tpu.vector_load_idx %arg12[%get3A_1507] : memref<16384xf32, #tpu.memory_space<vmem>>[vector<16xi32>], vector<16xf32>,
    %gather3A_1509 = tpu.vector_load_idx %arg13[%get3A_1507] : memref<16384xf32, #tpu.memory_space<vmem>>[vector<16xi32>], vector<16xf32>,
    %gather3A_1510 = tpu.vector_load_idx %arg14[%get3A_1507] : memref<16384xf32, #tpu.memory_space<vmem>>[vector<16xi32>], vector<16xf32>,
    %gather3A_1511 = tpu.vector_load_idx %arg15[%get3A_1507] : memref<16384xf32, #tpu.memory_space<vmem>>[vector<16xi32>], vector<16xf32>,
    %mul3A_1512 = arith.mulf %gather3A_1508, %get3A_1394 : vector<16xf32>
    %mul3A_1513 = arith.mulf %gather3A_1509, %get3A_1396 : vector<16xf32>
    %add3A_1514 = arith.addf %mul3A_1512, %mul3A_1513 : vector<16xf32>
    %mul3A_1515 = arith.mulf %gather3A_1510, %get3A_1398 : vector<16xf32>
    %add3A_1516 = arith.addf %add3A_1514, %mul3A_1515 : vector<16xf32>
    %sub3A_1517 = arith.subf %gather3A_1511, %add3A_1516 : vector<16xf32>
    %gt3A_1518 = arith.constant 0.000000e+00 : f32
    %gt3A_1519 = vector.broadcast %gt3A_1518 : f32 to vector<16xf32>
    %gt3A_1520 = arith.cmpf ogt, %sub3A_1517, %gt3A_1519 : vector<16xf32>
    %jit3A_1521 = arith.constant 1 : i32
    %jit3A_1522 = arith.constant 0 : i32
    %broadcast_in_dim3A_1523 = vector.broadcast %jit3A_1521 : i32 to vector<16xi32>
    %broadcast_in_dim3A_1524 = vector.broadcast %jit3A_1522 : i32 to vector<16xi32>
    %select_n3A_1525 = arith.select %gt3A_1520, %broadcast_in_dim3A_1523, %broadcast_in_dim3A_1524 : vector<16xi1>, vector<16xi32>
    %add3A_1526 = arith.addi %add3A_1505, %select_n3A_1525 : vector<16xi32>
    %get3A_1527 = arith.constant 864 : index
    %get3A_1528 = tpu.vector_load %arg16[%get3A_1527] {strides = array<i32>} : memref<1280xi32, #tpu.memory_space<vmem>>, vector<16xi32>,
    %gather3A_1529 = tpu.vector_load_idx %arg12[%get3A_1528] : memref<16384xf32, #tpu.memory_space<vmem>>[vector<16xi32>], vector<16xf32>,
    %gather3A_1530 = tpu.vector_load_idx %arg13[%get3A_1528] : memref<16384xf32, #tpu.memory_space<vmem>>[vector<16xi32>], vector<16xf32>,
    %gather3A_1531 = tpu.vector_load_idx %arg14[%get3A_1528] : memref<16384xf32, #tpu.memory_space<vmem>>[vector<16xi32>], vector<16xf32>,
    %gather3A_1532 = tpu.vector_load_idx %arg15[%get3A_1528] : memref<16384xf32, #tpu.memory_space<vmem>>[vector<16xi32>], vector<16xf32>,
    %mul3A_1533 = arith.mulf %gather3A_1529, %get3A_1394 : vector<16xf32>
    %mul3A_1534 = arith.mulf %gather3A_1530, %get3A_1396 : vector<16xf32>
    %add3A_1535 = arith.addf %mul3A_1533, %mul3A_1534 : vector<16xf32>
    %mul3A_1536 = arith.mulf %gather3A_1531, %get3A_1398 : vector<16xf32>
    %add3A_1537 = arith.addf %add3A_1535, %mul3A_1536 : vector<16xf32>
    %sub3A_1538 = arith.subf %gather3A_1532, %add3A_1537 : vector<16xf32>
    %gt3A_1539 = arith.constant 0.000000e+00 : f32
    %gt3A_1540 = vector.broadcast %gt3A_1539 : f32 to vector<16xf32>
    %gt3A_1541 = arith.cmpf ogt, %sub3A_1538, %gt3A_1540 : vector<16xf32>
    %jit3A_1542 = arith.constant 1 : i32
    %jit3A_1543 = arith.constant 0 : i32
    %broadcast_in_dim3A_1544 = vector.broadcast %jit3A_1542 : i32 to vector<16xi32>
    %broadcast_in_dim3A_1545 = vector.broadcast %jit3A_1543 : i32 to vector<16xi32>
    %select_n3A_1546 = arith.select %gt3A_1541, %broadcast_in_dim3A_1544, %broadcast_in_dim3A_1545 : vector<16xi1>, vector<16xi32>
    %add3A_1547 = arith.addi %add3A_1526, %select_n3A_1546 : vector<16xi32>
    %get3A_1548 = arith.constant 992 : index
    %get3A_1549 = tpu.vector_load %arg16[%get3A_1548] {strides = array<i32>} : memref<1280xi32, #tpu.memory_space<vmem>>, vector<16xi32>,
    %gather3A_1550 = tpu.vector_load_idx %arg12[%get3A_1549] : memref<16384xf32, #tpu.memory_space<vmem>>[vector<16xi32>], vector<16xf32>,
    %gather3A_1551 = tpu.vector_load_idx %arg13[%get3A_1549] : memref<16384xf32, #tpu.memory_space<vmem>>[vector<16xi32>], vector<16xf32>,
    %gather3A_1552 = tpu.vector_load_idx %arg14[%get3A_1549] : memref<16384xf32, #tpu.memory_space<vmem>>[vector<16xi32>], vector<16xf32>,
    %gather3A_1553 = tpu.vector_load_idx %arg15[%get3A_1549] : memref<16384xf32, #tpu.memory_space<vmem>>[vector<16xi32>], vector<16xf32>,
    %mul3A_1554 = arith.mulf %gather3A_1550, %get3A_1394 : vector<16xf32>
    %mul3A_1555 = arith.mulf %gather3A_1551, %get3A_1396 : vector<16xf32>
    %add3A_1556 = arith.addf %mul3A_1554, %mul3A_1555 : vector<16xf32>
    %mul3A_1557 = arith.mulf %gather3A_1552, %get3A_1398 : vector<16xf32>
    %add3A_1558 = arith.addf %add3A_1556, %mul3A_1557 : vector<16xf32>
    %sub3A_1559 = arith.subf %gather3A_1553, %add3A_1558 : vector<16xf32>
    %gt3A_1560 = arith.constant 0.000000e+00 : f32
    %gt3A_1561 = vector.broadcast %gt3A_1560 : f32 to vector<16xf32>
    %gt3A_1562 = arith.cmpf ogt, %sub3A_1559, %gt3A_1561 : vector<16xf32>
    %jit3A_1563 = arith.constant 1 : i32
    %jit3A_1564 = arith.constant 0 : i32
    %broadcast_in_dim3A_1565 = vector.broadcast %jit3A_1563 : i32 to vector<16xi32>
    %broadcast_in_dim3A_1566 = vector.broadcast %jit3A_1564 : i32 to vector<16xi32>
    %select_n3A_1567 = arith.select %gt3A_1562, %broadcast_in_dim3A_1565, %broadcast_in_dim3A_1566 : vector<16xi1>, vector<16xi32>
    %add3A_1568 = arith.addi %add3A_1547, %select_n3A_1567 : vector<16xi32>
    %get3A_1569 = arith.constant 1120 : index
    %get3A_1570 = tpu.vector_load %arg16[%get3A_1569] {strides = array<i32>} : memref<1280xi32, #tpu.memory_space<vmem>>, vector<16xi32>,
    %gather3A_1571 = tpu.vector_load_idx %arg12[%get3A_1570] : memref<16384xf32, #tpu.memory_space<vmem>>[vector<16xi32>], vector<16xf32>,
    %gather3A_1572 = tpu.vector_load_idx %arg13[%get3A_1570] : memref<16384xf32, #tpu.memory_space<vmem>>[vector<16xi32>], vector<16xf32>,
    %gather3A_1573 = tpu.vector_load_idx %arg14[%get3A_1570] : memref<16384xf32, #tpu.memory_space<vmem>>[vector<16xi32>], vector<16xf32>,
    %gather3A_1574 = tpu.vector_load_idx %arg15[%get3A_1570] : memref<16384xf32, #tpu.memory_space<vmem>>[vector<16xi32>], vector<16xf32>,
    %mul3A_1575 = arith.mulf %gather3A_1571, %get3A_1394 : vector<16xf32>
    %mul3A_1576 = arith.mulf %gather3A_1572, %get3A_1396 : vector<16xf32>
    %add3A_1577 = arith.addf %mul3A_1575, %mul3A_1576 : vector<16xf32>
    %mul3A_1578 = arith.mulf %gather3A_1573, %get3A_1398 : vector<16xf32>
    %add3A_1579 = arith.addf %add3A_1577, %mul3A_1578 : vector<16xf32>
    %sub3A_1580 = arith.subf %gather3A_1574, %add3A_1579 : vector<16xf32>
    %gt3A_1581 = arith.constant 0.000000e+00 : f32
    %gt3A_1582 = vector.broadcast %gt3A_1581 : f32 to vector<16xf32>
    %gt3A_1583 = arith.cmpf ogt, %sub3A_1580, %gt3A_1582 : vector<16xf32>
    %jit3A_1584 = arith.constant 1 : i32
    %jit3A_1585 = arith.constant 0 : i32
    %broadcast_in_dim3A_1586 = vector.broadcast %jit3A_1584 : i32 to vector<16xi32>
    %broadcast_in_dim3A_1587 = vector.broadcast %jit3A_1585 : i32 to vector<16xi32>
    %select_n3A_1588 = arith.select %gt3A_1583, %broadcast_in_dim3A_1586, %broadcast_in_dim3A_1587 : vector<16xi1>, vector<16xi32>
    %add3A_1589 = arith.addi %add3A_1568, %select_n3A_1588 : vector<16xi32>
    %get3A_1590 = arith.constant 1248 : index
    %get3A_1591 = tpu.vector_load %arg16[%get3A_1590] {strides = array<i32>} : memref<1280xi32, #tpu.memory_space<vmem>>, vector<16xi32>,
    %gather3A_1592 = tpu.vector_load_idx %arg12[%get3A_1591] : memref<16384xf32, #tpu.memory_space<vmem>>[vector<16xi32>], vector<16xf32>,
    %gather3A_1593 = tpu.vector_load_idx %arg13[%get3A_1591] : memref<16384xf32, #tpu.memory_space<vmem>>[vector<16xi32>], vector<16xf32>,
    %gather3A_1594 = tpu.vector_load_idx %arg14[%get3A_1591] : memref<16384xf32, #tpu.memory_space<vmem>>[vector<16xi32>], vector<16xf32>,
    %gather3A_1595 = tpu.vector_load_idx %arg15[%get3A_1591] : memref<16384xf32, #tpu.memory_space<vmem>>[vector<16xi32>], vector<16xf32>,
    %mul3A_1596 = arith.mulf %gather3A_1592, %get3A_1394 : vector<16xf32>
    %mul3A_1597 = arith.mulf %gather3A_1593, %get3A_1396 : vector<16xf32>
    %add3A_1598 = arith.addf %mul3A_1596, %mul3A_1597 : vector<16xf32>
    %mul3A_1599 = arith.mulf %gather3A_1594, %get3A_1398 : vector<16xf32>
    %add3A_1600 = arith.addf %add3A_1598, %mul3A_1599 : vector<16xf32>
    %sub3A_1601 = arith.subf %gather3A_1595, %add3A_1600 : vector<16xf32>
    %gt3A_1602 = arith.constant 0.000000e+00 : f32
    %gt3A_1603 = vector.broadcast %gt3A_1602 : f32 to vector<16xf32>
    %gt3A_1604 = arith.cmpf ogt, %sub3A_1601, %gt3A_1603 : vector<16xf32>
    %jit3A_1605 = arith.constant 1 : i32
    %jit3A_1606 = arith.constant 0 : i32
    %broadcast_in_dim3A_1607 = vector.broadcast %jit3A_1605 : i32 to vector<16xi32>
    %broadcast_in_dim3A_1608 = vector.broadcast %jit3A_1606 : i32 to vector<16xi32>
    %select_n3A_1609 = arith.select %gt3A_1604, %broadcast_in_dim3A_1607, %broadcast_in_dim3A_1608 : vector<16xi1>, vector<16xi32>
    %add3A_1610 = arith.addi %add3A_1589, %select_n3A_1609 : vector<16xi32>
    %get3A_1611 = arith.constant 96 : index
    %get3A_1612 = tpu.vector_load %arg20[%get3A_1611] {strides = array<i32>} : memref<128xf32, #tpu.memory_space<vmem>>, vector<16xf32>,
    %gt3A_1613 = arith.constant 8 : i32
    %gt3A_1614 = vector.broadcast %gt3A_1613 : i32 to vector<16xi32>
    %gt3A_1615 = arith.cmpi sgt, %add3A_1610, %gt3A_1614 : vector<16xi32>
    %neg3A_1616 = arith.constant 0.000000e+00 : f32
    %neg3A_1617 = vector.broadcast %neg3A_1616 : f32 to vector<16xf32>
    %neg3A_1618 = arith.subf %neg3A_1617, %get3A_1612 : vector<16xf32>
    %select_n3A_1619 = arith.select %gt3A_1615, %neg3A_1618, %get3A_1612 : vector<16xi1>, vector<16xf32>
    %min3A_1620 = arith.minimumf %get3A_1398, %select_n3A_1619 : vector<16xf32>
    %swap3A_1621 = arith.constant 96 : index
    %swap3A_1622 = tpu.vector_load %arg21[%swap3A_1621] {strides = array<i32>} : memref<128xf32, #tpu.memory_space<vmem>>, vector<16xf32>,
    tpu.vector_store %arg21[%swap3A_1621], %min3A_1620 {strides = array<i32>} : memref<128xf32, #tpu.memory_space<vmem>>, vector<16xf32>,
    %get3A_1623 = arith.constant 112 : index
    %get3A_1624 = tpu.vector_load %arg17[%get3A_1623] {strides = array<i32>} : memref<128xf32, #tpu.memory_space<vmem>>, vector<16xf32>,
    %get3A_1625 = arith.constant 112 : index
    %get3A_1626 = tpu.vector_load %arg18[%get3A_1625] {strides = array<i32>} : memref<128xf32, #tpu.memory_space<vmem>>, vector<16xf32>,
    %get3A_1627 = arith.constant 112 : index
    %get3A_1628 = tpu.vector_load %arg19[%get3A_1627] {strides = array<i32>} : memref<128xf32, #tpu.memory_space<vmem>>, vector<16xf32>,
    %broadcast_in_dim3A_1629 = arith.constant 0 : i32
    %broadcast_in_dim3A_1630 = vector.broadcast %broadcast_in_dim3A_1629 : i32 to vector<16xi32>
    %get3A_1631 = arith.constant 112 : index
    %get3A_1632 = tpu.vector_load %arg16[%get3A_1631] {strides = array<i32>} : memref<1280xi32, #tpu.memory_space<vmem>>, vector<16xi32>,
    %gather3A_1633 = tpu.vector_load_idx %arg12[%get3A_1632] : memref<16384xf32, #tpu.memory_space<vmem>>[vector<16xi32>], vector<16xf32>,
    %gather3A_1634 = tpu.vector_load_idx %arg13[%get3A_1632] : memref<16384xf32, #tpu.memory_space<vmem>>[vector<16xi32>], vector<16xf32>,
    %gather3A_1635 = tpu.vector_load_idx %arg14[%get3A_1632] : memref<16384xf32, #tpu.memory_space<vmem>>[vector<16xi32>], vector<16xf32>,
    %gather3A_1636 = tpu.vector_load_idx %arg15[%get3A_1632] : memref<16384xf32, #tpu.memory_space<vmem>>[vector<16xi32>], vector<16xf32>,
    %mul3A_1637 = arith.mulf %gather3A_1633, %get3A_1624 : vector<16xf32>
    %mul3A_1638 = arith.mulf %gather3A_1634, %get3A_1626 : vector<16xf32>
    %add3A_1639 = arith.addf %mul3A_1637, %mul3A_1638 : vector<16xf32>
    %mul3A_1640 = arith.mulf %gather3A_1635, %get3A_1628 : vector<16xf32>
    %add3A_1641 = arith.addf %add3A_1639, %mul3A_1640 : vector<16xf32>
    %sub3A_1642 = arith.subf %gather3A_1636, %add3A_1641 : vector<16xf32>
    %gt3A_1643 = arith.constant 0.000000e+00 : f32
    %gt3A_1644 = vector.broadcast %gt3A_1643 : f32 to vector<16xf32>
    %gt3A_1645 = arith.cmpf ogt, %sub3A_1642, %gt3A_1644 : vector<16xf32>
    %jit3A_1646 = arith.constant 1 : i32
    %jit3A_1647 = arith.constant 0 : i32
    %broadcast_in_dim3A_1648 = vector.broadcast %jit3A_1646 : i32 to vector<16xi32>
    %broadcast_in_dim3A_1649 = vector.broadcast %jit3A_1647 : i32 to vector<16xi32>
    %select_n3A_1650 = arith.select %gt3A_1645, %broadcast_in_dim3A_1648, %broadcast_in_dim3A_1649 : vector<16xi1>, vector<16xi32>
    %add3A_1651 = arith.addi %broadcast_in_dim3A_1630, %select_n3A_1650 : vector<16xi32>
    %get3A_1652 = arith.constant 240 : index
    %get3A_1653 = tpu.vector_load %arg16[%get3A_1652] {strides = array<i32>} : memref<1280xi32, #tpu.memory_space<vmem>>, vector<16xi32>,
    %gather3A_1654 = tpu.vector_load_idx %arg12[%get3A_1653] : memref<16384xf32, #tpu.memory_space<vmem>>[vector<16xi32>], vector<16xf32>,
    %gather3A_1655 = tpu.vector_load_idx %arg13[%get3A_1653] : memref<16384xf32, #tpu.memory_space<vmem>>[vector<16xi32>], vector<16xf32>,
    %gather3A_1656 = tpu.vector_load_idx %arg14[%get3A_1653] : memref<16384xf32, #tpu.memory_space<vmem>>[vector<16xi32>], vector<16xf32>,
    %gather3A_1657 = tpu.vector_load_idx %arg15[%get3A_1653] : memref<16384xf32, #tpu.memory_space<vmem>>[vector<16xi32>], vector<16xf32>,
    %mul3A_1658 = arith.mulf %gather3A_1654, %get3A_1624 : vector<16xf32>
    %mul3A_1659 = arith.mulf %gather3A_1655, %get3A_1626 : vector<16xf32>
    %add3A_1660 = arith.addf %mul3A_1658, %mul3A_1659 : vector<16xf32>
    %mul3A_1661 = arith.mulf %gather3A_1656, %get3A_1628 : vector<16xf32>
    %add3A_1662 = arith.addf %add3A_1660, %mul3A_1661 : vector<16xf32>
    %sub3A_1663 = arith.subf %gather3A_1657, %add3A_1662 : vector<16xf32>
    %gt3A_1664 = arith.constant 0.000000e+00 : f32
    %gt3A_1665 = vector.broadcast %gt3A_1664 : f32 to vector<16xf32>
    %gt3A_1666 = arith.cmpf ogt, %sub3A_1663, %gt3A_1665 : vector<16xf32>
    %jit3A_1667 = arith.constant 1 : i32
    %jit3A_1668 = arith.constant 0 : i32
    %broadcast_in_dim3A_1669 = vector.broadcast %jit3A_1667 : i32 to vector<16xi32>
    %broadcast_in_dim3A_1670 = vector.broadcast %jit3A_1668 : i32 to vector<16xi32>
    %select_n3A_1671 = arith.select %gt3A_1666, %broadcast_in_dim3A_1669, %broadcast_in_dim3A_1670 : vector<16xi1>, vector<16xi32>
    %add3A_1672 = arith.addi %add3A_1651, %select_n3A_1671 : vector<16xi32>
    %get3A_1673 = arith.constant 368 : index
    %get3A_1674 = tpu.vector_load %arg16[%get3A_1673] {strides = array<i32>} : memref<1280xi32, #tpu.memory_space<vmem>>, vector<16xi32>,
    %gather3A_1675 = tpu.vector_load_idx %arg12[%get3A_1674] : memref<16384xf32, #tpu.memory_space<vmem>>[vector<16xi32>], vector<16xf32>,
    %gather3A_1676 = tpu.vector_load_idx %arg13[%get3A_1674] : memref<16384xf32, #tpu.memory_space<vmem>>[vector<16xi32>], vector<16xf32>,
    %gather3A_1677 = tpu.vector_load_idx %arg14[%get3A_1674] : memref<16384xf32, #tpu.memory_space<vmem>>[vector<16xi32>], vector<16xf32>,
    %gather3A_1678 = tpu.vector_load_idx %arg15[%get3A_1674] : memref<16384xf32, #tpu.memory_space<vmem>>[vector<16xi32>], vector<16xf32>,
    %mul3A_1679 = arith.mulf %gather3A_1675, %get3A_1624 : vector<16xf32>
    %mul3A_1680 = arith.mulf %gather3A_1676, %get3A_1626 : vector<16xf32>
    %add3A_1681 = arith.addf %mul3A_1679, %mul3A_1680 : vector<16xf32>
    %mul3A_1682 = arith.mulf %gather3A_1677, %get3A_1628 : vector<16xf32>
    %add3A_1683 = arith.addf %add3A_1681, %mul3A_1682 : vector<16xf32>
    %sub3A_1684 = arith.subf %gather3A_1678, %add3A_1683 : vector<16xf32>
    %gt3A_1685 = arith.constant 0.000000e+00 : f32
    %gt3A_1686 = vector.broadcast %gt3A_1685 : f32 to vector<16xf32>
    %gt3A_1687 = arith.cmpf ogt, %sub3A_1684, %gt3A_1686 : vector<16xf32>
    %jit3A_1688 = arith.constant 1 : i32
    %jit3A_1689 = arith.constant 0 : i32
    %broadcast_in_dim3A_1690 = vector.broadcast %jit3A_1688 : i32 to vector<16xi32>
    %broadcast_in_dim3A_1691 = vector.broadcast %jit3A_1689 : i32 to vector<16xi32>
    %select_n3A_1692 = arith.select %gt3A_1687, %broadcast_in_dim3A_1690, %broadcast_in_dim3A_1691 : vector<16xi1>, vector<16xi32>
    %add3A_1693 = arith.addi %add3A_1672, %select_n3A_1692 : vector<16xi32>
    %get3A_1694 = arith.constant 496 : index
    %get3A_1695 = tpu.vector_load %arg16[%get3A_1694] {strides = array<i32>} : memref<1280xi32, #tpu.memory_space<vmem>>, vector<16xi32>,
    %gather3A_1696 = tpu.vector_load_idx %arg12[%get3A_1695] : memref<16384xf32, #tpu.memory_space<vmem>>[vector<16xi32>], vector<16xf32>,
    %gather3A_1697 = tpu.vector_load_idx %arg13[%get3A_1695] : memref<16384xf32, #tpu.memory_space<vmem>>[vector<16xi32>], vector<16xf32>,
    %gather3A_1698 = tpu.vector_load_idx %arg14[%get3A_1695] : memref<16384xf32, #tpu.memory_space<vmem>>[vector<16xi32>], vector<16xf32>,
    %gather3A_1699 = tpu.vector_load_idx %arg15[%get3A_1695] : memref<16384xf32, #tpu.memory_space<vmem>>[vector<16xi32>], vector<16xf32>,
    %mul3A_1700 = arith.mulf %gather3A_1696, %get3A_1624 : vector<16xf32>
    %mul3A_1701 = arith.mulf %gather3A_1697, %get3A_1626 : vector<16xf32>
    %add3A_1702 = arith.addf %mul3A_1700, %mul3A_1701 : vector<16xf32>
    %mul3A_1703 = arith.mulf %gather3A_1698, %get3A_1628 : vector<16xf32>
    %add3A_1704 = arith.addf %add3A_1702, %mul3A_1703 : vector<16xf32>
    %sub3A_1705 = arith.subf %gather3A_1699, %add3A_1704 : vector<16xf32>
    %gt3A_1706 = arith.constant 0.000000e+00 : f32
    %gt3A_1707 = vector.broadcast %gt3A_1706 : f32 to vector<16xf32>
    %gt3A_1708 = arith.cmpf ogt, %sub3A_1705, %gt3A_1707 : vector<16xf32>
    %jit3A_1709 = arith.constant 1 : i32
    %jit3A_1710 = arith.constant 0 : i32
    %broadcast_in_dim3A_1711 = vector.broadcast %jit3A_1709 : i32 to vector<16xi32>
    %broadcast_in_dim3A_1712 = vector.broadcast %jit3A_1710 : i32 to vector<16xi32>
    %select_n3A_1713 = arith.select %gt3A_1708, %broadcast_in_dim3A_1711, %broadcast_in_dim3A_1712 : vector<16xi1>, vector<16xi32>
    %add3A_1714 = arith.addi %add3A_1693, %select_n3A_1713 : vector<16xi32>
    %get3A_1715 = arith.constant 624 : index
    %get3A_1716 = tpu.vector_load %arg16[%get3A_1715] {strides = array<i32>} : memref<1280xi32, #tpu.memory_space<vmem>>, vector<16xi32>,
    %gather3A_1717 = tpu.vector_load_idx %arg12[%get3A_1716] : memref<16384xf32, #tpu.memory_space<vmem>>[vector<16xi32>], vector<16xf32>,
    %gather3A_1718 = tpu.vector_load_idx %arg13[%get3A_1716] : memref<16384xf32, #tpu.memory_space<vmem>>[vector<16xi32>], vector<16xf32>,
    %gather3A_1719 = tpu.vector_load_idx %arg14[%get3A_1716] : memref<16384xf32, #tpu.memory_space<vmem>>[vector<16xi32>], vector<16xf32>,
    %gather3A_1720 = tpu.vector_load_idx %arg15[%get3A_1716] : memref<16384xf32, #tpu.memory_space<vmem>>[vector<16xi32>], vector<16xf32>,
    %mul3A_1721 = arith.mulf %gather3A_1717, %get3A_1624 : vector<16xf32>
    %mul3A_1722 = arith.mulf %gather3A_1718, %get3A_1626 : vector<16xf32>
    %add3A_1723 = arith.addf %mul3A_1721, %mul3A_1722 : vector<16xf32>
    %mul3A_1724 = arith.mulf %gather3A_1719, %get3A_1628 : vector<16xf32>
    %add3A_1725 = arith.addf %add3A_1723, %mul3A_1724 : vector<16xf32>
    %sub3A_1726 = arith.subf %gather3A_1720, %add3A_1725 : vector<16xf32>
    %gt3A_1727 = arith.constant 0.000000e+00 : f32
    %gt3A_1728 = vector.broadcast %gt3A_1727 : f32 to vector<16xf32>
    %gt3A_1729 = arith.cmpf ogt, %sub3A_1726, %gt3A_1728 : vector<16xf32>
    %jit3A_1730 = arith.constant 1 : i32
    %jit3A_1731 = arith.constant 0 : i32
    %broadcast_in_dim3A_1732 = vector.broadcast %jit3A_1730 : i32 to vector<16xi32>
    %broadcast_in_dim3A_1733 = vector.broadcast %jit3A_1731 : i32 to vector<16xi32>
    %select_n3A_1734 = arith.select %gt3A_1729, %broadcast_in_dim3A_1732, %broadcast_in_dim3A_1733 : vector<16xi1>, vector<16xi32>
    %add3A_1735 = arith.addi %add3A_1714, %select_n3A_1734 : vector<16xi32>
    %get3A_1736 = arith.constant 752 : index
    %get3A_1737 = tpu.vector_load %arg16[%get3A_1736] {strides = array<i32>} : memref<1280xi32, #tpu.memory_space<vmem>>, vector<16xi32>,
    %gather3A_1738 = tpu.vector_load_idx %arg12[%get3A_1737] : memref<16384xf32, #tpu.memory_space<vmem>>[vector<16xi32>], vector<16xf32>,
    %gather3A_1739 = tpu.vector_load_idx %arg13[%get3A_1737] : memref<16384xf32, #tpu.memory_space<vmem>>[vector<16xi32>], vector<16xf32>,
    %gather3A_1740 = tpu.vector_load_idx %arg14[%get3A_1737] : memref<16384xf32, #tpu.memory_space<vmem>>[vector<16xi32>], vector<16xf32>,
    %gather3A_1741 = tpu.vector_load_idx %arg15[%get3A_1737] : memref<16384xf32, #tpu.memory_space<vmem>>[vector<16xi32>], vector<16xf32>,
    %mul3A_1742 = arith.mulf %gather3A_1738, %get3A_1624 : vector<16xf32>
    %mul3A_1743 = arith.mulf %gather3A_1739, %get3A_1626 : vector<16xf32>
    %add3A_1744 = arith.addf %mul3A_1742, %mul3A_1743 : vector<16xf32>
    %mul3A_1745 = arith.mulf %gather3A_1740, %get3A_1628 : vector<16xf32>
    %add3A_1746 = arith.addf %add3A_1744, %mul3A_1745 : vector<16xf32>
    %sub3A_1747 = arith.subf %gather3A_1741, %add3A_1746 : vector<16xf32>
    %gt3A_1748 = arith.constant 0.000000e+00 : f32
    %gt3A_1749 = vector.broadcast %gt3A_1748 : f32 to vector<16xf32>
    %gt3A_1750 = arith.cmpf ogt, %sub3A_1747, %gt3A_1749 : vector<16xf32>
    %jit3A_1751 = arith.constant 1 : i32
    %jit3A_1752 = arith.constant 0 : i32
    %broadcast_in_dim3A_1753 = vector.broadcast %jit3A_1751 : i32 to vector<16xi32>
    %broadcast_in_dim3A_1754 = vector.broadcast %jit3A_1752 : i32 to vector<16xi32>
    %select_n3A_1755 = arith.select %gt3A_1750, %broadcast_in_dim3A_1753, %broadcast_in_dim3A_1754 : vector<16xi1>, vector<16xi32>
    %add3A_1756 = arith.addi %add3A_1735, %select_n3A_1755 : vector<16xi32>
    %get3A_1757 = arith.constant 880 : index
    %get3A_1758 = tpu.vector_load %arg16[%get3A_1757] {strides = array<i32>} : memref<1280xi32, #tpu.memory_space<vmem>>, vector<16xi32>,
    %gather3A_1759 = tpu.vector_load_idx %arg12[%get3A_1758] : memref<16384xf32, #tpu.memory_space<vmem>>[vector<16xi32>], vector<16xf32>,
    %gather3A_1760 = tpu.vector_load_idx %arg13[%get3A_1758] : memref<16384xf32, #tpu.memory_space<vmem>>[vector<16xi32>], vector<16xf32>,
    %gather3A_1761 = tpu.vector_load_idx %arg14[%get3A_1758] : memref<16384xf32, #tpu.memory_space<vmem>>[vector<16xi32>], vector<16xf32>,
    %gather3A_1762 = tpu.vector_load_idx %arg15[%get3A_1758] : memref<16384xf32, #tpu.memory_space<vmem>>[vector<16xi32>], vector<16xf32>,
    %mul3A_1763 = arith.mulf %gather3A_1759, %get3A_1624 : vector<16xf32>
    %mul3A_1764 = arith.mulf %gather3A_1760, %get3A_1626 : vector<16xf32>
    %add3A_1765 = arith.addf %mul3A_1763, %mul3A_1764 : vector<16xf32>
    %mul3A_1766 = arith.mulf %gather3A_1761, %get3A_1628 : vector<16xf32>
    %add3A_1767 = arith.addf %add3A_1765, %mul3A_1766 : vector<16xf32>
    %sub3A_1768 = arith.subf %gather3A_1762, %add3A_1767 : vector<16xf32>
    %gt3A_1769 = arith.constant 0.000000e+00 : f32
    %gt3A_1770 = vector.broadcast %gt3A_1769 : f32 to vector<16xf32>
    %gt3A_1771 = arith.cmpf ogt, %sub3A_1768, %gt3A_1770 : vector<16xf32>
    %jit3A_1772 = arith.constant 1 : i32
    %jit3A_1773 = arith.constant 0 : i32
    %broadcast_in_dim3A_1774 = vector.broadcast %jit3A_1772 : i32 to vector<16xi32>
    %broadcast_in_dim3A_1775 = vector.broadcast %jit3A_1773 : i32 to vector<16xi32>
    %select_n3A_1776 = arith.select %gt3A_1771, %broadcast_in_dim3A_1774, %broadcast_in_dim3A_1775 : vector<16xi1>, vector<16xi32>
    %add3A_1777 = arith.addi %add3A_1756, %select_n3A_1776 : vector<16xi32>
    %get3A_1778 = arith.constant 1008 : index
    %get3A_1779 = tpu.vector_load %arg16[%get3A_1778] {strides = array<i32>} : memref<1280xi32, #tpu.memory_space<vmem>>, vector<16xi32>,
    %gather3A_1780 = tpu.vector_load_idx %arg12[%get3A_1779] : memref<16384xf32, #tpu.memory_space<vmem>>[vector<16xi32>], vector<16xf32>,
    %gather3A_1781 = tpu.vector_load_idx %arg13[%get3A_1779] : memref<16384xf32, #tpu.memory_space<vmem>>[vector<16xi32>], vector<16xf32>,
    %gather3A_1782 = tpu.vector_load_idx %arg14[%get3A_1779] : memref<16384xf32, #tpu.memory_space<vmem>>[vector<16xi32>], vector<16xf32>,
    %gather3A_1783 = tpu.vector_load_idx %arg15[%get3A_1779] : memref<16384xf32, #tpu.memory_space<vmem>>[vector<16xi32>], vector<16xf32>,
    %mul3A_1784 = arith.mulf %gather3A_1780, %get3A_1624 : vector<16xf32>
    %mul3A_1785 = arith.mulf %gather3A_1781, %get3A_1626 : vector<16xf32>
    %add3A_1786 = arith.addf %mul3A_1784, %mul3A_1785 : vector<16xf32>
    %mul3A_1787 = arith.mulf %gather3A_1782, %get3A_1628 : vector<16xf32>
    %add3A_1788 = arith.addf %add3A_1786, %mul3A_1787 : vector<16xf32>
    %sub3A_1789 = arith.subf %gather3A_1783, %add3A_1788 : vector<16xf32>
    %gt3A_1790 = arith.constant 0.000000e+00 : f32
    %gt3A_1791 = vector.broadcast %gt3A_1790 : f32 to vector<16xf32>
    %gt3A_1792 = arith.cmpf ogt, %sub3A_1789, %gt3A_1791 : vector<16xf32>
    %jit3A_1793 = arith.constant 1 : i32
    %jit3A_1794 = arith.constant 0 : i32
    %broadcast_in_dim3A_1795 = vector.broadcast %jit3A_1793 : i32 to vector<16xi32>
    %broadcast_in_dim3A_1796 = vector.broadcast %jit3A_1794 : i32 to vector<16xi32>
    %select_n3A_1797 = arith.select %gt3A_1792, %broadcast_in_dim3A_1795, %broadcast_in_dim3A_1796 : vector<16xi1>, vector<16xi32>
    %add3A_1798 = arith.addi %add3A_1777, %select_n3A_1797 : vector<16xi32>
    %get3A_1799 = arith.constant 1136 : index
    %get3A_1800 = tpu.vector_load %arg16[%get3A_1799] {strides = array<i32>} : memref<1280xi32, #tpu.memory_space<vmem>>, vector<16xi32>,
    %gather3A_1801 = tpu.vector_load_idx %arg12[%get3A_1800] : memref<16384xf32, #tpu.memory_space<vmem>>[vector<16xi32>], vector<16xf32>,
    %gather3A_1802 = tpu.vector_load_idx %arg13[%get3A_1800] : memref<16384xf32, #tpu.memory_space<vmem>>[vector<16xi32>], vector<16xf32>,
    %gather3A_1803 = tpu.vector_load_idx %arg14[%get3A_1800] : memref<16384xf32, #tpu.memory_space<vmem>>[vector<16xi32>], vector<16xf32>,
    %gather3A_1804 = tpu.vector_load_idx %arg15[%get3A_1800] : memref<16384xf32, #tpu.memory_space<vmem>>[vector<16xi32>], vector<16xf32>,
    %mul3A_1805 = arith.mulf %gather3A_1801, %get3A_1624 : vector<16xf32>
    %mul3A_1806 = arith.mulf %gather3A_1802, %get3A_1626 : vector<16xf32>
    %add3A_1807 = arith.addf %mul3A_1805, %mul3A_1806 : vector<16xf32>
    %mul3A_1808 = arith.mulf %gather3A_1803, %get3A_1628 : vector<16xf32>
    %add3A_1809 = arith.addf %add3A_1807, %mul3A_1808 : vector<16xf32>
    %sub3A_1810 = arith.subf %gather3A_1804, %add3A_1809 : vector<16xf32>
    %gt3A_1811 = arith.constant 0.000000e+00 : f32
    %gt3A_1812 = vector.broadcast %gt3A_1811 : f32 to vector<16xf32>
    %gt3A_1813 = arith.cmpf ogt, %sub3A_1810, %gt3A_1812 : vector<16xf32>
    %jit3A_1814 = arith.constant 1 : i32
    %jit3A_1815 = arith.constant 0 : i32
    %broadcast_in_dim3A_1816 = vector.broadcast %jit3A_1814 : i32 to vector<16xi32>
    %broadcast_in_dim3A_1817 = vector.broadcast %jit3A_1815 : i32 to vector<16xi32>
    %select_n3A_1818 = arith.select %gt3A_1813, %broadcast_in_dim3A_1816, %broadcast_in_dim3A_1817 : vector<16xi1>, vector<16xi32>
    %add3A_1819 = arith.addi %add3A_1798, %select_n3A_1818 : vector<16xi32>
    %get3A_1820 = arith.constant 1264 : index
    %get3A_1821 = tpu.vector_load %arg16[%get3A_1820] {strides = array<i32>} : memref<1280xi32, #tpu.memory_space<vmem>>, vector<16xi32>,
    %gather3A_1822 = tpu.vector_load_idx %arg12[%get3A_1821] : memref<16384xf32, #tpu.memory_space<vmem>>[vector<16xi32>], vector<16xf32>,
    %gather3A_1823 = tpu.vector_load_idx %arg13[%get3A_1821] : memref<16384xf32, #tpu.memory_space<vmem>>[vector<16xi32>], vector<16xf32>,
    %gather3A_1824 = tpu.vector_load_idx %arg14[%get3A_1821] : memref<16384xf32, #tpu.memory_space<vmem>>[vector<16xi32>], vector<16xf32>,
    %gather3A_1825 = tpu.vector_load_idx %arg15[%get3A_1821] : memref<16384xf32, #tpu.memory_space<vmem>>[vector<16xi32>], vector<16xf32>,
    %mul3A_1826 = arith.mulf %gather3A_1822, %get3A_1624 : vector<16xf32>
    %mul3A_1827 = arith.mulf %gather3A_1823, %get3A_1626 : vector<16xf32>
    %add3A_1828 = arith.addf %mul3A_1826, %mul3A_1827 : vector<16xf32>
    %mul3A_1829 = arith.mulf %gather3A_1824, %get3A_1628 : vector<16xf32>
    %add3A_1830 = arith.addf %add3A_1828, %mul3A_1829 : vector<16xf32>
    %sub3A_1831 = arith.subf %gather3A_1825, %add3A_1830 : vector<16xf32>
    %gt3A_1832 = arith.constant 0.000000e+00 : f32
    %gt3A_1833 = vector.broadcast %gt3A_1832 : f32 to vector<16xf32>
    %gt3A_1834 = arith.cmpf ogt, %sub3A_1831, %gt3A_1833 : vector<16xf32>
    %jit3A_1835 = arith.constant 1 : i32
    %jit3A_1836 = arith.constant 0 : i32
    %broadcast_in_dim3A_1837 = vector.broadcast %jit3A_1835 : i32 to vector<16xi32>
    %broadcast_in_dim3A_1838 = vector.broadcast %jit3A_1836 : i32 to vector<16xi32>
    %select_n3A_1839 = arith.select %gt3A_1834, %broadcast_in_dim3A_1837, %broadcast_in_dim3A_1838 : vector<16xi1>, vector<16xi32>
    %add3A_1840 = arith.addi %add3A_1819, %select_n3A_1839 : vector<16xi32>
    %get3A_1841 = arith.constant 112 : index
    %get3A_1842 = tpu.vector_load %arg20[%get3A_1841] {strides = array<i32>} : memref<128xf32, #tpu.memory_space<vmem>>, vector<16xf32>,
    %gt3A_1843 = arith.constant 8 : i32
    %gt3A_1844 = vector.broadcast %gt3A_1843 : i32 to vector<16xi32>
    %gt3A_1845 = arith.cmpi sgt, %add3A_1840, %gt3A_1844 : vector<16xi32>
    %neg3A_1846 = arith.constant 0.000000e+00 : f32
    %neg3A_1847 = vector.broadcast %neg3A_1846 : f32 to vector<16xf32>
    %neg3A_1848 = arith.subf %neg3A_1847, %get3A_1842 : vector<16xf32>
    %select_n3A_1849 = arith.select %gt3A_1845, %neg3A_1848, %get3A_1842 : vector<16xi1>, vector<16xf32>
    %min3A_1850 = arith.minimumf %get3A_1628, %select_n3A_1849 : vector<16xf32>
    %swap3A_1851 = arith.constant 112 : index
    %swap3A_1852 = tpu.vector_load %arg21[%swap3A_1851] {strides = array<i32>} : memref<128xf32, #tpu.memory_space<vmem>>, vector<16xf32>,
    tpu.vector_store %arg21[%swap3A_1851], %min3A_1850 {strides = array<i32>} : memref<128xf32, #tpu.memory_space<vmem>>, vector<16xf32>,
    "tpu.region"() ({
      %run_scoped3A = tpu.sem_alloc : memref<!tpu.dma_semaphore, #tpu.memory_space<semaphore_mem>>
      %dma_start3A = tpu.memref_slice %arg11[%mul3A_2] : memref<4096xf32, #tpu.memory_space<hbm>> -> memref<128xf32, #tpu.memory_space<hbm>>
      %dma_start3A_1853 = tpu.memref_slice %arg11[%mul3A_2] : memref<4096xf32, #tpu.memory_space<hbm>> -> memref<128xf32, #tpu.memory_space<hbm>>
      tpu.enqueue_dma source(%arg21 : memref<128xf32, #tpu.memory_space<vmem>>) target(%dma_start3A_1853 : memref<128xf32, #tpu.memory_space<hbm>>) target_semaphore(%run_scoped3A : memref<!tpu.dma_semaphore, #tpu.memory_space<semaphore_mem>>)
      %dma_wait3A = tpu.memref_slice %arg11[%mul3A_2] : memref<4096xf32, #tpu.memory_space<hbm>> -> memref<128xf32, #tpu.memory_space<hbm>>
      %dma_wait3A_1854 = tpu.memref_slice %arg11[%mul3A_2] : memref<4096xf32, #tpu.memory_space<hbm>> -> memref<128xf32, #tpu.memory_space<hbm>>
      tpu.wait_dma2 semaphore(%run_scoped3A : memref<!tpu.dma_semaphore, #tpu.memory_space<semaphore_mem>>) src(%arg21 : memref<128xf32, #tpu.memory_space<vmem>>) dst(%dma_wait3A_1854 : memref<128xf32, #tpu.memory_space<hbm>>)
      tpu.yield
    }) : () -> ()
    return
  }
}

module attributes {stable_mosaic.version = 14 : i64} {
  func.func @_knn_kernel(%arg0: i32, %arg1: memref<128x8xf32, #tpu.memory_space<vmem>>, %arg2: memref<8x16384xf32, #tpu.memory_space<vmem>>, %arg3: memref<128x1xf32, #tpu.memory_space<vmem>>, %arg4: memref<128x10xi32, #tpu.memory_space<vmem>>, %arg5: memref<1x16384xf32, #tpu.memory_space<vmem>>) attributes {dimension_semantics = [#tpu.dimension_semantics<parallel>], iteration_bounds = array<i64: 32>, scalar_prefetch = 0 : i64, scratch_operands = 0 : i64, tpu.core_type = #tpu.core_type<tc>, window_params = [{transform_indices = @transform_0, window_bounds = array<i64: 128, 8>}, {pipeline_mode = #tpu.pipeline_mode<synchronous>, transform_indices = @transform_1, window_bounds = array<i64: 8, 16384>}, {transform_indices = @transform_2, window_bounds = array<i64: 128, 1>}, {transform_indices = @transform_3, window_bounds = array<i64: 128, 10>}, {pipeline_mode = #tpu.pipeline_mode<synchronous>, transform_indices = @transform_4, window_bounds = array<i64: 1, 16384>}]} {
    %get3A = arith.constant 0 : index
    %get3A_0 = arith.constant 0 : index
    %get3A_1 = vector.load %arg1[%get3A, %get3A_0] : memref<128x8xf32, #tpu.memory_space<vmem>>, vector<128x8xf32>
    %get3A_2 = arith.constant 0 : index
    %get3A_3 = arith.constant 0 : index
    %get3A_4 = vector.load %arg2[%get3A_2, %get3A_3] : memref<8x16384xf32, #tpu.memory_space<vmem>>, vector<8x16384xf32>
    %slice3A = vector.extract_strided_slice %get3A_4 {offsets = [0, 0], sizes = [3, 16384], strides = [1, 1]} : vector<8x16384xf32> to vector<3x16384xf32>
    %slice3A_5 = vector.extract_strided_slice %get3A_4 {offsets = [3, 0], sizes = [3, 16384], strides = [1, 1]} : vector<8x16384xf32> to vector<3x16384xf32>
    %mul3A = arith.mulf %slice3A, %slice3A : vector<3x16384xf32>
    %reduce_sum3A = arith.constant dense<0.000000e+00> : vector<16384xf32>
    %reduce_sum3A_6 = vector.multi_reduction <add>, %mul3A, %reduce_sum3A [0] : vector<3x16384xf32> to vector<16384xf32>
    %broadcast_in_dim3A = vector.shape_cast %reduce_sum3A_6 : vector<16384xf32> to vector<1x16384xf32>
    %mul3A_7 = arith.mulf %slice3A_5, %slice3A : vector<3x16384xf32>
    %reduce_sum3A_8 = arith.constant dense<0.000000e+00> : vector<16384xf32>
    %reduce_sum3A_9 = vector.multi_reduction <add>, %mul3A_7, %reduce_sum3A_8 [0] : vector<3x16384xf32> to vector<16384xf32>
    %broadcast_in_dim3A_10 = vector.shape_cast %reduce_sum3A_9 : vector<16384xf32> to vector<1x16384xf32>
    %swap3A = arith.constant 0 : index
    %swap3A_11 = arith.constant 0 : index
    %swap3A_12 = vector.load %arg5[%swap3A, %swap3A_11] : memref<1x16384xf32, #tpu.memory_space<vmem>>, vector<1x16384xf32>
    tpu.vector_store %arg5[%swap3A, %swap3A_11], %broadcast_in_dim3A_10 {strides = array<i32>} : memref<1x16384xf32, #tpu.memory_space<vmem>>, vector<1x16384xf32>,
    %iota3A = tpu.iota {dimensions = array<i32: 1>} : vector<1x8xi32>
    %lt3A = arith.constant 3 : i32
    %lt3A_13 = vector.broadcast %lt3A : i32 to vector<1x8xi32>
    %lt3A_14 = arith.cmpi slt, %iota3A, %lt3A_13 : vector<1x8xi32>
    %jit3A = arith.constant 0.000000e+00 : f32
    %broadcast_in_dim3A_15 = vector.shape_cast %lt3A_14 : vector<1x8xi1> to vector<1x8xi1>
    %broadcast_in_dim3A_16 = vector.broadcast %broadcast_in_dim3A_15 : vector<1x8xi1> to vector<128x8xi1>
    %broadcast_in_dim3A_17 = vector.broadcast %jit3A : f32 to vector<128x8xf32>
    %select_n3A = arith.select %broadcast_in_dim3A_16, %get3A_1, %broadcast_in_dim3A_17 : vector<128x8xi1>, vector<128x8xf32>
    %mul3A_18 = arith.mulf %select_n3A, %select_n3A : vector<128x8xf32>
    %reduce_sum3A_19 = arith.constant dense<0.000000e+00> : vector<128xf32>
    %reduce_sum3A_20 = vector.multi_reduction <add>, %mul3A_18, %reduce_sum3A_19 [1] : vector<128x8xf32> to vector<128xf32>
    %broadcast_in_dim3A_21 = vector.shape_cast %reduce_sum3A_20 : vector<128xf32> to vector<128x1xf32>
    %mul3A_22 = arith.constant -2.000000e+00 : f32
    %mul3A_23 = vector.broadcast %mul3A_22 : f32 to vector<128x8xf32>
    %mul3A_24 = arith.mulf %select_n3A, %mul3A_23 : vector<128x8xf32>
    %dot_general3A = arith.constant dense<0.000000e+00> : vector<128x16384xf32>
    %dot_general3A_25 = tpu.matmul %mul3A_24, %get3A_4, %dot_general3A {dimension_numbers = #tpu.dot_dimension_numbers<[1], [0], [0], [1], [0, 0, 1, 1], [], []>, transpose_lhs_hint = false} : vector<128x8xf32>, vector<8x16384xf32>, vector<128x16384xf32> -> vector<128x16384xf32>
    %add3A = vector.broadcast %broadcast_in_dim3A_21 : vector<128x1xf32> to vector<128x16384xf32>
    %add3A_26 = arith.addf %add3A, %dot_general3A_25 : vector<128x16384xf32>
    %add3A_27 = vector.broadcast %broadcast_in_dim3A : vector<1x16384xf32> to vector<128x16384xf32>
    %add3A_28 = arith.addf %add3A_26, %add3A_27 : vector<128x16384xf32>
    %reshape3A = vector.shape_cast %add3A_28 : vector<128x16384xf32> to vector<128x16x1024xf32>
    %iota3A_29 = tpu.iota {dimensions = array<i32: 1>} : vector<128x16x1024xi32>
    %iota3A_30 = tpu.iota {dimensions = array<i32: 1>} : vector<128x1024xi32>
    %reduce_min3A = arith.constant dense<0x7F800000> : vector<128x1024xf32>
    %reduce_min3A_31 = vector.multi_reduction <minimumf>, %reshape3A, %reduce_min3A [1] : vector<128x16x1024xf32> to vector<128x1024xf32>
    %broadcast_in_dim3A_32 = vector.shape_cast %reduce_min3A_31 : vector<128x1024xf32> to vector<128x1x1024xf32>
    %eq3A = vector.broadcast %broadcast_in_dim3A_32 : vector<128x1x1024xf32> to vector<128x16x1024xf32>
    %eq3A_33 = arith.cmpf oeq, %reshape3A, %eq3A : vector<128x16x1024xf32>
    %jit3A_34 = arith.constant 16 : i32
    %broadcast_in_dim3A_35 = vector.broadcast %jit3A_34 : i32 to vector<128x16x1024xi32>
    %select_n3A_36 = arith.select %eq3A_33, %iota3A_29, %broadcast_in_dim3A_35 : vector<128x16x1024xi1>, vector<128x16x1024xi32>
    %reduce_min3A_37 = arith.constant dense<2147483647> : vector<128x1024xi32>
    %reduce_min3A_38 = vector.multi_reduction <minsi>, %select_n3A_36, %reduce_min3A_37 [1] : vector<128x16x1024xi32> to vector<128x1024xi32>
    %mul3A_39 = arith.constant 1024 : i32
    %mul3A_40 = vector.broadcast %mul3A_39 : i32 to vector<128x1024xi32>
    %mul3A_41 = arith.muli %reduce_min3A_38, %mul3A_40 : vector<128x1024xi32>
    %add3A_42 = arith.addi %mul3A_41, %iota3A_30 : vector<128x1024xi32>
    %broadcast_in_dim3A_43 = vector.shape_cast %reduce_min3A_38 : vector<128x1024xi32> to vector<128x1x1024xi32>
    %eq3A_44 = vector.broadcast %broadcast_in_dim3A_43 : vector<128x1x1024xi32> to vector<128x16x1024xi32>
    %eq3A_45 = arith.cmpi eq, %iota3A_29, %eq3A_44 : vector<128x16x1024xi32>
    %jit3A_46 = arith.constant 1.000000e+30 : f32
    %broadcast_in_dim3A_47 = vector.broadcast %jit3A_46 : f32 to vector<128x16x1024xf32>
    %select_n3A_48 = arith.select %eq3A_45, %broadcast_in_dim3A_47, %reshape3A : vector<128x16x1024xi1>, vector<128x16x1024xf32>
    %reduce_min3A_49 = arith.constant dense<0x7F800000> : vector<128x1024xf32>
    %reduce_min3A_50 = vector.multi_reduction <minimumf>, %select_n3A_48, %reduce_min3A_49 [1] : vector<128x16x1024xf32> to vector<128x1024xf32>
    %broadcast_in_dim3A_51 = vector.shape_cast %reduce_min3A_50 : vector<128x1024xf32> to vector<128x1x1024xf32>
    %eq3A_52 = vector.broadcast %broadcast_in_dim3A_51 : vector<128x1x1024xf32> to vector<128x16x1024xf32>
    %eq3A_53 = arith.cmpf oeq, %select_n3A_48, %eq3A_52 : vector<128x16x1024xf32>
    %jit3A_54 = arith.constant 16 : i32
    %broadcast_in_dim3A_55 = vector.broadcast %jit3A_54 : i32 to vector<128x16x1024xi32>
    %select_n3A_56 = arith.select %eq3A_53, %iota3A_29, %broadcast_in_dim3A_55 : vector<128x16x1024xi1>, vector<128x16x1024xi32>
    %reduce_min3A_57 = arith.constant dense<2147483647> : vector<128x1024xi32>
    %reduce_min3A_58 = vector.multi_reduction <minsi>, %select_n3A_56, %reduce_min3A_57 [1] : vector<128x16x1024xi32> to vector<128x1024xi32>
    %mul3A_59 = arith.constant 1024 : i32
    %mul3A_60 = vector.broadcast %mul3A_59 : i32 to vector<128x1024xi32>
    %mul3A_61 = arith.muli %reduce_min3A_58, %mul3A_60 : vector<128x1024xi32>
    %add3A_62 = arith.addi %mul3A_61, %iota3A_30 : vector<128x1024xi32>
    %broadcast_in_dim3A_63 = vector.shape_cast %reduce_min3A_58 : vector<128x1024xi32> to vector<128x1x1024xi32>
    %eq3A_64 = vector.broadcast %broadcast_in_dim3A_63 : vector<128x1x1024xi32> to vector<128x16x1024xi32>
    %eq3A_65 = arith.cmpi eq, %iota3A_29, %eq3A_64 : vector<128x16x1024xi32>
    %jit3A_66 = arith.constant 1.000000e+30 : f32
    %broadcast_in_dim3A_67 = vector.broadcast %jit3A_66 : f32 to vector<128x16x1024xf32>
    %select_n3A_68 = arith.select %eq3A_65, %broadcast_in_dim3A_67, %select_n3A_48 : vector<128x16x1024xi1>, vector<128x16x1024xf32>
    %reduce_min3A_69 = arith.constant dense<0x7F800000> : vector<128x1024xf32>
    %reduce_min3A_70 = vector.multi_reduction <minimumf>, %select_n3A_68, %reduce_min3A_69 [1] : vector<128x16x1024xf32> to vector<128x1024xf32>
    %broadcast_in_dim3A_71 = vector.shape_cast %reduce_min3A_70 : vector<128x1024xf32> to vector<128x1x1024xf32>
    %eq3A_72 = vector.broadcast %broadcast_in_dim3A_71 : vector<128x1x1024xf32> to vector<128x16x1024xf32>
    %eq3A_73 = arith.cmpf oeq, %select_n3A_68, %eq3A_72 : vector<128x16x1024xf32>
    %jit3A_74 = arith.constant 16 : i32
    %broadcast_in_dim3A_75 = vector.broadcast %jit3A_74 : i32 to vector<128x16x1024xi32>
    %select_n3A_76 = arith.select %eq3A_73, %iota3A_29, %broadcast_in_dim3A_75 : vector<128x16x1024xi1>, vector<128x16x1024xi32>
    %reduce_min3A_77 = arith.constant dense<2147483647> : vector<128x1024xi32>
    %reduce_min3A_78 = vector.multi_reduction <minsi>, %select_n3A_76, %reduce_min3A_77 [1] : vector<128x16x1024xi32> to vector<128x1024xi32>
    %mul3A_79 = arith.constant 1024 : i32
    %mul3A_80 = vector.broadcast %mul3A_79 : i32 to vector<128x1024xi32>
    %mul3A_81 = arith.muli %reduce_min3A_78, %mul3A_80 : vector<128x1024xi32>
    %add3A_82 = arith.addi %mul3A_81, %iota3A_30 : vector<128x1024xi32>
    %broadcast_in_dim3A_83 = vector.shape_cast %reduce_min3A_78 : vector<128x1024xi32> to vector<128x1x1024xi32>
    %eq3A_84 = vector.broadcast %broadcast_in_dim3A_83 : vector<128x1x1024xi32> to vector<128x16x1024xi32>
    %eq3A_85 = arith.cmpi eq, %iota3A_29, %eq3A_84 : vector<128x16x1024xi32>
    %jit3A_86 = arith.constant 1.000000e+30 : f32
    %broadcast_in_dim3A_87 = vector.broadcast %jit3A_86 : f32 to vector<128x16x1024xf32>
    %select_n3A_88 = arith.select %eq3A_85, %broadcast_in_dim3A_87, %select_n3A_68 : vector<128x16x1024xi1>, vector<128x16x1024xf32>
    %reduce_min3A_89 = arith.constant dense<0x7F800000> : vector<128x1024xf32>
    %reduce_min3A_90 = vector.multi_reduction <minimumf>, %select_n3A_88, %reduce_min3A_89 [1] : vector<128x16x1024xf32> to vector<128x1024xf32>
    %broadcast_in_dim3A_91 = vector.shape_cast %reduce_min3A_90 : vector<128x1024xf32> to vector<128x1x1024xf32>
    %eq3A_92 = vector.broadcast %broadcast_in_dim3A_91 : vector<128x1x1024xf32> to vector<128x16x1024xf32>
    %eq3A_93 = arith.cmpf oeq, %select_n3A_88, %eq3A_92 : vector<128x16x1024xf32>
    %jit3A_94 = arith.constant 16 : i32
    %broadcast_in_dim3A_95 = vector.broadcast %jit3A_94 : i32 to vector<128x16x1024xi32>
    %select_n3A_96 = arith.select %eq3A_93, %iota3A_29, %broadcast_in_dim3A_95 : vector<128x16x1024xi1>, vector<128x16x1024xi32>
    %reduce_min3A_97 = arith.constant dense<2147483647> : vector<128x1024xi32>
    %reduce_min3A_98 = vector.multi_reduction <minsi>, %select_n3A_96, %reduce_min3A_97 [1] : vector<128x16x1024xi32> to vector<128x1024xi32>
    %mul3A_99 = arith.constant 1024 : i32
    %mul3A_100 = vector.broadcast %mul3A_99 : i32 to vector<128x1024xi32>
    %mul3A_101 = arith.muli %reduce_min3A_98, %mul3A_100 : vector<128x1024xi32>
    %add3A_102 = arith.addi %mul3A_101, %iota3A_30 : vector<128x1024xi32>
    %reduce_min3A_103 = arith.constant dense<0x7F800000> : vector<128xf32>
    %reduce_min3A_104 = vector.multi_reduction <minimumf>, %reduce_min3A_31, %reduce_min3A_103 [1] : vector<128x1024xf32> to vector<128xf32>
    %broadcast_in_dim3A_105 = vector.shape_cast %reduce_min3A_104 : vector<128xf32> to vector<128x1xf32>
    %eq3A_106 = vector.broadcast %broadcast_in_dim3A_105 : vector<128x1xf32> to vector<128x1024xf32>
    %eq3A_107 = arith.cmpf oeq, %reduce_min3A_31, %eq3A_106 : vector<128x1024xf32>
    %jit3A_108 = arith.constant 1073741824 : i32
    %broadcast_in_dim3A_109 = vector.broadcast %jit3A_108 : i32 to vector<128x1024xi32>
    %select_n3A_110 = arith.select %eq3A_107, %add3A_42, %broadcast_in_dim3A_109 : vector<128x1024xi1>, vector<128x1024xi32>
    %reduce_min3A_111 = arith.constant dense<2147483647> : vector<128xi32>
    %reduce_min3A_112 = vector.multi_reduction <minsi>, %select_n3A_110, %reduce_min3A_111 [1] : vector<128x1024xi32> to vector<128xi32>
    %broadcast_in_dim3A_113 = vector.shape_cast %reduce_min3A_112 : vector<128xi32> to vector<128x1xi32>
    %and3A = arith.constant 1023 : i32
    %and3A_114 = vector.broadcast %and3A : i32 to vector<128x1xi32>
    %and3A_115 = arith.andi %broadcast_in_dim3A_113, %and3A_114 : vector<128x1xi32>
    %eq3A_116 = vector.broadcast %and3A_115 : vector<128x1xi32> to vector<128x1024xi32>
    %eq3A_117 = arith.cmpi eq, %iota3A_30, %eq3A_116 : vector<128x1024xi32>
    %select_n3A_118 = arith.select %eq3A_117, %reduce_min3A_50, %reduce_min3A_31 : vector<128x1024xi1>, vector<128x1024xf32>
    %select_n3A_119 = arith.select %eq3A_117, %add3A_62, %add3A_42 : vector<128x1024xi1>, vector<128x1024xi32>
    %select_n3A_120 = arith.select %eq3A_117, %reduce_min3A_70, %reduce_min3A_50 : vector<128x1024xi1>, vector<128x1024xf32>
    %select_n3A_121 = arith.select %eq3A_117, %add3A_82, %add3A_62 : vector<128x1024xi1>, vector<128x1024xi32>
    %select_n3A_122 = arith.select %eq3A_117, %reduce_min3A_90, %reduce_min3A_70 : vector<128x1024xi1>, vector<128x1024xf32>
    %select_n3A_123 = arith.select %eq3A_117, %add3A_102, %add3A_82 : vector<128x1024xi1>, vector<128x1024xi32>
    %jit3A_124 = arith.constant 1.000000e+30 : f32
    %broadcast_in_dim3A_125 = vector.broadcast %jit3A_124 : f32 to vector<128x1024xf32>
    %select_n3A_126 = arith.select %eq3A_117, %broadcast_in_dim3A_125, %reduce_min3A_90 : vector<128x1024xi1>, vector<128x1024xf32>
    %jit3A_127 = arith.constant 1073741824 : i32
    %broadcast_in_dim3A_128 = vector.broadcast %jit3A_127 : i32 to vector<128x1024xi32>
    %select_n3A_129 = arith.select %eq3A_117, %broadcast_in_dim3A_128, %add3A_102 : vector<128x1024xi1>, vector<128x1024xi32>
    %reduce_min3A_130 = arith.constant dense<0x7F800000> : vector<128xf32>
    %reduce_min3A_131 = vector.multi_reduction <minimumf>, %select_n3A_118, %reduce_min3A_130 [1] : vector<128x1024xf32> to vector<128xf32>
    %broadcast_in_dim3A_132 = vector.shape_cast %reduce_min3A_131 : vector<128xf32> to vector<128x1xf32>
    %eq3A_133 = vector.broadcast %broadcast_in_dim3A_132 : vector<128x1xf32> to vector<128x1024xf32>
    %eq3A_134 = arith.cmpf oeq, %select_n3A_118, %eq3A_133 : vector<128x1024xf32>
    %jit3A_135 = arith.constant 1073741824 : i32
    %broadcast_in_dim3A_136 = vector.broadcast %jit3A_135 : i32 to vector<128x1024xi32>
    %select_n3A_137 = arith.select %eq3A_134, %select_n3A_119, %broadcast_in_dim3A_136 : vector<128x1024xi1>, vector<128x1024xi32>
    %reduce_min3A_138 = arith.constant dense<2147483647> : vector<128xi32>
    %reduce_min3A_139 = vector.multi_reduction <minsi>, %select_n3A_137, %reduce_min3A_138 [1] : vector<128x1024xi32> to vector<128xi32>
    %broadcast_in_dim3A_140 = vector.shape_cast %reduce_min3A_139 : vector<128xi32> to vector<128x1xi32>
    %and3A_141 = arith.constant 1023 : i32
    %and3A_142 = vector.broadcast %and3A_141 : i32 to vector<128x1xi32>
    %and3A_143 = arith.andi %broadcast_in_dim3A_140, %and3A_142 : vector<128x1xi32>
    %eq3A_144 = vector.broadcast %and3A_143 : vector<128x1xi32> to vector<128x1024xi32>
    %eq3A_145 = arith.cmpi eq, %iota3A_30, %eq3A_144 : vector<128x1024xi32>
    %select_n3A_146 = arith.select %eq3A_145, %select_n3A_120, %select_n3A_118 : vector<128x1024xi1>, vector<128x1024xf32>
    %select_n3A_147 = arith.select %eq3A_145, %select_n3A_121, %select_n3A_119 : vector<128x1024xi1>, vector<128x1024xi32>
    %select_n3A_148 = arith.select %eq3A_145, %select_n3A_122, %select_n3A_120 : vector<128x1024xi1>, vector<128x1024xf32>
    %select_n3A_149 = arith.select %eq3A_145, %select_n3A_123, %select_n3A_121 : vector<128x1024xi1>, vector<128x1024xi32>
    %select_n3A_150 = arith.select %eq3A_145, %select_n3A_126, %select_n3A_122 : vector<128x1024xi1>, vector<128x1024xf32>
    %select_n3A_151 = arith.select %eq3A_145, %select_n3A_129, %select_n3A_123 : vector<128x1024xi1>, vector<128x1024xi32>
    %jit3A_152 = arith.constant 1.000000e+30 : f32
    %broadcast_in_dim3A_153 = vector.broadcast %jit3A_152 : f32 to vector<128x1024xf32>
    %select_n3A_154 = arith.select %eq3A_145, %broadcast_in_dim3A_153, %select_n3A_126 : vector<128x1024xi1>, vector<128x1024xf32>
    %jit3A_155 = arith.constant 1073741824 : i32
    %broadcast_in_dim3A_156 = vector.broadcast %jit3A_155 : i32 to vector<128x1024xi32>
    %select_n3A_157 = arith.select %eq3A_145, %broadcast_in_dim3A_156, %select_n3A_129 : vector<128x1024xi1>, vector<128x1024xi32>
    %reduce_min3A_158 = arith.constant dense<0x7F800000> : vector<128xf32>
    %reduce_min3A_159 = vector.multi_reduction <minimumf>, %select_n3A_146, %reduce_min3A_158 [1] : vector<128x1024xf32> to vector<128xf32>
    %broadcast_in_dim3A_160 = vector.shape_cast %reduce_min3A_159 : vector<128xf32> to vector<128x1xf32>
    %eq3A_161 = vector.broadcast %broadcast_in_dim3A_160 : vector<128x1xf32> to vector<128x1024xf32>
    %eq3A_162 = arith.cmpf oeq, %select_n3A_146, %eq3A_161 : vector<128x1024xf32>
    %jit3A_163 = arith.constant 1073741824 : i32
    %broadcast_in_dim3A_164 = vector.broadcast %jit3A_163 : i32 to vector<128x1024xi32>
    %select_n3A_165 = arith.select %eq3A_162, %select_n3A_147, %broadcast_in_dim3A_164 : vector<128x1024xi1>, vector<128x1024xi32>
    %reduce_min3A_166 = arith.constant dense<2147483647> : vector<128xi32>
    %reduce_min3A_167 = vector.multi_reduction <minsi>, %select_n3A_165, %reduce_min3A_166 [1] : vector<128x1024xi32> to vector<128xi32>
    %broadcast_in_dim3A_168 = vector.shape_cast %reduce_min3A_167 : vector<128xi32> to vector<128x1xi32>
    %and3A_169 = arith.constant 1023 : i32
    %and3A_170 = vector.broadcast %and3A_169 : i32 to vector<128x1xi32>
    %and3A_171 = arith.andi %broadcast_in_dim3A_168, %and3A_170 : vector<128x1xi32>
    %eq3A_172 = vector.broadcast %and3A_171 : vector<128x1xi32> to vector<128x1024xi32>
    %eq3A_173 = arith.cmpi eq, %iota3A_30, %eq3A_172 : vector<128x1024xi32>
    %select_n3A_174 = arith.select %eq3A_173, %select_n3A_148, %select_n3A_146 : vector<128x1024xi1>, vector<128x1024xf32>
    %select_n3A_175 = arith.select %eq3A_173, %select_n3A_149, %select_n3A_147 : vector<128x1024xi1>, vector<128x1024xi32>
    %select_n3A_176 = arith.select %eq3A_173, %select_n3A_150, %select_n3A_148 : vector<128x1024xi1>, vector<128x1024xf32>
    %select_n3A_177 = arith.select %eq3A_173, %select_n3A_151, %select_n3A_149 : vector<128x1024xi1>, vector<128x1024xi32>
    %select_n3A_178 = arith.select %eq3A_173, %select_n3A_154, %select_n3A_150 : vector<128x1024xi1>, vector<128x1024xf32>
    %select_n3A_179 = arith.select %eq3A_173, %select_n3A_157, %select_n3A_151 : vector<128x1024xi1>, vector<128x1024xi32>
    %jit3A_180 = arith.constant 1.000000e+30 : f32
    %broadcast_in_dim3A_181 = vector.broadcast %jit3A_180 : f32 to vector<128x1024xf32>
    %select_n3A_182 = arith.select %eq3A_173, %broadcast_in_dim3A_181, %select_n3A_154 : vector<128x1024xi1>, vector<128x1024xf32>
    %jit3A_183 = arith.constant 1073741824 : i32
    %broadcast_in_dim3A_184 = vector.broadcast %jit3A_183 : i32 to vector<128x1024xi32>
    %select_n3A_185 = arith.select %eq3A_173, %broadcast_in_dim3A_184, %select_n3A_157 : vector<128x1024xi1>, vector<128x1024xi32>
    %reduce_min3A_186 = arith.constant dense<0x7F800000> : vector<128xf32>
    %reduce_min3A_187 = vector.multi_reduction <minimumf>, %select_n3A_174, %reduce_min3A_186 [1] : vector<128x1024xf32> to vector<128xf32>
    %broadcast_in_dim3A_188 = vector.shape_cast %reduce_min3A_187 : vector<128xf32> to vector<128x1xf32>
    %eq3A_189 = vector.broadcast %broadcast_in_dim3A_188 : vector<128x1xf32> to vector<128x1024xf32>
    %eq3A_190 = arith.cmpf oeq, %select_n3A_174, %eq3A_189 : vector<128x1024xf32>
    %jit3A_191 = arith.constant 1073741824 : i32
    %broadcast_in_dim3A_192 = vector.broadcast %jit3A_191 : i32 to vector<128x1024xi32>
    %select_n3A_193 = arith.select %eq3A_190, %select_n3A_175, %broadcast_in_dim3A_192 : vector<128x1024xi1>, vector<128x1024xi32>
    %reduce_min3A_194 = arith.constant dense<2147483647> : vector<128xi32>
    %reduce_min3A_195 = vector.multi_reduction <minsi>, %select_n3A_193, %reduce_min3A_194 [1] : vector<128x1024xi32> to vector<128xi32>
    %broadcast_in_dim3A_196 = vector.shape_cast %reduce_min3A_195 : vector<128xi32> to vector<128x1xi32>
    %and3A_197 = arith.constant 1023 : i32
    %and3A_198 = vector.broadcast %and3A_197 : i32 to vector<128x1xi32>
    %and3A_199 = arith.andi %broadcast_in_dim3A_196, %and3A_198 : vector<128x1xi32>
    %eq3A_200 = vector.broadcast %and3A_199 : vector<128x1xi32> to vector<128x1024xi32>
    %eq3A_201 = arith.cmpi eq, %iota3A_30, %eq3A_200 : vector<128x1024xi32>
    %select_n3A_202 = arith.select %eq3A_201, %select_n3A_176, %select_n3A_174 : vector<128x1024xi1>, vector<128x1024xf32>
    %select_n3A_203 = arith.select %eq3A_201, %select_n3A_177, %select_n3A_175 : vector<128x1024xi1>, vector<128x1024xi32>
    %select_n3A_204 = arith.select %eq3A_201, %select_n3A_178, %select_n3A_176 : vector<128x1024xi1>, vector<128x1024xf32>
    %select_n3A_205 = arith.select %eq3A_201, %select_n3A_179, %select_n3A_177 : vector<128x1024xi1>, vector<128x1024xi32>
    %select_n3A_206 = arith.select %eq3A_201, %select_n3A_182, %select_n3A_178 : vector<128x1024xi1>, vector<128x1024xf32>
    %select_n3A_207 = arith.select %eq3A_201, %select_n3A_185, %select_n3A_179 : vector<128x1024xi1>, vector<128x1024xi32>
    %jit3A_208 = arith.constant 1.000000e+30 : f32
    %broadcast_in_dim3A_209 = vector.broadcast %jit3A_208 : f32 to vector<128x1024xf32>
    %select_n3A_210 = arith.select %eq3A_201, %broadcast_in_dim3A_209, %select_n3A_182 : vector<128x1024xi1>, vector<128x1024xf32>
    %jit3A_211 = arith.constant 1073741824 : i32
    %broadcast_in_dim3A_212 = vector.broadcast %jit3A_211 : i32 to vector<128x1024xi32>
    %select_n3A_213 = arith.select %eq3A_201, %broadcast_in_dim3A_212, %select_n3A_185 : vector<128x1024xi1>, vector<128x1024xi32>
    %reduce_min3A_214 = arith.constant dense<0x7F800000> : vector<128xf32>
    %reduce_min3A_215 = vector.multi_reduction <minimumf>, %select_n3A_202, %reduce_min3A_214 [1] : vector<128x1024xf32> to vector<128xf32>
    %broadcast_in_dim3A_216 = vector.shape_cast %reduce_min3A_215 : vector<128xf32> to vector<128x1xf32>
    %eq3A_217 = vector.broadcast %broadcast_in_dim3A_216 : vector<128x1xf32> to vector<128x1024xf32>
    %eq3A_218 = arith.cmpf oeq, %select_n3A_202, %eq3A_217 : vector<128x1024xf32>
    %jit3A_219 = arith.constant 1073741824 : i32
    %broadcast_in_dim3A_220 = vector.broadcast %jit3A_219 : i32 to vector<128x1024xi32>
    %select_n3A_221 = arith.select %eq3A_218, %select_n3A_203, %broadcast_in_dim3A_220 : vector<128x1024xi1>, vector<128x1024xi32>
    %reduce_min3A_222 = arith.constant dense<2147483647> : vector<128xi32>
    %reduce_min3A_223 = vector.multi_reduction <minsi>, %select_n3A_221, %reduce_min3A_222 [1] : vector<128x1024xi32> to vector<128xi32>
    %broadcast_in_dim3A_224 = vector.shape_cast %reduce_min3A_223 : vector<128xi32> to vector<128x1xi32>
    %and3A_225 = arith.constant 1023 : i32
    %and3A_226 = vector.broadcast %and3A_225 : i32 to vector<128x1xi32>
    %and3A_227 = arith.andi %broadcast_in_dim3A_224, %and3A_226 : vector<128x1xi32>
    %eq3A_228 = vector.broadcast %and3A_227 : vector<128x1xi32> to vector<128x1024xi32>
    %eq3A_229 = arith.cmpi eq, %iota3A_30, %eq3A_228 : vector<128x1024xi32>
    %select_n3A_230 = arith.select %eq3A_229, %select_n3A_204, %select_n3A_202 : vector<128x1024xi1>, vector<128x1024xf32>
    %select_n3A_231 = arith.select %eq3A_229, %select_n3A_205, %select_n3A_203 : vector<128x1024xi1>, vector<128x1024xi32>
    %select_n3A_232 = arith.select %eq3A_229, %select_n3A_206, %select_n3A_204 : vector<128x1024xi1>, vector<128x1024xf32>
    %select_n3A_233 = arith.select %eq3A_229, %select_n3A_207, %select_n3A_205 : vector<128x1024xi1>, vector<128x1024xi32>
    %select_n3A_234 = arith.select %eq3A_229, %select_n3A_210, %select_n3A_206 : vector<128x1024xi1>, vector<128x1024xf32>
    %select_n3A_235 = arith.select %eq3A_229, %select_n3A_213, %select_n3A_207 : vector<128x1024xi1>, vector<128x1024xi32>
    %jit3A_236 = arith.constant 1.000000e+30 : f32
    %broadcast_in_dim3A_237 = vector.broadcast %jit3A_236 : f32 to vector<128x1024xf32>
    %select_n3A_238 = arith.select %eq3A_229, %broadcast_in_dim3A_237, %select_n3A_210 : vector<128x1024xi1>, vector<128x1024xf32>
    %jit3A_239 = arith.constant 1073741824 : i32
    %broadcast_in_dim3A_240 = vector.broadcast %jit3A_239 : i32 to vector<128x1024xi32>
    %select_n3A_241 = arith.select %eq3A_229, %broadcast_in_dim3A_240, %select_n3A_213 : vector<128x1024xi1>, vector<128x1024xi32>
    %reduce_min3A_242 = arith.constant dense<0x7F800000> : vector<128xf32>
    %reduce_min3A_243 = vector.multi_reduction <minimumf>, %select_n3A_230, %reduce_min3A_242 [1] : vector<128x1024xf32> to vector<128xf32>
    %broadcast_in_dim3A_244 = vector.shape_cast %reduce_min3A_243 : vector<128xf32> to vector<128x1xf32>
    %eq3A_245 = vector.broadcast %broadcast_in_dim3A_244 : vector<128x1xf32> to vector<128x1024xf32>
    %eq3A_246 = arith.cmpf oeq, %select_n3A_230, %eq3A_245 : vector<128x1024xf32>
    %jit3A_247 = arith.constant 1073741824 : i32
    %broadcast_in_dim3A_248 = vector.broadcast %jit3A_247 : i32 to vector<128x1024xi32>
    %select_n3A_249 = arith.select %eq3A_246, %select_n3A_231, %broadcast_in_dim3A_248 : vector<128x1024xi1>, vector<128x1024xi32>
    %reduce_min3A_250 = arith.constant dense<2147483647> : vector<128xi32>
    %reduce_min3A_251 = vector.multi_reduction <minsi>, %select_n3A_249, %reduce_min3A_250 [1] : vector<128x1024xi32> to vector<128xi32>
    %broadcast_in_dim3A_252 = vector.shape_cast %reduce_min3A_251 : vector<128xi32> to vector<128x1xi32>
    %and3A_253 = arith.constant 1023 : i32
    %and3A_254 = vector.broadcast %and3A_253 : i32 to vector<128x1xi32>
    %and3A_255 = arith.andi %broadcast_in_dim3A_252, %and3A_254 : vector<128x1xi32>
    %eq3A_256 = vector.broadcast %and3A_255 : vector<128x1xi32> to vector<128x1024xi32>
    %eq3A_257 = arith.cmpi eq, %iota3A_30, %eq3A_256 : vector<128x1024xi32>
    %select_n3A_258 = arith.select %eq3A_257, %select_n3A_232, %select_n3A_230 : vector<128x1024xi1>, vector<128x1024xf32>
    %select_n3A_259 = arith.select %eq3A_257, %select_n3A_233, %select_n3A_231 : vector<128x1024xi1>, vector<128x1024xi32>
    %select_n3A_260 = arith.select %eq3A_257, %select_n3A_234, %select_n3A_232 : vector<128x1024xi1>, vector<128x1024xf32>
    %select_n3A_261 = arith.select %eq3A_257, %select_n3A_235, %select_n3A_233 : vector<128x1024xi1>, vector<128x1024xi32>
    %select_n3A_262 = arith.select %eq3A_257, %select_n3A_238, %select_n3A_234 : vector<128x1024xi1>, vector<128x1024xf32>
    %select_n3A_263 = arith.select %eq3A_257, %select_n3A_241, %select_n3A_235 : vector<128x1024xi1>, vector<128x1024xi32>
    %jit3A_264 = arith.constant 1.000000e+30 : f32
    %broadcast_in_dim3A_265 = vector.broadcast %jit3A_264 : f32 to vector<128x1024xf32>
    %select_n3A_266 = arith.select %eq3A_257, %broadcast_in_dim3A_265, %select_n3A_238 : vector<128x1024xi1>, vector<128x1024xf32>
    %jit3A_267 = arith.constant 1073741824 : i32
    %broadcast_in_dim3A_268 = vector.broadcast %jit3A_267 : i32 to vector<128x1024xi32>
    %select_n3A_269 = arith.select %eq3A_257, %broadcast_in_dim3A_268, %select_n3A_241 : vector<128x1024xi1>, vector<128x1024xi32>
    %reduce_min3A_270 = arith.constant dense<0x7F800000> : vector<128xf32>
    %reduce_min3A_271 = vector.multi_reduction <minimumf>, %select_n3A_258, %reduce_min3A_270 [1] : vector<128x1024xf32> to vector<128xf32>
    %broadcast_in_dim3A_272 = vector.shape_cast %reduce_min3A_271 : vector<128xf32> to vector<128x1xf32>
    %eq3A_273 = vector.broadcast %broadcast_in_dim3A_272 : vector<128x1xf32> to vector<128x1024xf32>
    %eq3A_274 = arith.cmpf oeq, %select_n3A_258, %eq3A_273 : vector<128x1024xf32>
    %jit3A_275 = arith.constant 1073741824 : i32
    %broadcast_in_dim3A_276 = vector.broadcast %jit3A_275 : i32 to vector<128x1024xi32>
    %select_n3A_277 = arith.select %eq3A_274, %select_n3A_259, %broadcast_in_dim3A_276 : vector<128x1024xi1>, vector<128x1024xi32>
    %reduce_min3A_278 = arith.constant dense<2147483647> : vector<128xi32>
    %reduce_min3A_279 = vector.multi_reduction <minsi>, %select_n3A_277, %reduce_min3A_278 [1] : vector<128x1024xi32> to vector<128xi32>
    %broadcast_in_dim3A_280 = vector.shape_cast %reduce_min3A_279 : vector<128xi32> to vector<128x1xi32>
    %and3A_281 = arith.constant 1023 : i32
    %and3A_282 = vector.broadcast %and3A_281 : i32 to vector<128x1xi32>
    %and3A_283 = arith.andi %broadcast_in_dim3A_280, %and3A_282 : vector<128x1xi32>
    %eq3A_284 = vector.broadcast %and3A_283 : vector<128x1xi32> to vector<128x1024xi32>
    %eq3A_285 = arith.cmpi eq, %iota3A_30, %eq3A_284 : vector<128x1024xi32>
    %select_n3A_286 = arith.select %eq3A_285, %select_n3A_260, %select_n3A_258 : vector<128x1024xi1>, vector<128x1024xf32>
    %select_n3A_287 = arith.select %eq3A_285, %select_n3A_261, %select_n3A_259 : vector<128x1024xi1>, vector<128x1024xi32>
    %select_n3A_288 = arith.select %eq3A_285, %select_n3A_262, %select_n3A_260 : vector<128x1024xi1>, vector<128x1024xf32>
    %select_n3A_289 = arith.select %eq3A_285, %select_n3A_263, %select_n3A_261 : vector<128x1024xi1>, vector<128x1024xi32>
    %select_n3A_290 = arith.select %eq3A_285, %select_n3A_266, %select_n3A_262 : vector<128x1024xi1>, vector<128x1024xf32>
    %select_n3A_291 = arith.select %eq3A_285, %select_n3A_269, %select_n3A_263 : vector<128x1024xi1>, vector<128x1024xi32>
    %reduce_min3A_292 = arith.constant dense<0x7F800000> : vector<128xf32>
    %reduce_min3A_293 = vector.multi_reduction <minimumf>, %select_n3A_286, %reduce_min3A_292 [1] : vector<128x1024xf32> to vector<128xf32>
    %broadcast_in_dim3A_294 = vector.shape_cast %reduce_min3A_293 : vector<128xf32> to vector<128x1xf32>
    %eq3A_295 = vector.broadcast %broadcast_in_dim3A_294 : vector<128x1xf32> to vector<128x1024xf32>
    %eq3A_296 = arith.cmpf oeq, %select_n3A_286, %eq3A_295 : vector<128x1024xf32>
    %jit3A_297 = arith.constant 1073741824 : i32
    %broadcast_in_dim3A_298 = vector.broadcast %jit3A_297 : i32 to vector<128x1024xi32>
    %select_n3A_299 = arith.select %eq3A_296, %select_n3A_287, %broadcast_in_dim3A_298 : vector<128x1024xi1>, vector<128x1024xi32>
    %reduce_min3A_300 = arith.constant dense<2147483647> : vector<128xi32>
    %reduce_min3A_301 = vector.multi_reduction <minsi>, %select_n3A_299, %reduce_min3A_300 [1] : vector<128x1024xi32> to vector<128xi32>
    %broadcast_in_dim3A_302 = vector.shape_cast %reduce_min3A_301 : vector<128xi32> to vector<128x1xi32>
    %and3A_303 = arith.constant 1023 : i32
    %and3A_304 = vector.broadcast %and3A_303 : i32 to vector<128x1xi32>
    %and3A_305 = arith.andi %broadcast_in_dim3A_302, %and3A_304 : vector<128x1xi32>
    %eq3A_306 = vector.broadcast %and3A_305 : vector<128x1xi32> to vector<128x1024xi32>
    %eq3A_307 = arith.cmpi eq, %iota3A_30, %eq3A_306 : vector<128x1024xi32>
    %select_n3A_308 = arith.select %eq3A_307, %select_n3A_288, %select_n3A_286 : vector<128x1024xi1>, vector<128x1024xf32>
    %select_n3A_309 = arith.select %eq3A_307, %select_n3A_289, %select_n3A_287 : vector<128x1024xi1>, vector<128x1024xi32>
    %select_n3A_310 = arith.select %eq3A_307, %select_n3A_290, %select_n3A_288 : vector<128x1024xi1>, vector<128x1024xf32>
    %select_n3A_311 = arith.select %eq3A_307, %select_n3A_291, %select_n3A_289 : vector<128x1024xi1>, vector<128x1024xi32>
    %reduce_min3A_312 = arith.constant dense<0x7F800000> : vector<128xf32>
    %reduce_min3A_313 = vector.multi_reduction <minimumf>, %select_n3A_308, %reduce_min3A_312 [1] : vector<128x1024xf32> to vector<128xf32>
    %broadcast_in_dim3A_314 = vector.shape_cast %reduce_min3A_313 : vector<128xf32> to vector<128x1xf32>
    %eq3A_315 = vector.broadcast %broadcast_in_dim3A_314 : vector<128x1xf32> to vector<128x1024xf32>
    %eq3A_316 = arith.cmpf oeq, %select_n3A_308, %eq3A_315 : vector<128x1024xf32>
    %jit3A_317 = arith.constant 1073741824 : i32
    %broadcast_in_dim3A_318 = vector.broadcast %jit3A_317 : i32 to vector<128x1024xi32>
    %select_n3A_319 = arith.select %eq3A_316, %select_n3A_309, %broadcast_in_dim3A_318 : vector<128x1024xi1>, vector<128x1024xi32>
    %reduce_min3A_320 = arith.constant dense<2147483647> : vector<128xi32>
    %reduce_min3A_321 = vector.multi_reduction <minsi>, %select_n3A_319, %reduce_min3A_320 [1] : vector<128x1024xi32> to vector<128xi32>
    %broadcast_in_dim3A_322 = vector.shape_cast %reduce_min3A_321 : vector<128xi32> to vector<128x1xi32>
    %and3A_323 = arith.constant 1023 : i32
    %and3A_324 = vector.broadcast %and3A_323 : i32 to vector<128x1xi32>
    %and3A_325 = arith.andi %broadcast_in_dim3A_322, %and3A_324 : vector<128x1xi32>
    %eq3A_326 = vector.broadcast %and3A_325 : vector<128x1xi32> to vector<128x1024xi32>
    %eq3A_327 = arith.cmpi eq, %iota3A_30, %eq3A_326 : vector<128x1024xi32>
    %select_n3A_328 = arith.select %eq3A_327, %select_n3A_310, %select_n3A_308 : vector<128x1024xi1>, vector<128x1024xf32>
    %select_n3A_329 = arith.select %eq3A_327, %select_n3A_311, %select_n3A_309 : vector<128x1024xi1>, vector<128x1024xi32>
    %reduce_min3A_330 = arith.constant dense<0x7F800000> : vector<128xf32>
    %reduce_min3A_331 = vector.multi_reduction <minimumf>, %select_n3A_328, %reduce_min3A_330 [1] : vector<128x1024xf32> to vector<128xf32>
    %broadcast_in_dim3A_332 = vector.shape_cast %reduce_min3A_331 : vector<128xf32> to vector<128x1xf32>
    %eq3A_333 = vector.broadcast %broadcast_in_dim3A_332 : vector<128x1xf32> to vector<128x1024xf32>
    %eq3A_334 = arith.cmpf oeq, %select_n3A_328, %eq3A_333 : vector<128x1024xf32>
    %jit3A_335 = arith.constant 1073741824 : i32
    %broadcast_in_dim3A_336 = vector.broadcast %jit3A_335 : i32 to vector<128x1024xi32>
    %select_n3A_337 = arith.select %eq3A_334, %select_n3A_329, %broadcast_in_dim3A_336 : vector<128x1024xi1>, vector<128x1024xi32>
    %reduce_min3A_338 = arith.constant dense<2147483647> : vector<128xi32>
    %reduce_min3A_339 = vector.multi_reduction <minsi>, %select_n3A_337, %reduce_min3A_338 [1] : vector<128x1024xi32> to vector<128xi32>
    %broadcast_in_dim3A_340 = vector.shape_cast %reduce_min3A_339 : vector<128xi32> to vector<128x1xi32>
    %max3A = arith.constant 9.99999996E-13 : f32
    %max3A_341 = vector.broadcast %max3A : f32 to vector<128x1xf32>
    %max3A_342 = arith.maximumf %broadcast_in_dim3A_105, %max3A_341 : vector<128x1xf32>
    %sqrt3A = math.sqrt %max3A_342 : vector<128x1xf32>
    %swap3A_343 = arith.constant 0 : index
    %swap3A_344 = arith.constant 0 : index
    %swap3A_345 = vector.load %arg3[%swap3A_343, %swap3A_344] : memref<128x1xf32, #tpu.memory_space<vmem>>, vector<128x1xf32>
    tpu.vector_store %arg3[%swap3A_343, %swap3A_344], %sqrt3A {strides = array<i32>} : memref<128x1xf32, #tpu.memory_space<vmem>>, vector<128x1xf32>,
    %concatenate3A = tpu.concatenate %broadcast_in_dim3A_113, %broadcast_in_dim3A_140, %broadcast_in_dim3A_168, %broadcast_in_dim3A_196, %broadcast_in_dim3A_224, %broadcast_in_dim3A_252, %broadcast_in_dim3A_280, %broadcast_in_dim3A_302, %broadcast_in_dim3A_322, %broadcast_in_dim3A_340 in 1 : vector<128x1xi32>, vector<128x1xi32>, vector<128x1xi32>, vector<128x1xi32>, vector<128x1xi32>, vector<128x1xi32>, vector<128x1xi32>, vector<128x1xi32>, vector<128x1xi32>, vector<128x1xi32> -> vector<128x10xi32>
    %swap3A_346 = arith.constant 0 : index
    %swap3A_347 = arith.constant 0 : index
    %swap3A_348 = vector.load %arg4[%swap3A_346, %swap3A_347] : memref<128x10xi32, #tpu.memory_space<vmem>>, vector<128x10xi32>
    tpu.vector_store %arg4[%swap3A_346, %swap3A_347], %concatenate3A {strides = array<i32>} : memref<128x10xi32, #tpu.memory_space<vmem>>, vector<128x10xi32>,
    return
  }
  func.func @transform_0(%arg0: i32) -> (i32, i32) {
    %c0_i32 = arith.constant 0 : i32
    %c0_i32_0 = arith.constant 0 : i32
    return %arg0, %c0_i32 : i32, i32
  }
  func.func @transform_1(%arg0: i32) -> (i32, i32) {
    %c0_i32 = arith.constant 0 : i32
    %c0_i32_0 = arith.constant 0 : i32
    %c0_i32_1 = arith.constant 0 : i32
    return %c0_i32, %c0_i32_0 : i32, i32
  }
  func.func @transform_2(%arg0: i32) -> (i32, i32) {
    %c0_i32 = arith.constant 0 : i32
    %c0_i32_0 = arith.constant 0 : i32
    return %arg0, %c0_i32 : i32, i32
  }
  func.func @transform_3(%arg0: i32) -> (i32, i32) {
    %c0_i32 = arith.constant 0 : i32
    %c0_i32_0 = arith.constant 0 : i32
    return %arg0, %c0_i32 : i32, i32
  }
  func.func @transform_4(%arg0: i32) -> (i32, i32) {
    %c0_i32 = arith.constant 0 : i32
    %c0_i32_0 = arith.constant 0 : i32
    %c0_i32_1 = arith.constant 0 : i32
    return %c0_i32, %c0_i32_0 : i32, i32
  }
}

</mosaic_0001>

<sc_bundles>
// kernel: _run.4.cloned.1.call-start
scs
__scs_entry_jumppad:
0x0: {  	(pc) =	sbr.rel $0x88, $3  }
0x1: {  	(tag) =	ssettag $0x0;
	lr =	simm.s32 $0x1  }
0x2: {  	[smem:$0x3F9F] =	sst lr;
	_ =	strace $0xD0000000  }
0x3: {  	_ = 	snop  }
0x4: {  	_ = 	snop  }
0x5: {  	_ = 	snop  }
0x6: {  	_ = 	snop  }
0x7: {  	_ = 	snop  }
__scs_overlays_trampoline_lowered:
0x8: {  	[smem:$0x3FAE] =	sst s0  }
0x9: {  	[smem:$0x3FAF] =	sst s1  }
0xa: {  	[smem:$0x3FB0] =	sst s2  }
0xb: {  	[smem:$0x3FB1] =	sst s3  }
0xc: {  	[smem:$0x3FB2] =	sst s4  }
0xd: {  	[smem:$0x3FB3] =	sst s5  }
0xe: {  	[smem:$0x3FB4] =	sst s6  }
0xf: {  	[smem:$0x3FB5] =	sst s7  }
0x10: {  	[smem:$0x3FB6] =	sst s8  }
0x11: {  	[smem:$0x3FB7] =	sst s9;
	s0 =	simm.s32 @!p0 $0x0  }
0x12: {  	s1 =	sld [smem:$0x3F9D];
	s0 =	simm.s32 @p0 $0x1  }
0x13: {  	[smem:$0x3FB8] =	sst s0;
	s0 =	simm.s32 @!p1 $0x0  }
0x14: {  	s2 =	sld [smem:$0x3F9C];
	s0 =	simm.s32 @p1 $0x1  }
0x15: {  	[smem:$0x3FB9] =	sst s0;
	s0 =	simm.s32 @!p2 $0x0  }
0x16: {  	s3 =	sld [smem:$0x3FDB];
	s0 =	simm.s32 @p2 $0x1  }
0x17: {  	s4 =	simm.s32 $0x1BF5;
	[smem:$0x3FBB] =	sst s0  }
0x18: {  	s0 =	sld [smem:$0x3F9E];
	_ =	swait.ge [sflag:s4], $0x0  }
0x19: {  	s7 =	sld [smem:$0x3F9F]  }
0x1a: {  	s8 =	sadd.s32 $0xFFFFE003, lr  }
0x1b: {  	s9 =	sadd.s32 $0xFFFFFEF7, lr;
	s5 =	simm.s32 $0xFFFFFFFF;
	p2 =	slt.u32 s8, $0xFFFFF086  }
0x1c: {  	p1 =	slt.u32 s9, $0xF7A;
	s5 =	simm.s32 @!p2 $0x0  }
0x1d: {  	s5 =	simm.s32 @p1 $0x1;
	p0 =	seq.s32 s7, s2  }
0x1e: {  	s7 =	smul.u32 @!p0 $0xF7A, s2;
	p2 =	seq.s32 @!p0 s5, $0x0  }
0x1f: {  	s9 =	smul.u32 $0xF7A, s1;
	s8 =	simm.s32 @!p0 $0x1BF5;
	p2 =	por !p2, p0  }
0x20: {  	[sflag:s8] =	ssyncset.s32 @!p0 $0xFFFFF086;
	s6 =	sadd.s32 @!p0 s3, s7;
	s7 =	simm.s32 @!p0 $0x108  }
0x21: {  	s3 =	sadd.s32 s3, s9;
	s6 =	sadd.s32 @!p0 $0x88, s6;
	s7 =	simm.s32 @p2 $0x1082  }
0x22: {  	[simem:s7], [sflag:s8] =	dma.local @!p0 [hbm:s6], $0xF7A  }
0x23: {  	s9 =	sor.u32 $0xD0000000, s2;
	s6 =	simm.s32 $0x108;
	_ =	swait.ge @!p0 [sflag:s8], $0x0  }
0x24: {  	s3 =	sadd.s32 $0x88, s3;
	s6 =	simm.s32 @!p1 $0x1082;
	[sflag:s4] =	ssyncset.s32 $0xFFFFF086  }
0x25: {  	[simem:s6], [sflag:s4] =	dma.local [hbm:s3], $0xF7A  }
0x26: {  	[smem:$0x3F9F] =	sst s1;
	(tag) =	ssettag s2;
	_ =	strace s9  }
0x27: {  	s1 =	sld [smem:$0x3FAF]  }
0x28: {  	s2 =	sld [smem:$0x3FB0]  }
0x29: {  	s4 =	sld [smem:$0x3FB2]  }
0x2a: {  	p0 =	seq.s32 s5, $0x0;
	s5 =	sld [smem:$0x3FB3]  }
0x2b: {  	s6 =	sld [smem:$0x3FB4]  }
0x2c: {  	s7 =	sld [smem:$0x3FB5]  }
0x2d: {  	s3 =	simm.s32 $0x108;
	s8 =	sld [smem:$0x3FB6]  }
0x2e: {  	s3 =	simm.s32 @!p0 $0x1082;
	s9 =	sld [smem:$0x3FB7]  }
0x2f: {  	lr =	sadd.s32 s0, s3;
	s0 =	sld [smem:$0x3FAE]  }
0x30: {  	s3 =	sld [smem:$0x3FB1]  }
0x31: {  	[smem:$0x3FBA] =	sst s10  }
0x32: {  	s10 =	sld [smem:$0x3FB8];
	_ =	sdelay $0x3  }
0x33: {  	p0 =	seq.s32 s10, $0x1;
	s10 =	sld [smem:$0x3FBA];
	_ =	sdelay $0x3  }
0x34: {  	[smem:$0x3FBA] =	sst s10  }
0x35: {  	s10 =	sld [smem:$0x3FB9];
	_ =	sdelay $0x3  }
0x36: {  	p1 =	seq.s32 s10, $0x1;
	s10 =	sld [smem:$0x3FBA];
	_ =	sdelay $0x3  }
0x37: {  	[smem:$0x3FBA] =	sst s10  }
0x38: {  	s10 =	sld [smem:$0x3FBB]  }
0x39: {  	_ = 	snop;
	(pc) =	sbr.ind lr, $3  }
0x3a: {  	_ = 	snop  }
0x3b: {  	_ = 	snop  }
0x3c: {  	p2 =	seq.s32 s10, $0x1;
	s10 =	sld [smem:$0x3FBA]  }
0x3d: {  	_ =	shalt  }
0x3e: {  	_ =	shalt  }
0x3f: {  	_ =	shalt  }
0x40: {  	_ =	shalt  }
0x41: {  	_ =	shalt  }
0x42: {  	_ =	shalt  }
0x43: {  	_ =	shalt  }
0x44: {  	_ =	shalt  }
0x45: {  	_ =	shalt  }
0x46: {  	_ =	shalt  }
0x47: {  	_ =	shalt  }
0x48: {  	_ =	shalt  }
0x49: {  	_ =	shalt  }
0x4a: {  	_ =	shalt  }
0x4b: {  	_ =	shalt  }
0x4c: {  	_ =	shalt  }
0x4d: {  	_ =	shalt  }
0x4e: {  	_ =	shalt  }
0x4f: {  	_ =	shalt  }
0x50: {  	_ =	shalt  }
0x51: {  	_ =	shalt  }
0x52: {  	_ =	shalt  }
0x53: {  	_ =	shalt  }
0x54: {  	_ =	shalt  }
0x55: {  	_ =	shalt  }
0x56: {  	_ =	shalt  }
0x57: {  	_ =	shalt  }
0x58: {  	_ =	shalt  }
0x59: {  	_ =	shalt  }
0x5a: {  	_ =	shalt  }
0x5b: {  	_ =	shalt  }
0x5c: {  	_ =	shalt  }
0x5d: {  	_ =	shalt  }
0x5e: {  	_ =	shalt  }
0x5f: {  	_ =	shalt  }
0x60: {  	_ =	shalt  }
0x61: {  	_ =	shalt  }
0x62: {  	_ =	shalt  }
0x63: {  	_ =	shalt  }
0x64: {  	_ =	shalt  }
0x65: {  	_ =	shalt  }
0x66: {  	_ =	shalt  }
0x67: {  	_ =	shalt  }
0x68: {  	_ =	shalt  }
0x69: {  	_ =	shalt  }
0x6a: {  	_ =	shalt  }
0x6b: {  	_ =	shalt  }
0x6c: {  	_ =	shalt  }
0x6d: {  	_ =	shalt  }
0x6e: {  	_ =	shalt  }
0x6f: {  	_ =	shalt  }
0x70: {  	_ =	shalt  }
0x71: {  	_ =	shalt  }
0x72: {  	_ =	shalt  }
0x73: {  	_ =	shalt  }
0x74: {  	_ =	shalt  }
0x75: {  	_ =	shalt  }
0x76: {  	_ =	shalt  }
0x77: {  	_ =	shalt  }
0x78: {  	_ =	shalt  }
0x79: {  	_ =	shalt  }
0x7a: {  	_ =	shalt  }
0x7b: {  	_ =	shalt  }
0x7c: {  	_ =	shalt  }
0x7d: {  	_ =	shalt  }
0x7e: {  	_ =	shalt  }
0x7f: {  	_ =	shalt  }
0x80: {  	_ =	shalt  }
0x81: {  	_ =	shalt  }
0x82: {  	_ =	shalt  }
0x83: {  	_ =	shalt  }
0x84: {  	_ =	shalt  }
0x85: {  	_ =	shalt  }
0x86: {  	_ =	shalt  }
0x87: {  	_ =	shalt  }
.Lfunc_end0:
.L_simem_size_0:
called_computation_lowered:
.L_overlay_start_0:
0x88: {  	s2 =	sld [smem:$0x3FD9]  }
0x89: {  	s3 =	sld [smem:$0x3FFE];
	_ =	sdelay $0x1  }
0x8a: {  	s1 =	srdreg.scid  }
0x8b: {  	s0 =	sand.u32 $0x1, s1  }
0x8c: {  	s14 =	sshll.u32 s0, $0xA;
	s2 =	sadd.s32 s3, s2  }
0x8d: {  	s2 =	sadd.s32 s2, s14  }
0x8e: {  	[smem:$0x3FC6] =	sst s2  }
0x8f: {  	_ = 	snop  }
0x90: {  	s2 =	sld [smem:$0x3FD0];
	_ =	sdelay $0x2  }
0x91: {  	s15 =	simm.s32 $0xA;
	s4 =	simm.s32 $0x10  }
0x92: {  	[smem:s4], [sflag:s15] =	dma.local [hbm:s2], $0x1  }
0x93: {  	_ =	swait.eq [sflag:s15], $0x1  }
0x94: {  	[sflag:s15] =	ssyncset.done $0x0  }
0x95: {  	[sflag:s15] =	ssyncadd.s32 $0xFFFFFFFF  }
0x96: {  	s16 =	sld [smem:$0x10];
	(tm) =	ssettm $0x1  }
0x97: {  	s17 =	sld [smem:$0x3FFB];
	_ =	sdelay $0x3  }
0x98: {  	_ =	strace s17  }
0x99: {  	s3 =	sld [smem:$0x3FFC];
	_ =	sdelay $0x3  }
0x9a: {  	_ =	strace s3  }
0x9b: {  	s3 =	sld [smem:$0x3FFD];
	_ =	sdelay $0x3  }
0x9c: {  	_ =	strace s3  }
0x9d: {  	_ =	strace $0x8FFFFFFF  }
0x9e: {  	s18 =	sld [smem:$0x3FDB];
	_ =	sdelay $0x1  }
0x9f: {  	s19 =	simm.s32 $_scs_section_size  }
0xa0: {  	s5 =	simm.s32 $_size__tile_overlayer_lowered;
	s6 =	simm.s32 $_tile_overlayer_lowered  }
0xa1: {  	s22 =	simm.s32 $0x1BFF;
	s21 =	sshll.u32 s6, $0x1;
	s3 =	sadd.s32 s19, s18  }
0xa2: {  	s7 =	simm.s32 $0x0;
	s20 =	sshll.u32 s5, $0x1;
	s5 =	sadd.s32 s21, s3  }
0xa3: {  	[timem:s7], [sflag:s22] =	dma.local [hbm:s5], s20  }
0xa4: {  	_ =	swait.ge [sflag:s22], s20  }
0xa5: {  	s4 =	ssub.s32 $0x0, s20;
	[sflag:s22] =	ssyncset.done $0x0  }
0xa6: {  	[sflag:s22] =	ssyncadd.s32 s4;
	_ =	sdelay $0x1  }
0xa7: {  	s23 =	simm.s32 $0x1B8B  }
0xa8: {  	_ =	swait.ge [sflag:s23], $0x1  }
0xa9: {  	[sflag:s23] =	ssyncset.done $0x0  }
0xaa: {  	s25 =	simm.s32 $0x1B8E;
	s24 =	sld [smem:$0x3FFE];
	[sflag:s23] =	ssyncadd.s32 $0xFFFFFFFF  }
0xab: {  	s26 =	simm.s32 $execute0_lowered;
	[smem:$0x3FD2] =	sst s25  }
0xac: {  	s5 =	sshll.u32 s26, $0x1;
	_ =	strace $0x80000046;
	[dreg:$0x1] =	wrdreg $0xFFFFFFFF  }
0xad: {  	s28 =	simm.s32 $_size_execute0_lowered;
	s3 =	sadd.s32 s3, s5;
	[dreg:$0x0] =	wrdreg $0x0  }
0xae: {  	s5 =	sshll.u32 s28, $0x1;
	[dreg:$0x2] =	wrdreg s3  }
0xaf: {  	[dreg:$0x3] =	wrdreg s5  }
0xb0: {  	[dreg:$0x4] =	wrdreg $0xC0  }
0xb1: {  	_ =	task [dreg:s7], $0x5FFFF  }
0xb2: {  	[dreg:$0x1] =	wrdreg $0xFFFFFFFF  }
0xb3: {  	[dreg:$0x0] =	wrdreg $0x60  }
0xb4: {  	[dreg:$0x2] =	wrdreg s24  }
0xb5: {  	[dreg:$0x3] =	wrdreg s16  }
0xb6: {  	[dreg:$0x4] =	wrdreg $0x9  }
0xb7: {  	_ =	task.clear_ibuf [dreg:s7], $0x5FFFF;
	_ =	strace $0x90000046  }
0xb8: {  	s29 =	simm.s32 $0x9;
	_ =	strace $0x80000048  }
0xb9: {  	_ =	swait.ge [sflag:s29], $0x1  }
0xba: {  	[sflag:s29] =	ssyncadd.s32 $0xFFFFFFFF  }
0xbb: {  	_ =	strace $0x90000048  }
0xbc: {  	_ =	sfence  }
0xbd: {  	s30 =	sld [smem:$0x0];
	_ =	sdelay $0x2  }
0xbe: {  	s31 =	sshll.u32 s1, $0xD;
	s1 =	sshrl.u32 s1, $0x2  }
0xbf: {  	s3 =	sand.u32 $0x4000, s31;
	s1 =	sadd.s32 s1, s30  }
0xc0: {  	s0 =	sor.u32 s3, s0;
	s1 =	sshll.u32 s1, $0x11  }
0xc1: {  	s0 =	sor.u32 s1, s0  }
0xc2: {  	s0 =	sadd.s32 $0x8F2B, s0  }
0xc3: {  	[sflag:s0] =	ssyncadd.remote.s32 $0x1  }
0xc4: {  	_ =	sfence.sel $0xFFFF  }
0xc5: {  	[dreg:$0x0] =	wrdreg $0xFFFFFFFF;
	(pc) =	sbr.abs _section_cstart, $3  }
0xc6: {  	[dreg:$0x1] =	wrdreg $0xFFFFFFFF  }
0xc7: {  	_ =	task.clear_ibuf [dreg:s7], $0x2FFFF;
	_ =	strace $0x9FFFFFFF  }
0xc8: {  	(tm) =	ssettm $0x7FFFFFFF  }
0xc9: {  	_ =	shalt  }
tec
execute0_lowered:
.L_overlay_start_1:
0x0: {  	(tag) =	ssettag $0x1  }
0x1: {  	s0 =	rddreg [dreg:$0x0]  }
0x2: {  	s11 =	rddreg [dreg:$0x1];
	s1 =	simm.s32 $0x0;
	s3 =	srdreg.scid  }
0x3: {  	s17 =	stileid.u32;
	s14 =	simm.s32 $0x4000;
	s15 =	simm.s32 $0x8000  }
0x4: {  	s16 =	simm.s32 $0xC000;
	s28 =	simm.s32 $0x10500;
	s29 =	simm.s32 $0x10580  }
0x5: {  	s30 =	simm.s32 $0x10600;
	s31 =	simm.s32 $0x10680;
	[smem:$0x7FF] =	sst s1  }
0x6: {  	s2 =	sadd.s32 $0x1A00, s0;
	s3 =	sand.u32 $0x1, s3;
	s4 =	sadd.s32 $0x1200, s0  }
0x7: {  	s5 =	sshll.u32 s17, $0x5;
	_ =	strace $0x80000047;
	[dreg:$0x3] =	wrdreg s2  }
0x8: {  	s18 =	sadd.s32 $0xA00, s0;
	s19 =	sadd.s32 $0x2200, s0;
	[dreg:$0x4] =	wrdreg s4  }
0x9: {  	s17 =	simm.s32 $0x10000;
	s6 =	sshll.u32 s3, $0x4;
	[dreg:$0x5] =	wrdreg s18  }
0xa: {  	[dreg:$0x6] =	wrdreg s19;
	s3 =	ssub.s32 $0x2, s3;
	s18 =	simm.s32 $0x10080  }
0xb: {  	s19 =	simm.s32 $0x10100;
	s12 =	sor.u32 s6, s5;
	s24 =	sshrl.u32 s3, $0x1  }
0xc: {  	s0 =	sadd.s32 s12, s0;
	s13 =	ssub.s32 s3, s24;
	s11 =	sadd.s32 s11, s12  }
0xd: {  	s24 =	simm.s32 $0x10380;
	s20 =	sadd.s32 $0x2A00, s0;
	s21 =	sadd.s32 $0x2C00, s0  }
0xe: {  	s22 =	sadd.s32 $0x2E00, s0;
	s23 =	sadd.s32 $0x3000, s0;
	s25 =	sadd.s32 $0x3200, s0  }
0xf: {  	s26 =	sadd.s32 $0x3400, s0;
	s3 =	sadd.s32 $0x3600, s0;
	[dreg:$0x7] =	wrdreg s20  }
0x10: {  	s4 =	sadd.s32 $0x3800, s0;
	s5 =	sadd.s32 $0x3A00, s0;
	[dreg:$0x8] =	wrdreg s21  }
0x11: {  	s6 =	sadd.s32 $0x3C00, s0;
	s7 =	sadd.s32 $0x800, s0;
	[dreg:$0x9] =	wrdreg s22  }
0x12: {  	s8 =	sadd.s32 $0x600, s0;
	s9 =	sadd.s32 $0x400, s0;
	[dreg:$0xa] =	wrdreg s23  }
0x13: {  	s10 =	sadd.s32 $0x3E00, s0;
	s12 =	smax.u32 s13, $0x1;
	[dreg:$0xb] =	wrdreg s25  }
0x14: {  	s13 =	simm.s32 $0x1;
	s0 =	simm.s32 $0x10700;
	[dreg:$0xc] =	wrdreg s26  }
0x15: {  	s20 =	simm.s32 $0x10180;
	s21 =	simm.s32 $0x10200;
	s22 =	simm.s32 $0x10280  }
0x16: {  	v0 =	vimm.s32 $0x0;
	s23 =	simm.s32 $0x10300;
	s25 =	simm.s32 $0x10400;
	s26 =	simm.s32 $0x10480  }
.LBB2_1:
0x17: {  	s2 =	rddreg [dreg:$0x3]  }
0x18: {  	[tilespmem:s1], [sflag:$0x1] =	stream.linear.gather [hbm4b:s2+s1], $0x4000, $0x38;
	[tilespmem:$0x10780] =	vst v63  }
0x19: {  	_ =	swait.ge [sflag:s13], $0x4000  }
0x1a: {  	[sflag:s13] =	ssyncset.done $0x0  }
0x1b: {  	s2 =	rddreg [dreg:$0x4];
	[sflag:s13] =	ssyncadd.s32 $0xFFFFC000  }
0x1c: {  	[tilespmem:s14], [sflag:$0x1] =	stream.linear.gather [hbm4b:s2+s1], $0x4000, $0x38;
	[tilespmem:$0x10780] =	vst v63  }
0x1d: {  	_ =	swait.ge [sflag:s13], $0x4000  }
0x1e: {  	[sflag:s13] =	ssyncset.done $0x0  }
0x1f: {  	[sflag:s13] =	ssyncadd.s32 $0xFFFFC000  }
0x20: {  	s2 =	rddreg [dreg:$0x5]  }
0x21: {  	[tilespmem:s15], [sflag:$0x1] =	stream.linear.gather [hbm4b:s2+s1], $0x4000, $0x38;
	[tilespmem:$0x10780] =	vst v63  }
0x22: {  	_ =	swait.ge [sflag:s13], $0x4000  }
0x23: {  	[sflag:s13] =	ssyncset.done $0x0  }
0x24: {  	s2 =	rddreg [dreg:$0x6];
	[sflag:s13] =	ssyncadd.s32 $0xFFFFC000  }
0x25: {  	[tilespmem:s16], [sflag:$0x1] =	stream.linear.gather [hbm4b:s2+s1], $0x4000, $0x38;
	[tilespmem:$0x10780] =	vst v63  }
0x26: {  	_ =	swait.ge [sflag:s13], $0x4000  }
0x27: {  	[sflag:s13] =	ssyncset.done $0x0  }
0x28: {  	s2 =	rddreg [dreg:$0x7];
	[sflag:s13] =	ssyncadd.s32 $0xFFFFC000  }
0x29: {  	[tilespmem:s17], [sflag:$0x1] =	stream.linear.gather [hbm4b:s2+s1], $0x80, $0x38;
	[tilespmem:$0x10780] =	vst v63  }
0x2a: {  	_ =	swait.ge [sflag:s13], $0x80  }
0x2b: {  	[sflag:s13] =	ssyncset.done $0x0  }
0x2c: {  	s2 =	rddreg [dreg:$0x8];
	[sflag:s13] =	ssyncadd.s32 $0xFFFFFF80  }
0x2d: {  	[tilespmem:s18], [sflag:$0x1] =	stream.linear.gather [hbm4b:s2+s1], $0x80, $0x38;
	[tilespmem:$0x10780] =	vst v63  }
0x2e: {  	_ =	swait.ge [sflag:s13], $0x80  }
0x2f: {  	[sflag:s13] =	ssyncset.done $0x0  }
0x30: {  	s2 =	rddreg [dreg:$0x9];
	[sflag:s13] =	ssyncadd.s32 $0xFFFFFF80  }
0x31: {  	[tilespmem:s19], [sflag:$0x1] =	stream.linear.gather [hbm4b:s2+s1], $0x80, $0x38;
	[tilespmem:$0x10780] =	vst v63  }
0x32: {  	_ =	swait.ge [sflag:s13], $0x80  }
0x33: {  	[sflag:s13] =	ssyncset.done $0x0  }
0x34: {  	s2 =	rddreg [dreg:$0xa];
	[sflag:s13] =	ssyncadd.s32 $0xFFFFFF80  }
0x35: {  	[tilespmem:s20], [sflag:$0x1] =	stream.linear.gather [hbm4b:s2+s1], $0x80, $0x38;
	[tilespmem:$0x10780] =	vst v63  }
0x36: {  	_ =	swait.ge [sflag:s13], $0x80  }
0x37: {  	[sflag:s13] =	ssyncset.done $0x0  }
0x38: {  	s2 =	rddreg [dreg:$0xb];
	[sflag:s13] =	ssyncadd.s32 $0xFFFFFF80  }
0x39: {  	[tilespmem:s21], [sflag:$0x1] =	stream.linear.gather [hbm4b:s2+s1], $0x80, $0x38;
	[tilespmem:$0x10780] =	vst v63  }
0x3a: {  	_ =	swait.ge [sflag:s13], $0x80  }
0x3b: {  	[sflag:s13] =	ssyncset.done $0x0  }
0x3c: {  	s2 =	rddreg [dreg:$0xc];
	[sflag:s13] =	ssyncadd.s32 $0xFFFFFF80  }
0x3d: {  	[tilespmem:s22], [sflag:$0x1] =	stream.linear.gather [hbm4b:s2+s1], $0x80, $0x38;
	[tilespmem:$0x10780] =	vst v63  }
0x3e: {  	_ =	swait.ge [sflag:s13], $0x80  }
0x3f: {  	[sflag:s13] =	ssyncset.done $0x0  }
0x40: {  	[sflag:s13] =	ssyncadd.s32 $0xFFFFFF80  }
0x41: {  	[tilespmem:s23], [sflag:$0x1] =	stream.linear.gather [hbm4b:s3+s1], $0x80, $0x38;
	[tilespmem:$0x10780] =	vst v63  }
0x42: {  	_ =	swait.ge [sflag:s13], $0x80  }
0x43: {  	[sflag:s13] =	ssyncset.done $0x0  }
0x44: {  	[sflag:s13] =	ssyncadd.s32 $0xFFFFFF80  }
0x45: {  	[tilespmem:s24], [sflag:$0x1] =	stream.linear.gather [hbm4b:s4+s1], $0x80, $0x38;
	[tilespmem:$0x10780] =	vst v63  }
0x46: {  	_ =	swait.ge [sflag:s13], $0x80  }
0x47: {  	[sflag:s13] =	ssyncset.done $0x0  }
0x48: {  	[sflag:s13] =	ssyncadd.s32 $0xFFFFFF80  }
0x49: {  	[tilespmem:s25], [sflag:$0x1] =	stream.linear.gather [hbm4b:s5+s1], $0x80, $0x38;
	[tilespmem:$0x10780] =	vst v63  }
0x4a: {  	_ =	swait.ge [sflag:s13], $0x80  }
0x4b: {  	[sflag:s13] =	ssyncset.done $0x0  }
0x4c: {  	[sflag:s13] =	ssyncadd.s32 $0xFFFFFF80  }
0x4d: {  	[tilespmem:s26], [sflag:$0x1] =	stream.linear.gather [hbm4b:s6+s1], $0x80, $0x38;
	[tilespmem:$0x10780] =	vst v63  }
0x4e: {  	_ =	swait.ge [sflag:s13], $0x80  }
0x4f: {  	[sflag:s13] =	ssyncset.done $0x0  }
0x50: {  	[sflag:s13] =	ssyncadd.s32 $0xFFFFFF80  }
0x51: {  	[tilespmem:s28], [sflag:$0x1] =	stream.linear.gather [hbm4b:s7+s1], $0x80, $0x38;
	[tilespmem:$0x10780] =	vst v63  }
0x52: {  	_ =	swait.ge [sflag:s13], $0x80  }
0x53: {  	[sflag:s13] =	ssyncset.done $0x0  }
0x54: {  	[sflag:s13] =	ssyncadd.s32 $0xFFFFFF80  }
0x55: {  	[tilespmem:s29], [sflag:$0x1] =	stream.linear.gather [hbm4b:s8+s1], $0x80, $0x38;
	[tilespmem:$0x10780] =	vst v63  }
0x56: {  	_ =	swait.ge [sflag:s13], $0x80  }
0x57: {  	[sflag:s13] =	ssyncset.done $0x0  }
0x58: {  	[sflag:s13] =	ssyncadd.s32 $0xFFFFFF80  }
0x59: {  	[tilespmem:s30], [sflag:$0x1] =	stream.linear.gather [hbm4b:s9+s1], $0x80, $0x38;
	[tilespmem:$0x10780] =	vst v63  }
0x5a: {  	_ =	swait.ge [sflag:s13], $0x80  }
0x5b: {  	[sflag:s13] =	ssyncset.done $0x0  }
0x5c: {  	[sflag:s13] =	ssyncadd.s32 $0xFFFFFF80  }
0x5d: {  	[tilespmem:s31], [sflag:$0x1] =	stream.linear.gather [hbm4b:s10+s1], $0x80, $0x38;
	[tilespmem:$0x10780] =	vst v63  }
0x5e: {  	_ =	swait.ge [sflag:s13], $0x80  }
0x5f: {  	[sflag:s13] =	ssyncset.done $0x0  }
0x60: {  	[sflag:s13] =	ssyncadd.s32 $0xFFFFFF80  }
0x61: {  	v2 =	vld [tilespmem:$0x10000]  }
0x62: {  	v3 =	vld [tilespmem:$0x10500]  }
0x63: {  	v4 =	vld [tilespmem:$0x10080]  }
0x64: {  	v5 =	vld [tilespmem:$0x10580]  }
0x65: {  	v1 =	vld [tilespmem:$0x10600]  }
0x66: {  	v8 =	vld [tilespmem:$0x10100]  }
0x67: {  	v12 =	vld [tilespmem:$0x10180]  }
0x68: {  	v16 =	vld [tilespmem:$0x10200]  }
0x69: {  	v20 =	vld [tilespmem:$0x10280]  }
0x6a: {  	v25 =	vld [tilespmem:$0x10300]  }
0x6b: {  	v30 =	vld [tilespmem:$0x10400]  }
0x6c: {  	v35 =	vld [tilespmem:$0x10480]  }
0x6d: {  	v6 =	vld.idx.msk [tilespmem:v2+s1+$0x0], $0xffff  }
0x6e: {  	v7 =	vld.idx.msk [tilespmem:v2+s14+$0x0], $0xffff  }
0x6f: {  	v9 =	vld.idx.msk [tilespmem:v2+s15+$0x0], $0xffff  }
0x70: {  	v2 =	vld.idx.msk [tilespmem:v2+s16+$0x0], $0xffff  }
0x71: {  	v10 =	vld.idx.msk [tilespmem:v4+s1+$0x0], $0xffff  }
0x72: {  	v11 =	vld.idx.msk [tilespmem:v4+s14+$0x0], $0xffff  }
0x73: {  	v13 =	vld.idx.msk [tilespmem:v4+s15+$0x0], $0xffff  }
0x74: {  	v4 =	vld.idx.msk [tilespmem:v4+s16+$0x0], $0xffff  }
0x75: {  	v14 =	vld.idx.msk [tilespmem:v8+s1+$0x0], $0xffff  }
0x76: {  	v15 =	vld.idx.msk [tilespmem:v8+s14+$0x0], $0xffff  }
0x77: {  	v17 =	vld.idx.msk [tilespmem:v8+s15+$0x0], $0xffff  }
0x78: {  	v8 =	vld.idx.msk [tilespmem:v8+s16+$0x0], $0xffff  }
0x79: {  	v18 =	vld.idx.msk [tilespmem:v12+s1+$0x0], $0xffff  }
0x7a: {  	v19 =	vld.idx.msk [tilespmem:v12+s14+$0x0], $0xffff  }
0x7b: {  	v21 =	vld.idx.msk [tilespmem:v12+s15+$0x0], $0xffff  }
0x7c: {  	v12 =	vld.idx.msk [tilespmem:v12+s16+$0x0], $0xffff  }
0x7d: {  	v22 =	vld.idx.msk [tilespmem:v16+s1+$0x0], $0xffff  }
0x7e: {  	v23 =	vld.idx.msk [tilespmem:v16+s14+$0x0], $0xffff  }
0x7f: {  	v24 =	vld.idx.msk [tilespmem:v16+s15+$0x0], $0xffff  }
0x80: {  	v16 =	vld.idx.msk [tilespmem:v16+s16+$0x0], $0xffff  }
0x81: {  	v26 =	vld.idx.msk [tilespmem:v20+s1+$0x0], $0xffff  }
0x82: {  	v27 =	vld.idx.msk [tilespmem:v20+s14+$0x0], $0xffff;
	v6 =	vmul.f32 v6, v3  }
0x83: {  	v28 =	vld.idx.msk [tilespmem:v20+s15+$0x0], $0xffff;
	v7 =	vmul.f32 v7, v5;
	v9 =	vmul.f32 v9, v1  }
0x84: {  	v63 =	vld.idx.msk [tilespmem:v20+s16+$0x0], $0xffff;
	v60 =	vmul.f32 v10, v3;
	v61 =	vmul.f32 v11, v5  }
0x85: {  	v31 =	vld.idx.msk [tilespmem:v25+s1+$0x0], $0xffff;
	v62 =	vmul.f32 v13, v1;
	v20 =	vmul.f32 v14, v3  }
0x86: {  	v11 =	vld [tilespmem:$0x10380];
	v29 =	vmul.f32 v15, v5;
	v34 =	vmul.f32 v17, v1;
	v6 =	vadd.f32 v7, v6  }
0x87: {  	v37 =	vld.idx.msk [tilespmem:v25+s14+$0x0], $0xffff;
	v36 =	vmul.f32 v19, v5;
	v38 =	vmul.f32 v22, v3  }
0x88: {  	v40 =	vld.idx.msk [tilespmem:v25+s15+$0x0], $0xffff;
	v39 =	vmul.f32 v23, v5;
	v7 =	vadd.f32 v61, v60;
	v6 =	vadd.f32 v9, v6  }
0x89: {  	v58 =	vld.idx.msk [tilespmem:v30+s15+$0x0], $0xffff;
	v42 =	vmul.f32 v21, v1;
	v45 =	vmul.f32 v24, v1  }
0x8a: {  	v51 =	vld.idx.msk [tilespmem:v30+s1+$0x0], $0xffff;
	v33 =	vadd.f32 v29, v20;
	vm0 =	vgt.f32 v2, v6;
	v2 =	vadd.f32 v62, v7  }
0x8b: {  	v53 =	vld.idx.msk [tilespmem:v30+s14+$0x0], $0xffff;
	v47 =	vmul.f32 v26, v3;
	v48 =	vmul.f32 v27, v5  }
0x8c: {  	v60 =	vld.idx.msk [tilespmem:v35+s15+$0x0], $0xffff;
	v9 =	vadd.f32 v34, v33;
	vm14 =	vgt.f32 v4, v2;
	v2 =	vmul.f32 v18, v3  }
0x8d: {  	v56 =	vld.idx.msk [tilespmem:v35+s14+$0x0], $0xffff;
	v52 =	vmul.f32 v28, v1;
	v57 =	vmul.f32 v37, v5;
	v44 =	vadd.f32 v39, v38  }
0x8e: {  	v26 =	vmul.f32 v58, v1;
	vm15 =	vgt.f32 v8, v9;
	v43 =	vld.idx.msk [tilespmem:v11+s1+$0x0], $0xffff;
	v2 =	vadd.f32 v36, v2  }
0x8f: {  	v8 =	vadd.f32 v45, v44;
	v6 =	vmul.f32 v31, v3;
	v9 =	vmul.f32 v51, v3;
	v46 =	vld.idx.msk [tilespmem:v11+s14+$0x0], $0xffff  }
0x90: {  	v55 =	vld.idx.msk [tilespmem:v35+s1+$0x0], $0xffff;
	v32 =	vsel vm0, $0x1, v0;
	v50 =	vsel vm15, $0x1, v0;
	v2 =	vadd.f32 v42, v2  }
0x91: {  	v24 =	vld.idx.msk [tilespmem:v30+s16+$0x0], $0xffff;
	v29 =	vmul.f32 v60, v1;
	vm5 =	vgt.f32 v16, v8;
	v6 =	vadd.f32 v57, v6  }
0x92: {  	v49 =	vld.idx.msk [tilespmem:v11+s15+$0x0], $0xffff;
	v41 =	vsel vm14, $0x1, v0;
	vm4 =	vgt.f32 v12, v2;
	v2 =	vadd.f32 v48, v47  }
0x93: {  	v27 =	vld.idx.msk [tilespmem:v35+s16+$0x0], $0xffff;
	v4 =	vmul.f32 v56, v5;
	v16 =	vsel vm5, $0x1, v0;
	v7 =	vadd.s32 v32, v41  }
0x94: {  	v30 =	vld [tilespmem:$0x10680];
	v59 =	vmul.f32 v43, v3;
	v13 =	vmul.f32 v46, v5;
	v2 =	vadd.f32 v52, v2  }
0x95: {  	v62 =	vld.idx.msk [tilespmem:v25+s16+$0x0], $0xffff;
	v7 =	vadd.s32 v50, v7;
	v3 =	vmul.f32 v55, v3;
	v12 =	vmul.f32 v53, v5  }
0x96: {  	v11 =	vld.idx.msk [tilespmem:v11+s16+$0x0], $0xffff;
	v54 =	vsel vm4, $0x1, v0;
	vm6 =	vgt.f32 v63, v2;
	v2 =	vmul.f32 v40, v1  }
0x97: {  	v37 =	vld [tilespmem:$0x10090];
	v10 =	vadd.f32 v13, v59;
	v3 =	vadd.f32 v4, v3;
	v63 =	vmul.f32 v49, v1  }
0x98: {  	v44 =	vld [tilespmem:$0x10190];
	v7 =	vadd.s32 v54, v7;
	v25 =	vadd.f32 v12, v9;
	v2 =	vadd.f32 v2, v6  }
0x99: {  	v48 =	vld [tilespmem:$0x10210];
	v7 =	vadd.s32 v16, v7;
	v3 =	vadd.f32 v29, v3;
	v28 =	vadd.f32 v63, v10  }
0x9a: {  	v52 =	vld [tilespmem:$0x10290];
	v61 =	vsel vm6, $0x1, v0;
	vm7 =	vgt.f32 v62, v2;
	v2 =	vadd.f32 v26, v25  }
0x9b: {  	v40 =	vld [tilespmem:$0x10110];
	v7 =	vadd.s32 v61, v7;
	vm8 =	vgt.f32 v11, v28;
	v31 =	vsel vm7, $0x1, v0  }
0x9c: {  	v33 =	vsel vm8, $0x1, v0;
	v32 =	vadd.s32 v31, v7;
	vm9 =	vgt.f32 v24, v2;
	v2 =	vld [tilespmem:$0x10010]  }
0x9d: {  	vm10 =	vgt.f32 v27, v3;
	v25 =	vld [tilespmem:$0x10310];
	v4 =	vadd.s32 v33, v32;
	v34 =	vsel vm9, $0x1, v0  }
0x9e: {  	v35 =	vsel vm10, $0x1, v0;
	v11 =	vld [tilespmem:$0x10390];
	v3 =	vadd.s32 v34, v4  }
0x9f: {  	v36 =	vsub.f32 $0.0e+00, v30;
	v31 =	vld [tilespmem:$0x10410];
	v3 =	vadd.s32 v35, v3  }
0xa0: {  	vm11 =	vgt.u32 v3, $0x8;
	v3 =	vld [tilespmem:$0x10510]  }
0xa1: {  	v4 =	vsel vm11, v36, v30;
	v36 =	vld [tilespmem:$0x10490]  }
0xa2: {  	v1 =	vmin.f32 v1, v4;
	v4 =	vld [tilespmem:$0x10590]  }
0xa3: {  	[tilespmem:$0x10700] =	vst v1;
	v1 =	vld [tilespmem:$0x10610]  }
0xa4: {  	v38 =	vld.idx.msk [tilespmem:v2+s1+$0x0], $0xffff  }
0xa5: {  	v39 =	vld.idx.msk [tilespmem:v2+s14+$0x0], $0xffff  }
0xa6: {  	v41 =	vld.idx.msk [tilespmem:v2+s15+$0x0], $0xffff  }
0xa7: {  	v2 =	vld.idx.msk [tilespmem:v2+s16+$0x0], $0xffff  }
0xa8: {  	v42 =	vld.idx.msk [tilespmem:v37+s1+$0x0], $0xffff  }
0xa9: {  	v43 =	vld.idx.msk [tilespmem:v37+s14+$0x0], $0xffff  }
0xaa: {  	v45 =	vld.idx.msk [tilespmem:v37+s15+$0x0], $0xffff  }
0xab: {  	v5 =	vld.idx.msk [tilespmem:v37+s16+$0x0], $0xffff  }
0xac: {  	v46 =	vld.idx.msk [tilespmem:v40+s1+$0x0], $0xffff  }
0xad: {  	v47 =	vld.idx.msk [tilespmem:v40+s14+$0x0], $0xffff  }
0xae: {  	v49 =	vld.idx.msk [tilespmem:v40+s15+$0x0], $0xffff  }
0xaf: {  	v8 =	vld.idx.msk [tilespmem:v40+s16+$0x0], $0xffff  }
0xb0: {  	v50 =	vld.idx.msk [tilespmem:v44+s1+$0x0], $0xffff  }
0xb1: {  	v51 =	vld.idx.msk [tilespmem:v44+s14+$0x0], $0xffff  }
0xb2: {  	v53 =	vld.idx.msk [tilespmem:v44+s15+$0x0], $0xffff  }
0xb3: {  	v12 =	vld.idx.msk [tilespmem:v44+s16+$0x0], $0xffff  }
0xb4: {  	v54 =	vld.idx.msk [tilespmem:v48+s1+$0x0], $0xffff  }
0xb5: {  	v55 =	vld.idx.msk [tilespmem:v48+s14+$0x0], $0xffff  }
0xb6: {  	v56 =	vld.idx.msk [tilespmem:v48+s15+$0x0], $0xffff  }
0xb7: {  	v16 =	vld.idx.msk [tilespmem:v48+s16+$0x0], $0xffff  }
0xb8: {  	v57 =	vld.idx.msk [tilespmem:v52+s1+$0x0], $0xffff;
	v6 =	vmul.f32 v38, v3  }
0xb9: {  	v58 =	vld.idx.msk [tilespmem:v52+s14+$0x0], $0xffff;
	v7 =	vmul.f32 v39, v4;
	v9 =	vmul.f32 v41, v1  }
0xba: {  	v61 =	vld.idx.msk [tilespmem:v52+s15+$0x0], $0xffff;
	v59 =	vmul.f32 v42, v3;
	v60 =	vmul.f32 v43, v4  }
0xbb: {  	v63 =	vld.idx.msk [tilespmem:v52+s16+$0x0], $0xffff;
	v62 =	vmul.f32 v45, v1;
	v29 =	vmul.f32 v46, v3;
	v6 =	vadd.f32 v7, v6  }
0xbc: {  	v32 =	vld.idx.msk [tilespmem:v25+s1+$0x0], $0xffff;
	v30 =	vmul.f32 v47, v4;
	v35 =	vmul.f32 v49, v1  }
0xbd: {  	v44 =	vld.idx.msk [tilespmem:v11+s1+$0x0], $0xffff;
	v37 =	vmul.f32 v51, v4;
	v7 =	vadd.f32 v60, v59;
	v6 =	vadd.f32 v9, v6  }
0xbe: {  	v38 =	vld.idx.msk [tilespmem:v25+s14+$0x0], $0xffff;
	v39 =	vmul.f32 v54, v3;
	v40 =	vmul.f32 v55, v4  }
0xbf: {  	v43 =	vmul.f32 v53, v1;
	v47 =	vld.idx.msk [tilespmem:v11+s14+$0x0], $0xffff;
	vm12 =	vgt.f32 v2, v6;
	v2 =	vadd.f32 v62, v7  }
0xc0: {  	v46 =	vmul.f32 v56, v1;
	v53 =	vmul.f32 v61, v1;
	v61 =	vld.idx.msk [tilespmem:v36+s15+$0x0], $0xffff  }
0xc1: {  	v52 =	vld.idx.msk [tilespmem:v31+s1+$0x0], $0xffff;
	v34 =	vadd.f32 v30, v29;
	vm13 =	vgt.f32 v5, v2;
	v2 =	vmul.f32 v50, v3  }
0xc2: {  	v41 =	vld.idx.msk [tilespmem:v25+s15+$0x0], $0xffff;
	v48 =	vmul.f32 v57, v3;
	v49 =	vmul.f32 v58, v4  }
0xc3: {  	v59 =	vld.idx.msk [tilespmem:v31+s15+$0x0], $0xffff;
	v60 =	vmul.f32 v44, v3;
	v9 =	vadd.f32 v35, v34;
	v2 =	vadd.f32 v37, v2  }
0xc4: {  	v54 =	vld.idx.msk [tilespmem:v31+s14+$0x0], $0xffff;
	v45 =	vadd.f32 v40, v39;
	v58 =	vmul.f32 v38, v4;
	v13 =	vmul.f32 v47, v4  }
0xc5: {  	v56 =	vld.idx.msk [tilespmem:v36+s1+$0x0], $0xffff;
	v30 =	vmul.f32 v61, v1;
	vm14 =	vgt.f32 v8, v9;
	v2 =	vadd.f32 v43, v2  }
0xc6: {  	v8 =	vadd.f32 v46, v45;
	v6 =	vmul.f32 v32, v3;
	v9 =	vmul.f32 v52, v3;
	v50 =	vld.idx.msk [tilespmem:v11+s15+$0x0], $0xffff  }
0xc7: {  	v57 =	vld.idx.msk [tilespmem:v36+s14+$0x0], $0xffff;
	v33 =	vsel vm12, $0x1, v0;
	vm15 =	vgt.f32 v12, v2;
	v2 =	vadd.f32 v49, v48  }
0xc8: {  	v28 =	vld.idx.msk [tilespmem:v36+s16+$0x0], $0xffff;
	v51 =	vsel vm14, $0x1, v0;
	v10 =	vadd.f32 v13, v60;
	v27 =	vmul.f32 v59, v1  }
0xc9: {  	v38 =	vld [tilespmem:$0x100A0];
	vm4 =	vgt.f32 v16, v8;
	v6 =	vadd.f32 v58, v6;
	v2 =	vadd.f32 v53, v2  }
0xca: {  	v11 =	vld.idx.msk [tilespmem:v11+s16+$0x0], $0xffff;
	v3 =	vmul.f32 v56, v3;
	v42 =	vsel vm13, $0x1, v0;
	v16 =	vsel vm4, $0x1, v0  }
0xcb: {  	v7 =	vadd.s32 v33, v42;
	v24 =	vmul.f32 v50, v1;
	vm5 =	vgt.f32 v63, v2;
	v63 =	vld.idx.msk [tilespmem:v25+s16+$0x0], $0xffff  }
0xcc: {  	v45 =	vld [tilespmem:$0x101A0];
	v7 =	vadd.s32 v51, v7;
	v12 =	vmul.f32 v54, v4;
	v2 =	vmul.f32 v41, v1  }
0xcd: {  	v4 =	vmul.f32 v57, v4;
	v55 =	vsel vm15, $0x1, v0;
	v29 =	vadd.f32 v24, v10;
	v25 =	vld.idx.msk [tilespmem:v31+s16+$0x0], $0xffff  }
0xce: {  	v49 =	vld [tilespmem:$0x10220];
	v7 =	vadd.s32 v55, v7;
	v26 =	vadd.f32 v12, v9;
	v2 =	vadd.f32 v2, v6  }
0xcf: {  	v3 =	vadd.f32 v4, v3;
	v53 =	vld [tilespmem:$0x102A0];
	v7 =	vadd.s32 v16, v7;
	vm7 =	vgt.f32 v11, v29  }
0xd0: {  	v31 =	vld [tilespmem:$0x10690];
	v62 =	vsel vm5, $0x1, v0;
	vm6 =	vgt.f32 v63, v2;
	v2 =	vadd.f32 v27, v26  }
0xd1: {  	v11 =	vld [tilespmem:$0x103A0];
	v3 =	vadd.f32 v30, v3;
	v7 =	vadd.s32 v62, v7;
	v32 =	vsel vm6, $0x1, v0  }
0xd2: {  	v34 =	vsel vm7, $0x1, v0;
	v33 =	vadd.s32 v32, v7;
	vm8 =	vgt.f32 v25, v2;
	v2 =	vld [tilespmem:$0x10020]  }
0xd3: {  	v41 =	vld [tilespmem:$0x10120];
	vm9 =	vgt.f32 v28, v3;
	v4 =	vadd.s32 v34, v33;
	v35 =	vsel vm8, $0x1, v0  }
0xd4: {  	v36 =	vsel vm9, $0x1, v0;
	v25 =	vld [tilespmem:$0x10320];
	v3 =	vadd.s32 v35, v4  }
0xd5: {  	v37 =	vsub.f32 $0.0e+00, v31;
	v32 =	vld [tilespmem:$0x10420];
	v3 =	vadd.s32 v36, v3  }
0xd6: {  	vm10 =	vgt.u32 v3, $0x8;
	v3 =	vld [tilespmem:$0x10520]  }
0xd7: {  	v4 =	vsel vm10, v37, v31;
	v37 =	vld [tilespmem:$0x104A0]  }
0xd8: {  	v1 =	vmin.f32 v1, v4;
	v4 =	vld [tilespmem:$0x105A0]  }
0xd9: {  	[tilespmem:$0x10710] =	vst v1;
	v1 =	vld [tilespmem:$0x10620]  }
0xda: {  	v39 =	vld.idx.msk [tilespmem:v2+s1+$0x0], $0xffff  }
0xdb: {  	v40 =	vld.idx.msk [tilespmem:v2+s14+$0x0], $0xffff  }
0xdc: {  	v42 =	vld.idx.msk [tilespmem:v2+s15+$0x0], $0xffff  }
0xdd: {  	v2 =	vld.idx.msk [tilespmem:v2+s16+$0x0], $0xffff  }
0xde: {  	v43 =	vld.idx.msk [tilespmem:v38+s1+$0x0], $0xffff  }
0xdf: {  	v44 =	vld.idx.msk [tilespmem:v38+s14+$0x0], $0xffff  }
0xe0: {  	v46 =	vld.idx.msk [tilespmem:v38+s15+$0x0], $0xffff  }
0xe1: {  	v5 =	vld.idx.msk [tilespmem:v38+s16+$0x0], $0xffff  }
0xe2: {  	v47 =	vld.idx.msk [tilespmem:v41+s1+$0x0], $0xffff  }
0xe3: {  	v48 =	vld.idx.msk [tilespmem:v41+s14+$0x0], $0xffff  }
0xe4: {  	v50 =	vld.idx.msk [tilespmem:v41+s15+$0x0], $0xffff  }
0xe5: {  	v8 =	vld.idx.msk [tilespmem:v41+s16+$0x0], $0xffff  }
0xe6: {  	v51 =	vld.idx.msk [tilespmem:v45+s1+$0x0], $0xffff  }
0xe7: {  	v52 =	vld.idx.msk [tilespmem:v45+s14+$0x0], $0xffff  }
0xe8: {  	v54 =	vld.idx.msk [tilespmem:v45+s15+$0x0], $0xffff  }
0xe9: {  	v12 =	vld.idx.msk [tilespmem:v45+s16+$0x0], $0xffff  }
0xea: {  	v55 =	vld.idx.msk [tilespmem:v49+s1+$0x0], $0xffff  }
0xeb: {  	v56 =	vld.idx.msk [tilespmem:v49+s14+$0x0], $0xffff  }
0xec: {  	v57 =	vld.idx.msk [tilespmem:v49+s15+$0x0], $0xffff  }
0xed: {  	v16 =	vld.idx.msk [tilespmem:v49+s16+$0x0], $0xffff  }
0xee: {  	v58 =	vld.idx.msk [tilespmem:v53+s1+$0x0], $0xffff  }
0xef: {  	v59 =	vld.idx.msk [tilespmem:v53+s14+$0x0], $0xffff;
	v6 =	vmul.f32 v39, v3;
	v7 =	vmul.f32 v40, v4  }
0xf0: {  	v62 =	vld.idx.msk [tilespmem:v53+s15+$0x0], $0xffff;
	v9 =	vmul.f32 v42, v1;
	v60 =	vmul.f32 v43, v3  }
0xf1: {  	v29 =	vld.idx.msk [tilespmem:v53+s16+$0x0], $0xffff;
	v61 =	vmul.f32 v44, v4;
	v63 =	vmul.f32 v46, v1  }
0xf2: {  	v33 =	vld.idx.msk [tilespmem:v25+s1+$0x0], $0xffff;
	v30 =	vmul.f32 v47, v3;
	v31 =	vmul.f32 v48, v4;
	v6 =	vadd.f32 v7, v6  }
0xf3: {  	v45 =	vld.idx.msk [tilespmem:v11+s1+$0x0], $0xffff;
	v36 =	vmul.f32 v50, v1;
	v38 =	vmul.f32 v52, v4  }
0xf4: {  	v39 =	vld.idx.msk [tilespmem:v25+s14+$0x0], $0xffff;
	v40 =	vmul.f32 v55, v3;
	v7 =	vadd.f32 v61, v60;
	v6 =	vadd.f32 v9, v6  }
0xf5: {  	v41 =	vmul.f32 v56, v4;
	v44 =	vmul.f32 v54, v1;
	v48 =	vld.idx.msk [tilespmem:v11+s14+$0x0], $0xffff  }
0xf6: {  	v54 =	vmul.f32 v62, v1;
	v62 =	vld.idx.msk [tilespmem:v37+s15+$0x0], $0xffff;
	vm11 =	vgt.f32 v2, v6;
	v2 =	vadd.f32 v63, v7  }
0xf7: {  	v53 =	vld.idx.msk [tilespmem:v32+s1+$0x0], $0xffff;
	v47 =	vmul.f32 v57, v1;
	v49 =	vmul.f32 v58, v3;
	v35 =	vadd.f32 v31, v30  }
0xf8: {  	v24 =	vld.idx.msk [tilespmem:v25+s16+$0x0], $0xffff;
	v50 =	vmul.f32 v59, v4;
	vm12 =	vgt.f32 v5, v2;
	v2 =	vmul.f32 v51, v3  }
0xf9: {  	v46 =	vadd.f32 v41, v40;
	v60 =	vld.idx.msk [tilespmem:v32+s15+$0x0], $0xffff;
	v61 =	vmul.f32 v45, v3;
	v9 =	vadd.f32 v36, v35  }
0xfa: {  	v42 =	vld.idx.msk [tilespmem:v25+s15+$0x0], $0xffff;
	v59 =	vmul.f32 v39, v4;
	v13 =	vmul.f32 v48, v4;
	v2 =	vadd.f32 v38, v2  }
0xfb: {  	v57 =	vld.idx.msk [tilespmem:v37+s1+$0x0], $0xffff;
	v31 =	vmul.f32 v62, v1;
	vm13 =	vgt.f32 v8, v9;
	v8 =	vadd.f32 v47, v46  }
0xfc: {  	v6 =	vmul.f32 v33, v3;
	v9 =	vmul.f32 v53, v3;
	v51 =	vld.idx.msk [tilespmem:v11+s15+$0x0], $0xffff;
	v2 =	vadd.f32 v44, v2  }
0xfd: {  	v55 =	vld.idx.msk [tilespmem:v32+s14+$0x0], $0xffff;
	v34 =	vsel vm11, $0x1, v0;
	v52 =	vsel vm13, $0x1, v0;
	v10 =	vadd.f32 v13, v61  }
0xfe: {  	v58 =	vld.idx.msk [tilespmem:v37+s14+$0x0], $0xffff;
	v28 =	vmul.f32 v60, v1;
	vm14 =	vgt.f32 v12, v2;
	v2 =	vadd.f32 v50, v49  }
0xff: {  	v26 =	vld.idx.msk [tilespmem:v32+s16+$0x0], $0xffff;
	vm15 =	vgt.f32 v16, v8;
	v6 =	vadd.f32 v59, v6;
	v43 =	vsel vm12, $0x1, v0  }
0x100: {  	v11 =	vld.idx.msk [tilespmem:v11+s16+$0x0], $0xffff;
	v3 =	vmul.f32 v57, v3;
	v7 =	vadd.s32 v34, v43;
	v2 =	vadd.f32 v54, v2  }
0x101: {  	v32 =	vld [tilespmem:$0x106A0];
	v16 =	vsel vm15, $0x1, v0;
	v7 =	vadd.s32 v52, v7;
	v25 =	vmul.f32 v51, v1  }
0x102: {  	v39 =	vld [tilespmem:$0x100B0];
	v12 =	vmul.f32 v55, v4;
	vm4 =	vgt.f32 v29, v2;
	v2 =	vmul.f32 v42, v1  }
0x103: {  	v46 =	vld [tilespmem:$0x101B0];
	v4 =	vmul.f32 v58, v4;
	v56 =	vsel vm14, $0x1, v0;
	v30 =	vadd.f32 v25, v10  }
0x104: {  	v7 =	vadd.s32 v56, v7;
	v27 =	vadd.f32 v12, v9;
	v29 =	vld.idx.msk [tilespmem:v37+s16+$0x0], $0xffff;
	v2 =	vadd.f32 v2, v6  }
0x105: {  	v50 =	vld [tilespmem:$0x10230];
	v3 =	vadd.f32 v4, v3;
	v7 =	vadd.s32 v16, v7;
	vm6 =	vgt.f32 v11, v30  }
0x106: {  	v25 =	vld [tilespmem:$0x10330];
	v63 =	vsel vm4, $0x1, v0;
	vm5 =	vgt.f32 v24, v2;
	v2 =	vadd.f32 v28, v27  }
0x107: {  	v54 =	vld [tilespmem:$0x102B0];
	v3 =	vadd.f32 v31, v3;
	v7 =	vadd.s32 v63, v7;
	v33 =	vsel vm5, $0x1, v0  }
0x108: {  	v35 =	vsel vm6, $0x1, v0;
	v34 =	vadd.s32 v33, v7;
	vm7 =	vgt.f32 v26, v2;
	v2 =	vld [tilespmem:$0x10030]  }
0x109: {  	v11 =	vld [tilespmem:$0x103B0];
	vm8 =	vgt.f32 v29, v3;
	v4 =	vadd.s32 v35, v34;
	v36 =	vsel vm7, $0x1, v0  }
0x10a: {  	v42 =	vld [tilespmem:$0x10130];
	v37 =	vsel vm8, $0x1, v0;
	v3 =	vadd.s32 v36, v4  }
0x10b: {  	v38 =	vsub.f32 $0.0e+00, v32;
	v33 =	vld [tilespmem:$0x10430];
	v3 =	vadd.s32 v37, v3  }
0x10c: {  	vm9 =	vgt.u32 v3, $0x8;
	v3 =	vld [tilespmem:$0x10530]  }
0x10d: {  	v4 =	vsel vm9, v38, v32;
	v38 =	vld [tilespmem:$0x104B0]  }
0x10e: {  	v1 =	vmin.f32 v1, v4;
	v4 =	vld [tilespmem:$0x105B0]  }
0x10f: {  	[tilespmem:$0x10720] =	vst v1;
	v1 =	vld [tilespmem:$0x10630]  }
0x110: {  	v40 =	vld.idx.msk [tilespmem:v2+s1+$0x0], $0xffff  }
0x111: {  	v41 =	vld.idx.msk [tilespmem:v2+s14+$0x0], $0xffff  }
0x112: {  	v43 =	vld.idx.msk [tilespmem:v2+s15+$0x0], $0xffff  }
0x113: {  	v2 =	vld.idx.msk [tilespmem:v2+s16+$0x0], $0xffff  }
0x114: {  	v44 =	vld.idx.msk [tilespmem:v39+s1+$0x0], $0xffff  }
0x115: {  	v45 =	vld.idx.msk [tilespmem:v39+s14+$0x0], $0xffff  }
0x116: {  	v47 =	vld.idx.msk [tilespmem:v39+s15+$0x0], $0xffff  }
0x117: {  	v5 =	vld.idx.msk [tilespmem:v39+s16+$0x0], $0xffff  }
0x118: {  	v48 =	vld.idx.msk [tilespmem:v42+s1+$0x0], $0xffff  }
0x119: {  	v49 =	vld.idx.msk [tilespmem:v42+s14+$0x0], $0xffff  }
0x11a: {  	v51 =	vld.idx.msk [tilespmem:v42+s15+$0x0], $0xffff  }
0x11b: {  	v8 =	vld.idx.msk [tilespmem:v42+s16+$0x0], $0xffff  }
0x11c: {  	v52 =	vld.idx.msk [tilespmem:v46+s1+$0x0], $0xffff  }
0x11d: {  	v53 =	vld.idx.msk [tilespmem:v46+s14+$0x0], $0xffff  }
0x11e: {  	v55 =	vld.idx.msk [tilespmem:v46+s15+$0x0], $0xffff  }
0x11f: {  	v12 =	vld.idx.msk [tilespmem:v46+s16+$0x0], $0xffff  }
0x120: {  	v56 =	vld.idx.msk [tilespmem:v50+s1+$0x0], $0xffff  }
0x121: {  	v57 =	vld.idx.msk [tilespmem:v50+s14+$0x0], $0xffff  }
0x122: {  	v58 =	vld.idx.msk [tilespmem:v50+s15+$0x0], $0xffff  }
0x123: {  	v16 =	vld.idx.msk [tilespmem:v50+s16+$0x0], $0xffff  }
0x124: {  	v59 =	vld.idx.msk [tilespmem:v54+s1+$0x0], $0xffff  }
0x125: {  	v60 =	vld.idx.msk [tilespmem:v54+s14+$0x0], $0xffff;
	v6 =	vmul.f32 v40, v3;
	v7 =	vmul.f32 v41, v4  }
0x126: {  	v63 =	vld.idx.msk [tilespmem:v54+s15+$0x0], $0xffff;
	v9 =	vmul.f32 v43, v1;
	v61 =	vmul.f32 v44, v3  }
0x127: {  	v30 =	vld.idx.msk [tilespmem:v54+s16+$0x0], $0xffff;
	v62 =	vmul.f32 v45, v4;
	v29 =	vmul.f32 v47, v1  }
0x128: {  	v34 =	vld.idx.msk [tilespmem:v25+s1+$0x0], $0xffff;
	v31 =	vmul.f32 v48, v3;
	v32 =	vmul.f32 v49, v4;
	v6 =	vadd.f32 v7, v6  }
0x129: {  	v46 =	vld.idx.msk [tilespmem:v11+s1+$0x0], $0xffff;
	v37 =	vmul.f32 v51, v1;
	v39 =	vmul.f32 v53, v4  }
0x12a: {  	v40 =	vld.idx.msk [tilespmem:v25+s14+$0x0], $0xffff;
	v41 =	vmul.f32 v56, v3;
	v7 =	vadd.f32 v62, v61;
	v6 =	vadd.f32 v9, v6  }
0x12b: {  	v42 =	vmul.f32 v57, v4;
	v45 =	vmul.f32 v55, v1;
	v49 =	vld.idx.msk [tilespmem:v11+s14+$0x0], $0xffff  }
0x12c: {  	v55 =	vmul.f32 v63, v1;
	v63 =	vld.idx.msk [tilespmem:v38+s15+$0x0], $0xffff;
	vm10 =	vgt.f32 v2, v6;
	v2 =	vadd.f32 v29, v7  }
0x12d: {  	v54 =	vld.idx.msk [tilespmem:v33+s1+$0x0], $0xffff;
	v48 =	vmul.f32 v58, v1;
	v50 =	vmul.f32 v59, v3;
	v36 =	vadd.f32 v32, v31  }
0x12e: {  	v28 =	vld.idx.msk [tilespmem:v33+s16+$0x0], $0xffff;
	v51 =	vmul.f32 v60, v4;
	vm11 =	vgt.f32 v5, v2;
	v2 =	vmul.f32 v52, v3  }
0x12f: {  	v56 =	vld.idx.msk [tilespmem:v33+s14+$0x0], $0xffff;
	v47 =	vadd.f32 v42, v41;
	v62 =	vmul.f32 v46, v3;
	v9 =	vadd.f32 v37, v36  }
0x130: {  	v58 =	vld.idx.msk [tilespmem:v38+s1+$0x0], $0xffff;
	v60 =	vmul.f32 v40, v4;
	v13 =	vmul.f32 v49, v4;
	v2 =	vadd.f32 v39, v2  }
0x131: {  	v61 =	vld.idx.msk [tilespmem:v33+s15+$0x0], $0xffff;
	v33 =	vmul.f32 v63, v1;
	vm12 =	vgt.f32 v8, v9;
	v8 =	vadd.f32 v48, v47  }
0x132: {  	v6 =	vmul.f32 v34, v3;
	v9 =	vmul.f32 v54, v3;
	v52 =	vld.idx.msk [tilespmem:v11+s15+$0x0], $0xffff;
	v2 =	vadd.f32 v45, v2  }
0x133: {  	v43 =	vld.idx.msk [tilespmem:v25+s15+$0x0], $0xffff;
	v35 =	vsel vm10, $0x1, v0;
	v53 =	vsel vm12, $0x1, v0;
	v10 =	vadd.f32 v13, v62  }
0x134: {  	v59 =	vld.idx.msk [tilespmem:v38+s14+$0x0], $0xffff;
	vm14 =	vgt.f32 v16, v8;
	vm13 =	vgt.f32 v12, v2;
	v2 =	vadd.f32 v51, v50  }
0x135: {  	v6 =	vadd.f32 v60, v6;
	v3 =	vmul.f32 v58, v3;
	v44 =	vsel vm11, $0x1, v0  }
0x136: {  	v11 =	vld.idx.msk [tilespmem:v11+s16+$0x0], $0xffff;
	v16 =	vsel vm14, $0x1, v0;
	v7 =	vadd.s32 v35, v44;
	v2 =	vadd.f32 v55, v2  }
0x137: {  	v26 =	vld.idx.msk [tilespmem:v25+s16+$0x0], $0xffff;
	v7 =	vadd.s32 v53, v7;
	v27 =	vmul.f32 v52, v1;
	v12 =	vmul.f32 v56, v4  }
0x138: {  	v25 =	vld [tilespmem:$0x10340];
	v57 =	vsel vm13, $0x1, v0;
	vm15 =	vgt.f32 v30, v2;
	v2 =	vmul.f32 v43, v1  }
0x139: {  	v31 =	vld.idx.msk [tilespmem:v38+s16+$0x0], $0xffff;
	v4 =	vmul.f32 v59, v4;
	v32 =	vadd.f32 v27, v10;
	v7 =	vadd.s32 v57, v7  }
0x13a: {  	v41 =	vld [tilespmem:$0x100C0];
	v29 =	vadd.f32 v12, v9;
	v30 =	vmul.f32 v61, v1;
	v2 =	vadd.f32 v2, v6  }
0x13b: {  	v34 =	vld [tilespmem:$0x106B0];
	v3 =	vadd.f32 v4, v3;
	v7 =	vadd.s32 v16, v7;
	vm5 =	vgt.f32 v11, v32  }
0x13c: {  	v48 =	vld [tilespmem:$0x101C0];
	v24 =	vsel vm15, $0x1, v0;
	vm4 =	vgt.f32 v26, v2;
	v2 =	vadd.f32 v30, v29  }
0x13d: {  	v44 =	vld [tilespmem:$0x10140];
	v3 =	vadd.f32 v33, v3;
	v7 =	vadd.s32 v24, v7;
	v35 =	vsel vm4, $0x1, v0  }
0x13e: {  	v37 =	vsel vm5, $0x1, v0;
	v36 =	vadd.s32 v35, v7;
	vm6 =	vgt.f32 v28, v2;
	v2 =	vld [tilespmem:$0x10040]  }
0x13f: {  	v52 =	vld [tilespmem:$0x10240];
	vm7 =	vgt.f32 v31, v3;
	v4 =	vadd.s32 v37, v36;
	v38 =	vsel vm6, $0x1, v0  }
0x140: {  	v56 =	vld [tilespmem:$0x102C0];
	v39 =	vsel vm7, $0x1, v0;
	v3 =	vadd.s32 v38, v4  }
0x141: {  	v40 =	vsub.f32 $0.0e+00, v34;
	v11 =	vld [tilespmem:$0x103C0];
	v3 =	vadd.s32 v39, v3  }
0x142: {  	v38 =	vld [tilespmem:$0x10440];
	vm8 =	vgt.u32 v3, $0x8  }
0x143: {  	v3 =	vld [tilespmem:$0x10540];
	v4 =	vsel vm8, v40, v34  }
0x144: {  	v1 =	vmin.f32 v1, v4;
	v4 =	vld [tilespmem:$0x105C0]  }
0x145: {  	[tilespmem:$0x10730] =	vst v1;
	v1 =	vld [tilespmem:$0x10640]  }
0x146: {  	v42 =	vld.idx.msk [tilespmem:v2+s1+$0x0], $0xffff  }
0x147: {  	v43 =	vld.idx.msk [tilespmem:v2+s14+$0x0], $0xffff  }
0x148: {  	v45 =	vld.idx.msk [tilespmem:v2+s15+$0x0], $0xffff  }
0x149: {  	v2 =	vld.idx.msk [tilespmem:v2+s16+$0x0], $0xffff  }
0x14a: {  	v46 =	vld.idx.msk [tilespmem:v41+s1+$0x0], $0xffff  }
0x14b: {  	v47 =	vld.idx.msk [tilespmem:v41+s14+$0x0], $0xffff  }
0x14c: {  	v49 =	vld.idx.msk [tilespmem:v41+s15+$0x0], $0xffff  }
0x14d: {  	v5 =	vld.idx.msk [tilespmem:v41+s16+$0x0], $0xffff  }
0x14e: {  	v50 =	vld.idx.msk [tilespmem:v44+s1+$0x0], $0xffff  }
0x14f: {  	v51 =	vld.idx.msk [tilespmem:v44+s14+$0x0], $0xffff  }
0x150: {  	v53 =	vld.idx.msk [tilespmem:v44+s15+$0x0], $0xffff  }
0x151: {  	v8 =	vld.idx.msk [tilespmem:v44+s16+$0x0], $0xffff  }
0x152: {  	v54 =	vld.idx.msk [tilespmem:v48+s1+$0x0], $0xffff  }
0x153: {  	v55 =	vld.idx.msk [tilespmem:v48+s14+$0x0], $0xffff  }
0x154: {  	v57 =	vld.idx.msk [tilespmem:v48+s15+$0x0], $0xffff  }
0x155: {  	v12 =	vld.idx.msk [tilespmem:v48+s16+$0x0], $0xffff  }
0x156: {  	v58 =	vld.idx.msk [tilespmem:v52+s1+$0x0], $0xffff  }
0x157: {  	v59 =	vld.idx.msk [tilespmem:v52+s14+$0x0], $0xffff  }
0x158: {  	v60 =	vld.idx.msk [tilespmem:v52+s15+$0x0], $0xffff  }
0x159: {  	v16 =	vld.idx.msk [tilespmem:v52+s16+$0x0], $0xffff  }
0x15a: {  	v61 =	vld.idx.msk [tilespmem:v56+s1+$0x0], $0xffff  }
0x15b: {  	v62 =	vld.idx.msk [tilespmem:v56+s14+$0x0], $0xffff;
	v6 =	vmul.f32 v42, v3;
	v7 =	vmul.f32 v43, v4  }
0x15c: {  	v33 =	vld.idx.msk [tilespmem:v56+s15+$0x0], $0xffff;
	v9 =	vmul.f32 v45, v1;
	v63 =	vmul.f32 v46, v3  }
0x15d: {  	v35 =	vld.idx.msk [tilespmem:v56+s16+$0x0], $0xffff;
	v32 =	vmul.f32 v47, v4;
	v34 =	vmul.f32 v49, v1  }
0x15e: {  	v36 =	vmul.f32 v50, v3;
	v37 =	vmul.f32 v51, v4;
	v43 =	vld [tilespmem:$0x104C0];
	v6 =	vadd.f32 v7, v6  }
0x15f: {  	v42 =	vmul.f32 v53, v1;
	v44 =	vmul.f32 v55, v4;
	v45 =	vld.idx.msk [tilespmem:v25+s14+$0x0], $0xffff  }
0x160: {  	v46 =	vmul.f32 v58, v3;
	v51 =	vld.idx.msk [tilespmem:v11+s1+$0x0], $0xffff;
	v7 =	vadd.f32 v32, v63;
	v6 =	vadd.f32 v9, v6  }
0x161: {  	v47 =	vmul.f32 v59, v4;
	v50 =	vmul.f32 v57, v1;
	v57 =	vld.idx.msk [tilespmem:v11+s15+$0x0], $0xffff  }
0x162: {  	v39 =	vld.idx.msk [tilespmem:v25+s1+$0x0], $0xffff;
	v53 =	vmul.f32 v60, v1;
	vm9 =	vgt.f32 v2, v6;
	v2 =	vadd.f32 v34, v7  }
0x163: {  	v55 =	vmul.f32 v61, v3;
	v56 =	vmul.f32 v62, v4;
	v59 =	vld.idx.msk [tilespmem:v38+s1+$0x0], $0xffff;
	v41 =	vadd.f32 v37, v36  }
0x164: {  	v60 =	vmul.f32 v33, v1;
	v61 =	vld.idx.msk [tilespmem:v38+s14+$0x0], $0xffff;
	vm10 =	vgt.f32 v5, v2;
	v2 =	vmul.f32 v54, v3  }
0x165: {  	v52 =	vadd.f32 v47, v46;
	v9 =	vadd.f32 v42, v41;
	v26 =	vmul.f32 v45, v4;
	v54 =	vld.idx.msk [tilespmem:v11+s14+$0x0], $0xffff  }
0x166: {  	v28 =	vmul.f32 v51, v3;
	v32 =	vmul.f32 v57, v1;
	v63 =	vld.idx.msk [tilespmem:v43+s1+$0x0], $0xffff;
	v2 =	vadd.f32 v44, v2  }
0x167: {  	vm11 =	vgt.f32 v8, v9;
	v8 =	vadd.f32 v53, v52;
	v6 =	vmul.f32 v39, v3;
	v29 =	vld.idx.msk [tilespmem:v43+s15+$0x0], $0xffff  }
0x168: {  	v9 =	vmul.f32 v59, v3;
	v40 =	vsel vm9, $0x1, v0;
	v24 =	vld.idx.msk [tilespmem:v43+s14+$0x0], $0xffff;
	v2 =	vadd.f32 v50, v2  }
0x169: {  	v48 =	vld.idx.msk [tilespmem:v25+s15+$0x0], $0xffff;
	v58 =	vsel vm11, $0x1, v0;
	vm13 =	vgt.f32 v16, v8;
	v6 =	vadd.f32 v26, v6  }
0x16a: {  	v31 =	vld.idx.msk [tilespmem:v25+s16+$0x0], $0xffff;
	v49 =	vsel vm10, $0x1, v0;
	vm12 =	vgt.f32 v12, v2;
	v2 =	vadd.f32 v56, v55  }
0x16b: {  	v27 =	vld.idx.msk [tilespmem:v38+s15+$0x0], $0xffff;
	v16 =	vsel vm13, $0x1, v0;
	v7 =	vadd.s32 v40, v49;
	v13 =	vmul.f32 v54, v4  }
0x16c: {  	v33 =	vld.idx.msk [tilespmem:v38+s16+$0x0], $0xffff;
	v3 =	vmul.f32 v63, v3;
	v38 =	vmul.f32 v29, v1;
	v2 =	vadd.f32 v60, v2  }
0x16d: {  	v25 =	vld [tilespmem:$0x10350];
	v7 =	vadd.s32 v58, v7;
	v12 =	vmul.f32 v61, v4;
	v4 =	vmul.f32 v24, v4  }
0x16e: {  	v11 =	vld.idx.msk [tilespmem:v11+s16+$0x0], $0xffff;
	v62 =	vsel vm12, $0x1, v0;
	vm14 =	vgt.f32 v35, v2;
	v2 =	vmul.f32 v48, v1  }
0x16f: {  	v46 =	vld [tilespmem:$0x100D0];
	v10 =	vadd.f32 v13, v28;
	v7 =	vadd.s32 v62, v7;
	v3 =	vadd.f32 v4, v3  }
0x170: {  	v36 =	vld.idx.msk [tilespmem:v43+s16+$0x0], $0xffff;
	v34 =	vadd.f32 v12, v9;
	v35 =	vmul.f32 v27, v1;
	v2 =	vadd.f32 v2, v6  }
0x171: {  	v57 =	vld [tilespmem:$0x10250];
	v7 =	vadd.s32 v16, v7;
	v37 =	vadd.f32 v32, v10;
	v3 =	vadd.f32 v38, v3  }
0x172: {  	v39 =	vld [tilespmem:$0x106C0];
	v30 =	vsel vm14, $0x1, v0;
	vm15 =	vgt.f32 v31, v2;
	v2 =	vadd.f32 v35, v34  }
0x173: {  	v53 =	vld [tilespmem:$0x101D0];
	vm4 =	vgt.f32 v11, v37;
	v7 =	vadd.s32 v30, v7;
	v40 =	vsel vm15, $0x1, v0  }
0x174: {  	v42 =	vsel vm4, $0x1, v0;
	v41 =	vadd.s32 v40, v7;
	vm5 =	vgt.f32 v33, v2;
	v2 =	vld [tilespmem:$0x10050]  }
0x175: {  	v49 =	vld [tilespmem:$0x10150];
	vm6 =	vgt.f32 v36, v3;
	v4 =	vadd.s32 v42, v41;
	v43 =	vsel vm5, $0x1, v0  }
0x176: {  	v61 =	vld [tilespmem:$0x102D0];
	v44 =	vsel vm6, $0x1, v0;
	v3 =	vadd.s32 v43, v4  }
0x177: {  	v45 =	vsub.f32 $0.0e+00, v39;
	v11 =	vld [tilespmem:$0x103D0];
	v3 =	vadd.s32 v44, v3  }
0x178: {  	v43 =	vld [tilespmem:$0x10450];
	vm7 =	vgt.u32 v3, $0x8  }
0x179: {  	v3 =	vld [tilespmem:$0x10550];
	v4 =	vsel vm7, v45, v39  }
0x17a: {  	v1 =	vmin.f32 v1, v4;
	v4 =	vld [tilespmem:$0x105D0]  }
0x17b: {  	[tilespmem:$0x10740] =	vst v1;
	v1 =	vld [tilespmem:$0x10650]  }
0x17c: {  	v47 =	vld.idx.msk [tilespmem:v2+s1+$0x0], $0xffff  }
0x17d: {  	v48 =	vld.idx.msk [tilespmem:v2+s14+$0x0], $0xffff  }
0x17e: {  	v50 =	vld.idx.msk [tilespmem:v2+s15+$0x0], $0xffff  }
0x17f: {  	v2 =	vld.idx.msk [tilespmem:v2+s16+$0x0], $0xffff  }
0x180: {  	v51 =	vld.idx.msk [tilespmem:v46+s1+$0x0], $0xffff  }
0x181: {  	v52 =	vld.idx.msk [tilespmem:v46+s14+$0x0], $0xffff  }
0x182: {  	v54 =	vld.idx.msk [tilespmem:v46+s15+$0x0], $0xffff  }
0x183: {  	v5 =	vld.idx.msk [tilespmem:v46+s16+$0x0], $0xffff  }
0x184: {  	v55 =	vld.idx.msk [tilespmem:v49+s1+$0x0], $0xffff  }
0x185: {  	v56 =	vld.idx.msk [tilespmem:v49+s14+$0x0], $0xffff  }
0x186: {  	v58 =	vld.idx.msk [tilespmem:v49+s15+$0x0], $0xffff  }
0x187: {  	v8 =	vld.idx.msk [tilespmem:v49+s16+$0x0], $0xffff  }
0x188: {  	v59 =	vld.idx.msk [tilespmem:v53+s1+$0x0], $0xffff  }
0x189: {  	v60 =	vld.idx.msk [tilespmem:v53+s14+$0x0], $0xffff  }
0x18a: {  	v62 =	vld.idx.msk [tilespmem:v53+s15+$0x0], $0xffff  }
0x18b: {  	v12 =	vld.idx.msk [tilespmem:v53+s16+$0x0], $0xffff  }
0x18c: {  	v63 =	vld.idx.msk [tilespmem:v57+s1+$0x0], $0xffff  }
0x18d: {  	v32 =	vld.idx.msk [tilespmem:v57+s14+$0x0], $0xffff  }
0x18e: {  	v33 =	vld.idx.msk [tilespmem:v57+s15+$0x0], $0xffff  }
0x18f: {  	v16 =	vld.idx.msk [tilespmem:v57+s16+$0x0], $0xffff  }
0x190: {  	v34 =	vld.idx.msk [tilespmem:v61+s1+$0x0], $0xffff  }
0x191: {  	v35 =	vld.idx.msk [tilespmem:v61+s14+$0x0], $0xffff;
	v6 =	vmul.f32 v47, v3;
	v7 =	vmul.f32 v48, v4  }
0x192: {  	v38 =	vld.idx.msk [tilespmem:v61+s15+$0x0], $0xffff;
	v9 =	vmul.f32 v50, v1;
	v36 =	vmul.f32 v51, v3  }
0x193: {  	v40 =	vld.idx.msk [tilespmem:v61+s16+$0x0], $0xffff;
	v37 =	vmul.f32 v52, v4;
	v39 =	vmul.f32 v54, v1  }
0x194: {  	v41 =	vmul.f32 v55, v3;
	v42 =	vmul.f32 v56, v4;
	v48 =	vld [tilespmem:$0x104D0];
	v6 =	vadd.f32 v7, v6  }
0x195: {  	v47 =	vmul.f32 v58, v1;
	v49 =	vmul.f32 v60, v4;
	v50 =	vld.idx.msk [tilespmem:v25+s14+$0x0], $0xffff  }
0x196: {  	v51 =	vmul.f32 v63, v3;
	v56 =	vld.idx.msk [tilespmem:v11+s1+$0x0], $0xffff;
	v7 =	vadd.f32 v37, v36;
	v6 =	vadd.f32 v9, v6  }
0x197: {  	v52 =	vmul.f32 v32, v4;
	v55 =	vmul.f32 v62, v1;
	v62 =	vld.idx.msk [tilespmem:v11+s15+$0x0], $0xffff  }
0x198: {  	v44 =	vld.idx.msk [tilespmem:v25+s1+$0x0], $0xffff;
	v58 =	vmul.f32 v33, v1;
	vm8 =	vgt.f32 v2, v6;
	v2 =	vadd.f32 v39, v7  }
0x199: {  	v24 =	vld.idx.msk [tilespmem:v43+s1+$0x0], $0xffff;
	v60 =	vmul.f32 v34, v3;
	v61 =	vmul.f32 v35, v4;
	v46 =	vadd.f32 v42, v41  }
0x19a: {  	v27 =	vld.idx.msk [tilespmem:v43+s14+$0x0], $0xffff;
	v26 =	vmul.f32 v38, v1;
	vm9 =	vgt.f32 v5, v2;
	v2 =	vmul.f32 v59, v3  }
0x19b: {  	v57 =	vadd.f32 v52, v51;
	v9 =	vadd.f32 v47, v46;
	v31 =	vmul.f32 v50, v4;
	v59 =	vld.idx.msk [tilespmem:v11+s14+$0x0], $0xffff  }
0x19c: {  	v33 =	vmul.f32 v56, v3;
	v37 =	vmul.f32 v62, v1;
	v29 =	vld.idx.msk [tilespmem:v48+s1+$0x0], $0xffff;
	v2 =	vadd.f32 v49, v2  }
0x19d: {  	vm10 =	vgt.f32 v8, v9;
	v8 =	vadd.f32 v58, v57;
	v6 =	vmul.f32 v44, v3;
	v34 =	vld.idx.msk [tilespmem:v48+s15+$0x0], $0xffff  }
0x19e: {  	v9 =	vmul.f32 v24, v3;
	v45 =	vsel vm8, $0x1, v0;
	v30 =	vld.idx.msk [tilespmem:v48+s14+$0x0], $0xffff;
	v2 =	vadd.f32 v55, v2  }
0x19f: {  	v53 =	vld.idx.msk [tilespmem:v25+s15+$0x0], $0xffff;
	v63 =	vsel vm10, $0x1, v0;
	vm12 =	vgt.f32 v16, v8;
	v6 =	vadd.f32 v31, v6  }
0x1a0: {  	v32 =	vld.idx.msk [tilespmem:v43+s15+$0x0], $0xffff;
	v54 =	vsel vm9, $0x1, v0;
	vm11 =	vgt.f32 v12, v2;
	v2 =	vadd.f32 v61, v60  }
0x1a1: {  	v38 =	vld.idx.msk [tilespmem:v43+s16+$0x0], $0xffff;
	v16 =	vsel vm12, $0x1, v0;
	v7 =	vadd.s32 v45, v54;
	v13 =	vmul.f32 v59, v4  }
0x1a2: {  	v36 =	vld.idx.msk [tilespmem:v25+s16+$0x0], $0xffff;
	v3 =	vmul.f32 v29, v3;
	v43 =	vmul.f32 v34, v1;
	v2 =	vadd.f32 v26, v2  }
0x1a3: {  	v51 =	vld [tilespmem:$0x100E0];
	v7 =	vadd.s32 v63, v7;
	v12 =	vmul.f32 v27, v4;
	v4 =	vmul.f32 v30, v4  }
0x1a4: {  	v11 =	vld.idx.msk [tilespmem:v11+s16+$0x0], $0xffff;
	v28 =	vsel vm11, $0x1, v0;
	vm13 =	vgt.f32 v40, v2;
	v2 =	vmul.f32 v53, v1  }
0x1a5: {  	v25 =	vld [tilespmem:$0x10360];
	v10 =	vadd.f32 v13, v33;
	v7 =	vadd.s32 v28, v7;
	v3 =	vadd.f32 v4, v3  }
0x1a6: {  	v41 =	vld.idx.msk [tilespmem:v48+s16+$0x0], $0xffff;
	v39 =	vadd.f32 v12, v9;
	v40 =	vmul.f32 v32, v1;
	v2 =	vadd.f32 v2, v6  }
0x1a7: {  	v62 =	vld [tilespmem:$0x10260];
	v7 =	vadd.s32 v16, v7;
	v42 =	vadd.f32 v37, v10;
	v3 =	vadd.f32 v43, v3  }
0x1a8: {  	v44 =	vld [tilespmem:$0x106D0];
	v35 =	vsel vm13, $0x1, v0;
	vm14 =	vgt.f32 v36, v2;
	v2 =	vadd.f32 v40, v39  }
0x1a9: {  	v58 =	vld [tilespmem:$0x101E0];
	vm15 =	vgt.f32 v11, v42;
	v7 =	vadd.s32 v35, v7;
	v45 =	vsel vm14, $0x1, v0  }
0x1aa: {  	v47 =	vsel vm15, $0x1, v0;
	v46 =	vadd.s32 v45, v7;
	vm4 =	vgt.f32 v38, v2;
	v2 =	vld [tilespmem:$0x10060]  }
0x1ab: {  	v54 =	vld [tilespmem:$0x10160];
	vm5 =	vgt.f32 v41, v3;
	v4 =	vadd.s32 v47, v46;
	v48 =	vsel vm4, $0x1, v0  }
0x1ac: {  	v34 =	vld [tilespmem:$0x102E0];
	v49 =	vsel vm5, $0x1, v0;
	v3 =	vadd.s32 v48, v4  }
0x1ad: {  	v50 =	vsub.f32 $0.0e+00, v44;
	v11 =	vld [tilespmem:$0x103E0];
	v3 =	vadd.s32 v49, v3  }
0x1ae: {  	v48 =	vld [tilespmem:$0x10460];
	vm6 =	vgt.u32 v3, $0x8  }
0x1af: {  	v3 =	vld [tilespmem:$0x10560];
	v4 =	vsel vm6, v50, v44  }
0x1b0: {  	v1 =	vmin.f32 v1, v4;
	v4 =	vld [tilespmem:$0x105E0]  }
0x1b1: {  	[tilespmem:$0x10750] =	vst v1;
	v1 =	vld [tilespmem:$0x10660]  }
0x1b2: {  	v52 =	vld.idx.msk [tilespmem:v2+s1+$0x0], $0xffff  }
0x1b3: {  	v53 =	vld.idx.msk [tilespmem:v2+s14+$0x0], $0xffff  }
0x1b4: {  	v55 =	vld.idx.msk [tilespmem:v2+s15+$0x0], $0xffff  }
0x1b5: {  	v2 =	vld.idx.msk [tilespmem:v2+s16+$0x0], $0xffff  }
0x1b6: {  	v56 =	vld.idx.msk [tilespmem:v51+s1+$0x0], $0xffff  }
0x1b7: {  	v57 =	vld.idx.msk [tilespmem:v51+s14+$0x0], $0xffff  }
0x1b8: {  	v59 =	vld.idx.msk [tilespmem:v51+s15+$0x0], $0xffff  }
0x1b9: {  	v5 =	vld.idx.msk [tilespmem:v51+s16+$0x0], $0xffff  }
0x1ba: {  	v60 =	vld.idx.msk [tilespmem:v54+s1+$0x0], $0xffff  }
0x1bb: {  	v61 =	vld.idx.msk [tilespmem:v54+s14+$0x0], $0xffff  }
0x1bc: {  	v63 =	vld.idx.msk [tilespmem:v54+s15+$0x0], $0xffff  }
0x1bd: {  	v8 =	vld.idx.msk [tilespmem:v54+s16+$0x0], $0xffff  }
0x1be: {  	v32 =	vld.idx.msk [tilespmem:v58+s1+$0x0], $0xffff  }
0x1bf: {  	v33 =	vld.idx.msk [tilespmem:v58+s14+$0x0], $0xffff  }
0x1c0: {  	v35 =	vld.idx.msk [tilespmem:v58+s15+$0x0], $0xffff  }
0x1c1: {  	v12 =	vld.idx.msk [tilespmem:v58+s16+$0x0], $0xffff  }
0x1c2: {  	v36 =	vld.idx.msk [tilespmem:v62+s1+$0x0], $0xffff  }
0x1c3: {  	v37 =	vld.idx.msk [tilespmem:v62+s14+$0x0], $0xffff  }
0x1c4: {  	v38 =	vld.idx.msk [tilespmem:v62+s15+$0x0], $0xffff  }
0x1c5: {  	v16 =	vld.idx.msk [tilespmem:v62+s16+$0x0], $0xffff  }
0x1c6: {  	v39 =	vld.idx.msk [tilespmem:v34+s1+$0x0], $0xffff  }
0x1c7: {  	v40 =	vld.idx.msk [tilespmem:v34+s14+$0x0], $0xffff  }
0x1c8: {  	v43 =	vld.idx.msk [tilespmem:v34+s15+$0x0], $0xffff;
	v6 =	vmul.f32 v52, v3;
	v7 =	vmul.f32 v53, v4  }
0x1c9: {  	v45 =	vld.idx.msk [tilespmem:v34+s16+$0x0], $0xffff;
	v9 =	vmul.f32 v55, v1;
	v41 =	vmul.f32 v56, v3  }
0x1ca: {  	v49 =	vld.idx.msk [tilespmem:v25+s1+$0x0], $0xffff;
	v42 =	vmul.f32 v57, v4;
	v44 =	vmul.f32 v59, v1  }
0x1cb: {  	v24 =	vld.idx.msk [tilespmem:v11+s14+$0x0], $0xffff;
	v46 =	vmul.f32 v60, v3;
	v47 =	vmul.f32 v61, v4;
	v6 =	vadd.f32 v7, v6  }
0x1cc: {  	v52 =	vmul.f32 v63, v1;
	v53 =	vld [tilespmem:$0x104E0];
	v54 =	vmul.f32 v33, v4  }
0x1cd: {  	v55 =	vld.idx.msk [tilespmem:v25+s14+$0x0], $0xffff;
	v56 =	vmul.f32 v36, v3;
	v7 =	vadd.f32 v42, v41;
	v6 =	vadd.f32 v9, v6  }
0x1ce: {  	v57 =	vmul.f32 v37, v4;
	v60 =	vmul.f32 v35, v1;
	v61 =	vld.idx.msk [tilespmem:v11+s1+$0x0], $0xffff  }
0x1cf: {  	v30 =	vmul.f32 v40, v4;
	v40 =	vld.idx.msk [tilespmem:v48+s15+$0x0], $0xffff;
	vm7 =	vgt.f32 v2, v6;
	v2 =	vadd.f32 v44, v7  }
0x1d0: {  	v63 =	vmul.f32 v38, v1;
	v29 =	vmul.f32 v39, v3;
	v33 =	vld.idx.msk [tilespmem:v48+s1+$0x0], $0xffff;
	v51 =	vadd.f32 v47, v46  }
0x1d1: {  	v58 =	vld.idx.msk [tilespmem:v25+s15+$0x0], $0xffff;
	v34 =	vmul.f32 v43, v1;
	vm8 =	vgt.f32 v5, v2;
	v2 =	vmul.f32 v32, v3  }
0x1d2: {  	v35 =	vld.idx.msk [tilespmem:v48+s14+$0x0], $0xffff;
	v13 =	vmul.f32 v24, v4;
	v62 =	vadd.f32 v57, v56;
	v9 =	vadd.f32 v52, v51  }
0x1d3: {  	v46 =	vld.idx.msk [tilespmem:v48+s16+$0x0], $0xffff;
	v39 =	vmul.f32 v55, v4;
	v41 =	vmul.f32 v61, v3;
	v2 =	vadd.f32 v54, v2  }
0x1d4: {  	v48 =	vmul.f32 v40, v1;
	vm9 =	vgt.f32 v8, v9;
	v8 =	vadd.f32 v63, v62;
	v37 =	vld.idx.msk [tilespmem:v53+s1+$0x0], $0xffff  }
0x1d5: {  	v6 =	vmul.f32 v49, v3;
	v9 =	vmul.f32 v33, v3;
	v38 =	vld.idx.msk [tilespmem:v53+s14+$0x0], $0xffff;
	v2 =	vadd.f32 v60, v2  }
0x1d6: {  	v50 =	vsel vm7, $0x1, v0;
	v10 =	vadd.f32 v13, v41;
	v32 =	vsel vm9, $0x1, v0;
	v42 =	vld.idx.msk [tilespmem:v53+s15+$0x0], $0xffff  }
0x1d7: {  	v31 =	vld.idx.msk [tilespmem:v11+s15+$0x0], $0xffff;
	vm11 =	vgt.f32 v16, v8;
	vm10 =	vgt.f32 v12, v2;
	v2 =	vadd.f32 v30, v29  }
0x1d8: {  	v6 =	vadd.f32 v39, v6;
	v59 =	vsel vm8, $0x1, v0;
	v16 =	vsel vm11, $0x1, v0  }
0x1d9: {  	v7 =	vadd.s32 v50, v59;
	v3 =	vmul.f32 v37, v3;
	v2 =	vadd.f32 v34, v2  }
0x1da: {  	v44 =	vld.idx.msk [tilespmem:v25+s16+$0x0], $0xffff;
	v7 =	vadd.s32 v32, v7;
	v12 =	vmul.f32 v35, v4;
	v4 =	vmul.f32 v38, v4  }
0x1db: {  	v11 =	vld.idx.msk [tilespmem:v11+s16+$0x0], $0xffff;
	v51 =	vmul.f32 v42, v1;
	vm12 =	vgt.f32 v45, v2;
	v2 =	vmul.f32 v58, v1  }
0x1dc: {  	v36 =	vsel vm10, $0x1, v0;
	v3 =	vadd.f32 v4, v3;
	v45 =	vmul.f32 v31, v1  }
0x1dd: {  	v49 =	vld.idx.msk [tilespmem:v53+s16+$0x0], $0xffff;
	v7 =	vadd.s32 v36, v7;
	v47 =	vadd.f32 v12, v9;
	v2 =	vadd.f32 v2, v6  }
0x1de: {  	v52 =	vld [tilespmem:$0x106E0];
	v7 =	vadd.s32 v16, v7;
	v3 =	vadd.f32 v51, v3;
	v50 =	vadd.f32 v45, v10  }
0x1df: {  	v62 =	vld [tilespmem:$0x10170];
	v43 =	vsel vm12, $0x1, v0;
	vm13 =	vgt.f32 v44, v2;
	v2 =	vadd.f32 v48, v47  }
0x1e0: {  	v33 =	vld [tilespmem:$0x101F0];
	v7 =	vadd.s32 v43, v7;
	vm14 =	vgt.f32 v11, v50;
	v53 =	vsel vm13, $0x1, v0  }
0x1e1: {  	v55 =	vsel vm14, $0x1, v0;
	v54 =	vadd.s32 v53, v7;
	vm15 =	vgt.f32 v46, v2;
	v2 =	vld [tilespmem:$0x10070]  }
0x1e2: {  	v41 =	vld [tilespmem:$0x102F0];
	vm4 =	vgt.f32 v49, v3;
	v4 =	vadd.s32 v55, v54;
	v56 =	vsel vm15, $0x1, v0  }
0x1e3: {  	v59 =	vld [tilespmem:$0x100F0];
	v57 =	vsel vm4, $0x1, v0;
	v3 =	vadd.s32 v56, v4  }
0x1e4: {  	v37 =	vld [tilespmem:$0x10270];
	v58 =	vsub.f32 $0.0e+00, v52;
	v3 =	vadd.s32 v57, v3  }
0x1e5: {  	v45 =	vld [tilespmem:$0x10370];
	vm5 =	vgt.u32 v3, $0x8  }
0x1e6: {  	v3 =	vld [tilespmem:$0x10570];
	v4 =	vsel vm5, v58, v52  }
0x1e7: {  	v1 =	vmin.f32 v1, v4;
	v4 =	vld [tilespmem:$0x105F0]  }
0x1e8: {  	[tilespmem:$0x10760] =	vst v1;
	v1 =	vld [tilespmem:$0x10670]  }
0x1e9: {  	v60 =	vld.idx.msk [tilespmem:v2+s1+$0x0], $0xffff  }
0x1ea: {  	v61 =	vld.idx.msk [tilespmem:v2+s14+$0x0], $0xffff  }
0x1eb: {  	v63 =	vld.idx.msk [tilespmem:v2+s15+$0x0], $0xffff  }
0x1ec: {  	v2 =	vld.idx.msk [tilespmem:v2+s16+$0x0], $0xffff  }
0x1ed: {  	v31 =	vld.idx.msk [tilespmem:v59+s1+$0x0], $0xffff  }
0x1ee: {  	v32 =	vld.idx.msk [tilespmem:v59+s14+$0x0], $0xffff  }
0x1ef: {  	v34 =	vld.idx.msk [tilespmem:v59+s15+$0x0], $0xffff  }
0x1f0: {  	v5 =	vld.idx.msk [tilespmem:v59+s16+$0x0], $0xffff  }
0x1f1: {  	v35 =	vld.idx.msk [tilespmem:v62+s1+$0x0], $0xffff  }
0x1f2: {  	v36 =	vld.idx.msk [tilespmem:v62+s14+$0x0], $0xffff  }
0x1f3: {  	v38 =	vld.idx.msk [tilespmem:v62+s15+$0x0], $0xffff  }
0x1f4: {  	v8 =	vld.idx.msk [tilespmem:v62+s16+$0x0], $0xffff  }
0x1f5: {  	v39 =	vld.idx.msk [tilespmem:v33+s1+$0x0], $0xffff  }
0x1f6: {  	v40 =	vld.idx.msk [tilespmem:v33+s14+$0x0], $0xffff  }
0x1f7: {  	v42 =	vld.idx.msk [tilespmem:v33+s15+$0x0], $0xffff  }
0x1f8: {  	v12 =	vld.idx.msk [tilespmem:v33+s16+$0x0], $0xffff  }
0x1f9: {  	v43 =	vld.idx.msk [tilespmem:v37+s1+$0x0], $0xffff  }
0x1fa: {  	v44 =	vld.idx.msk [tilespmem:v37+s14+$0x0], $0xffff  }
0x1fb: {  	v46 =	vld.idx.msk [tilespmem:v37+s15+$0x0], $0xffff  }
0x1fc: {  	v16 =	vld.idx.msk [tilespmem:v37+s16+$0x0], $0xffff  }
0x1fd: {  	v47 =	vld.idx.msk [tilespmem:v41+s1+$0x0], $0xffff  }
0x1fe: {  	v48 =	vld.idx.msk [tilespmem:v41+s14+$0x0], $0xffff;
	v6 =	vmul.f32 v60, v3;
	v7 =	vmul.f32 v61, v4  }
0x1ff: {  	v49 =	vld.idx.msk [tilespmem:v41+s15+$0x0], $0xffff;
	v10 =	vmul.f32 v31, v3;
	v11 =	vmul.f32 v32, v4  }
0x200: {  	v6 =	vadd.f32 v7, v6;
	v7 =	vld [tilespmem:$0x103F0]  }
0x201: {  	v52 =	vld.idx.msk [tilespmem:v45+s1+$0x0], $0xffff;
	v9 =	vmul.f32 v63, v1;
	v50 =	vmul.f32 v34, v1;
	v10 =	vadd.f32 v11, v10  }
0x202: {  	v56 =	vld.idx.msk [tilespmem:v45+s14+$0x0], $0xffff;
	v14 =	vmul.f32 v35, v3;
	v15 =	vmul.f32 v36, v4  }
0x203: {  	v55 =	vmul.f32 v38, v1;
	v6 =	vadd.f32 v9, v6;
	v53 =	vadd.f32 v50, v10;
	v10 =	vld [tilespmem:$0x10470]  }
0x204: {  	v58 =	vmul.f32 v39, v3;
	v59 =	vmul.f32 v40, v4;
	v60 =	vld.idx.msk [tilespmem:v45+s15+$0x0], $0xffff  }
0x205: {  	v62 =	vmul.f32 v42, v1;
	v63 =	vmul.f32 v43, v3;
	vm6 =	vgt.f32 v2, v6;
	v2 =	vld [tilespmem:$0x104F0]  }
0x206: {  	v51 =	vld.idx.msk [tilespmem:v41+s16+$0x0], $0xffff;
	v30 =	vmul.f32 v44, v4;
	v31 =	vmul.f32 v46, v1  }
0x207: {  	v29 =	vld.idx.msk [tilespmem:v45+s16+$0x0], $0xffff;
	v33 =	vmul.f32 v47, v3;
	v34 =	vmul.f32 v48, v4;
	v54 =	vadd.f32 v15, v14  }
0x208: {  	v36 =	vmul.f32 v52, v3;
	v15 =	vmul.f32 v56, v4;
	v32 =	vld.idx.msk [tilespmem:v7+s1+$0x0], $0xffff  }
0x209: {  	v38 =	vmul.f32 v49, v1;
	v57 =	vadd.f32 v55, v54;
	v9 =	vadd.f32 v34, v33;
	v35 =	vld.idx.msk [tilespmem:v7+s14+$0x0], $0xffff  }
0x20a: {  	v40 =	vadd.f32 v15, v36;
	v11 =	vmul.f32 v60, v1;
	vm1 =	vgt.f32 v5, v53;
	v37 =	vld.idx.msk [tilespmem:v7+s15+$0x0], $0xffff  }
0x20b: {  	vm7 =	vgt.f32 v8, v57;
	v6 =	vadd.f32 v59, v58;
	v5 =	vadd.f32 v30, v63;
	v39 =	vld.idx.msk [tilespmem:v10+s1+$0x0], $0xffff  }
0x20c: {  	v43 =	vadd.f32 v38, v9;
	v61 =	vsel vm6, $0x1, v0;
	v42 =	vsel vm1, $0x1, v0;
	v41 =	vld.idx.msk [tilespmem:v10+s14+$0x0], $0xffff  }
0x20d: {  	v45 =	vsel vm7, $0x1, v0;
	v46 =	vadd.f32 v11, v40;
	v6 =	vadd.f32 v62, v6;
	v44 =	vld.idx.msk [tilespmem:v2+s1+$0x0], $0xffff  }
0x20e: {  	v5 =	vadd.f32 v31, v5;
	vm10 =	vgt.f32 v51, v43;
	v14 =	vadd.s32 v61, v42;
	v47 =	vld.idx.msk [tilespmem:v2+s14+$0x0], $0xffff  }
0x20f: {  	v13 =	vsel vm10, $0x1, v0;
	vm11 =	vgt.f32 v29, v46;
	vm8 =	vgt.f32 v12, v6;
	v49 =	vld.idx.msk [tilespmem:v10+s15+$0x0], $0xffff  }
0x210: {  	vm9 =	vgt.f32 v16, v5;
	v12 =	vadd.s32 v45, v14;
	v51 =	vld.idx.msk [tilespmem:v2+s15+$0x0], $0xffff;
	v50 =	vmul.f32 v32, v3  }
0x211: {  	v48 =	vsel vm8, $0x1, v0;
	v52 =	vmul.f32 v35, v4;
	v55 =	vmul.f32 v37, v1  }
0x212: {  	v7 =	vld.idx.msk [tilespmem:v7+s16+$0x0], $0xffff;
	v16 =	vsel vm9, $0x1, v0;
	v53 =	vmul.f32 v39, v3;
	v54 =	vmul.f32 v41, v4  }
0x213: {  	v10 =	vld.idx.msk [tilespmem:v10+s16+$0x0], $0xffff;
	v5 =	vadd.f32 v52, v50;
	v3 =	vmul.f32 v44, v3;
	v4 =	vmul.f32 v47, v4  }
0x214: {  	v11 =	vadd.s32 v48, v12;
	v2 =	vld.idx.msk [tilespmem:v2+s16+$0x0], $0xffff;
	v6 =	vmul.f32 v49, v1;
	v9 =	vadd.f32 v54, v53  }
0x215: {  	v5 =	vadd.f32 v55, v5;
	v56 =	vmul.f32 v51, v1;
	v3 =	vadd.f32 v4, v3  }
0x216: {  	v59 =	vld [tilespmem:$0x106F0];
	v58 =	vsel vm11, $0x1, v0;
	v57 =	vadd.s32 v16, v11;
	v6 =	vadd.f32 v6, v9  }
0x217: {  	v60 =	vadd.s32 v13, v57;
	vm12 =	vgt.f32 v7, v5;
	v3 =	vadd.f32 v56, v3  }
0x218: {  	v61 =	vadd.s32 v58, v60;
	v62 =	vsel vm12, $0x1, v0;
	vm13 =	vgt.f32 v10, v6  }
0x219: {  	v4 =	vadd.s32 v62, v61;
	v63 =	vsel vm13, $0x1, v0;
	vm14 =	vgt.f32 v2, v3  }
0x21a: {  	v2 =	vadd.s32 v63, v4;
	v3 =	vsel vm14, $0x1, v0  }
0x21b: {  	v2 =	vadd.s32 v3, v2;
	v3 =	vsub.f32 $0.0e+00, v59  }
0x21c: {  	vm15 =	vgt.u32 v2, $0x8  }
0x21d: {  	v2 =	vsel vm15, v3, v59  }
0x21e: {  	p0 =	sne.s32 s12, $0x1;
	v1 =	vmin.f32 v1, v2  }
.Ltmp0:
0x21f: {  	[tilespmem:$0x10770] =	vst v1;
	(pc) =	sbr.rel @p0 .LBB2_1-.Ltmp0, $4  }
0x220: {  	[hbm4b:s11+s1] =	stream.linear.scatter [tilespmem:s0], [sflag:$0x1], $0x80, $0x38;
	[tilespmem:$0x10780] =	vst v63  }
0x221: {  	_ =	swait.ge [sflag:s13], $0x80  }
0x222: {  	[sflag:s13] =	ssyncset.done $0x0  }
0x223: {  	s12 =	sadd.s32 $0xFFFFFFFF, s12;
	[sflag:s13] =	ssyncadd.s32 $0xFFFFFF80  }
0x224: {  	_ =	sfence.sel $0x180000  }
0x225: {  	[bflag:$0x0] =	sbarrier.arrive $0xFFFF  }
0x226: {  	_ =	strace $0x90000047  }
0x227: {  	s0 =	stileid.u32;
	[bflag:$0x2] =	sbarrier.arrive $0xFFFF  }
0x228: {  	p0 =	sne.s32 s0, $0x0;
	s0 =	rddreg [dreg:$0x2]  }
0x229: {  	s0 =	sadd.s32 @!p0 $0x100000, s0  }
0x22a: {  	[sflag:s0] =	ssyncadd.tile.s32 @!p0 $0x1;
	_ =	shalt  }
.Lfunc_end2:
_tile_overlayer_lowered:
.L_overlay_start_2:
0x22b: {  	(tag) =	ssettag $0x2  }
0x22c: {  	s0 =	rddreg [dreg:$0x0];
	s2 =	stileid.u32  }
0x22d: {  	s1 =	rddreg [dreg:$0x1];
	p0 =	sne.s32 s2, $0x0  }
0x22e: {  	s3 =	rddreg [dreg:$0x2];
	[bflag:$0x3] =	sbarrier.arrive $0xFFFF;
	s2 =	simm.s32 @!p0 $0x1C01  }
0x22f: {  	[timem:s3], [sflag:s2] =	dma.local @!p0 [hbm:s0], s1  }
0x230: {  	s0 =	simm.s32 @!p0 $0x1  }
0x231: {  	_ =	swait.ge @!p0 [sflag:s0], s1  }
0x232: {  	s1 =	ssub.s32 @!p0 $0x0, s1;
	[sflag:s0] =	ssyncset.done @!p0 $0x0  }
0x233: {  	[sflag:s0] =	ssyncadd.s32 @!p0 s1  }
0x234: {  	[bflag:$0x3] =	sbarrier.arrive $0xFFFF  }
0x235: {  	_ =	shalt  }

</sc_bundles>
